<compile_context>
chip_gen: v7x
topology: tpu7x:2x2x1
jax: 0.10.2.dev20260603
libtpu: 0.0.44.dev20260713+nightly
codegen_flags: <defaults>
</compile_context>

<pallas_src>
import jax
import jax.numpy as jnp
from jax import lax
from jax.experimental import pallas as pl
from jax.experimental.pallas import tpu as pltpu
from jax.experimental.pallas import tpu_sc as plsc

H = 16
N = 2048
NP1 = N + 1
E = 131072
NTYPES = 65
NC = 2
NS = 16
NW = NC * NS
ROWS_PER_W = N // NW
CAP = 8192
CAP_ROW = 160
CH = 8192
NCH = E // CH
MARKER = 0x7F000000
SENT = NTYPES << 11


def _lane_shift(x, idx):
    dn = lax.GatherDimensionNumbers(
        offset_dims=(), collapsed_slice_dims=(0,), start_index_map=(0,))
    return lax.gather(x, idx[:, None], dn, slice_sizes=(1,),
                      mode=lax.GatherScatterMode.PROMISE_IN_BOUNDS)


def _sc_body(src_hbm, dst_hbm, typ_hbm, w_hbm, gt_hbm, out_hbm,
             src_v, dst_v, typ_v, table_v, gt_v, list_v, rowlist_v, counts_v,
             bufa_v, bufb_v, sema, semb):
    wid = lax.axis_index("s") * NC + lax.axis_index("c")
    lo = wid * ROWS_PER_W
    iota = lax.iota(jnp.int32, 16)
    zeros_f = jnp.zeros((16,), jnp.float32)
    zeros_i = jnp.zeros((16,), jnp.int32)

    pltpu.sync_copy(w_hbm, table_v.at[pl.ds(0, NTYPES * H)])
    table_v[pl.ds(NTYPES * H, 16)] = zeros_f
    pltpu.sync_copy(gt_hbm, gt_v)

    inval = jnp.full((16,), MARKER, jnp.int32)
    sent = jnp.full((16,), SENT, jnp.int32)

    def fill_list(i, carry):
        list_v[pl.ds(i * 16, 16)] = inval
        return carry

    lax.fori_loop(0, CAP // 16, fill_list, 0)

    def fill_rowlist(i, carry):
        rowlist_v[pl.ds(i * 16, 16)] = sent
        return carry

    lax.fori_loop(0, ROWS_PER_W * CAP_ROW // 16, fill_rowlist, 0)

    counts_v[pl.ds(0, 16)] = zeros_i
    counts_v[pl.ds(16, 16)] = zeros_i
    counts_v[pl.ds(32, 16)] = zeros_i
    counts_v[pl.ds(48, 16)] = zeros_i

    def chunk_body(c, base):
        pltpu.sync_copy(src_hbm.at[pl.ds(c * CH, CH)], src_v)
        pltpu.sync_copy(dst_hbm.at[pl.ds(c * CH, CH)], dst_v)
        pltpu.sync_copy(typ_hbm.at[pl.ds(c * CH, CH)], typ_v)

        def group_body(g, base):
            sv = src_v[pl.ds(g * 16, 16)]
            dv = dst_v[pl.ds(g * 16, 16)]
            tv = typ_v[pl.ds(g * 16, 16)]
            rloc = sv - lo
            mask = (rloc >= 0) & (rloc < ROWS_PER_W)
            packed = (rloc << 18) | (tv << 11) | dv
            pos = base + plsc.cumsum(mask.astype(jnp.int32)) - 1
            mask = mask & (pos < CAP)
            plsc.store_scatter(list_v, [pos], packed, mask=mask)
            return base + plsc.all_reduce_population_count(mask)

        return lax.fori_loop(0, CH // 16, group_body, base)

    lax.fori_loop(0, NCH, chunk_body, jnp.zeros((16,), jnp.int32))

    prev_idx = jnp.maximum(iota - 1, 0)
    next_idx = jnp.minimum(iota + 1, 15)

    def a2_body(g, carry):
        wv = list_v[pl.ds(g * 16, 16)]
        rv = wv >> 18
        payload = wv & 0x3FFFF
        rs, ps = plsc.sort_key_val(rv, payload)
        valid = rs < ROWS_PER_W
        rsc = jnp.minimum(rs, ROWS_PER_W - 1)
        prev = _lane_shift(rs, prev_idx)
        first = (iota == 0) | (rs != prev)
        runstart = plsc.cummax(jnp.where(first, iota, zeros_i))
        rank = iota - runstart
        base_cnt = plsc.load_gather(counts_v, [rsc])
        slot = base_cnt + rank
        ok = valid & (slot < CAP_ROW)
        plsc.store_scatter(rowlist_v, [rsc * CAP_ROW + slot], ps, mask=ok)
        nxt = _lane_shift(rs, next_idx)
        last = (iota == 15) | (rs != nxt)
        plsc.store_scatter(counts_v, [rsc], slot + 1, mask=ok & last)
        return carry

    lax.fori_loop(0, CAP // 16, a2_body, 0)

    gt_vec = gt_v[pl.ds(0, 16)]
    col2048 = jnp.full((16,), N, jnp.int32)

    for buf in (bufa_v, bufb_v):
        def zero_j(j, carry, buf=buf):
            for h in range(H):
                buf[h, pl.ds(j * 16, 16)] = zeros_f
            return carry

        lax.fori_loop(0, N // 16, zero_j, 0)
        plsc.store_scatter(buf, [iota, col2048], zeros_f)
        plsc.store_scatter(buf, [iota, zeros_i], gt_vec)

    def apply_edges(buf, r):
        def edge_group(gi, carry):
            wv = rowlist_v[pl.ds(r * CAP_ROW + gi * 16, 16)]
            for k in range(16):
                w = wv[k]
                d = w & 0x7FF
                t = w >> 11
                wrow = plsc.load_gather(table_v, [t * 16 + iota])
                col = jnp.broadcast_to(d + 1, (16,))
                plsc.addupdate_scatter(buf, [iota, col], wrow)
            return carry

        lax.fori_loop(0, CAP_ROW // 16, edge_group, 0)

    def restore_edges(buf, r):
        def edge_group(gi, carry):
            wv = rowlist_v[pl.ds(r * CAP_ROW + gi * 16, 16)]
            for k in range(16):
                w = wv[k]
                col = jnp.broadcast_to((w & 0x7FF) + 1, (16,))
                plsc.store_scatter(buf, [iota, col], zeros_f)
            return carry

        lax.fori_loop(0, CAP_ROW // 16, edge_group, 0)

    def row_pair(i, carry):
        @pl.when(i > 0)
        def _():
            pltpu.make_async_copy(bufa_v, out_hbm.at[:, 1, :], sema).wait()
            restore_edges(bufa_v, 2 * i - 2)

        apply_edges(bufa_v, 2 * i)
        pltpu.async_copy(bufa_v, out_hbm.at[:, 1 + lo + 2 * i, :], sema)

        @pl.when(i > 0)
        def _():
            pltpu.make_async_copy(bufb_v, out_hbm.at[:, 1, :], semb).wait()
            restore_edges(bufb_v, 2 * i - 1)

        apply_edges(bufb_v, 2 * i + 1)
        pltpu.async_copy(bufb_v, out_hbm.at[:, 2 + lo + 2 * i, :], semb)
        return carry

    lax.fori_loop(0, ROWS_PER_W // 2, row_pair, 0)
    pltpu.make_async_copy(bufa_v, out_hbm.at[:, 1, :], sema).wait()
    pltpu.make_async_copy(bufb_v, out_hbm.at[:, 1, :], semb).wait()

    @pl.when(wid == 0)
    def _():
        for h in range(H):
            sp = jnp.broadcast_to(gt_vec[h], (16,))

            def top_j(j, carry, h=h, sp=sp):
                bufa_v[h, pl.ds(j * 16, 16)] = sp
                return carry

            lax.fori_loop(0, N // 16, top_j, 0)
        plsc.store_scatter(bufa_v, [iota, col2048], gt_vec)
        pltpu.sync_copy(bufa_v, out_hbm.at[:, 0, :])


def kernel(spatial_types, graph_index, batch, spatial_weight, graph_token):
    del batch
    src = graph_index[0].astype(jnp.int32)
    dst = graph_index[1].astype(jnp.int32)
    typ = spatial_types.astype(jnp.int32)
    wtab = spatial_weight.reshape(-1).astype(jnp.float32)
    gt = graph_token.reshape(H).astype(jnp.float32)

    mesh = plsc.VectorSubcoreMesh(core_axis_name="c", subcore_axis_name="s")
    f = pl.kernel(
        _sc_body,
        out_type=jax.ShapeDtypeStruct((H, NP1, NP1), jnp.float32),
        mesh=mesh,
        compiler_params=pltpu.CompilerParams(use_tc_tiling_on_sc=False,
                                            needs_layout_passes=False),
        scratch_types=[
            pltpu.VMEM((CH,), jnp.int32),
            pltpu.VMEM((CH,), jnp.int32),
            pltpu.VMEM((CH,), jnp.int32),
            pltpu.VMEM(((NTYPES + 1) * H,), jnp.float32),
            pltpu.VMEM((H,), jnp.float32),
            pltpu.VMEM((CAP,), jnp.int32),
            pltpu.VMEM((ROWS_PER_W * CAP_ROW,), jnp.int32),
            pltpu.VMEM((ROWS_PER_W,), jnp.int32),
            pltpu.VMEM((H, NP1), jnp.float32),
            pltpu.VMEM((H, NP1), jnp.float32),
            pltpu.SemaphoreType.DMA,
            pltpu.SemaphoreType.DMA,
        ],
    )
    return f(src, dst, typ, wtab, gt)

# --- scband reference (transcript-rebuilt; emitter-appended) ---
"""Pipeline reference for scband-weighted-bias-encoder-73426760892669 (READ-ONLY COPY).

The authoritative reference and input builder live on the scoring server;
editing this copy changes nothing except your own understanding.
"""

import jax, jax.numpy as jnp
import numpy as np

NUM_HEADS = 16
NUM_SPATIAL = 64
N_NODES = 2048
N_EDGES = 131072


def setup_inputs(seed: int = 0) -> dict:
    key = jax.random.key(seed)
    k1, k2, k3, k4 = jax.random.split(key, 4)
    spatial_types = jax.random.randint(k1, (N_EDGES,), 0, NUM_SPATIAL + 1)
    graph_index = jax.random.randint(k2, (2, N_EDGES), 0, N_NODES)
    batch = jnp.zeros((N_NODES,), dtype=jnp.int32)
    # learned params: spatial embedding table [num_spatial_types+1, num_heads], graph token [1, H, 1]
    spatial_weight = jax.random.normal(k3, (NUM_SPATIAL + 1, NUM_HEADS), dtype=jnp.float32) * 0.02
    graph_token = jax.random.normal(k4, (1, NUM_HEADS, 1), dtype=jnp.float32) * 0.02
    return {
        "spatial_types": spatial_types,
        "graph_index": graph_index,
        "batch": batch,
        "spatial_weight": spatial_weight,
        "graph_token": graph_token,
    }


def reference(spatial_types, graph_index, batch, spatial_weight, graph_token):
    # spatial embedding lookup (gather): [E, H]
    emb = jnp.take(spatial_weight, spatial_types, axis=0)

    # --- to_dense_adj(graph_index, batch, emb) ---
    num_graphs = 1
    ones = jnp.ones_like(batch)
    num_nodes = jax.ops.segment_sum(ones, batch, num_segments=num_graphs)
    cum = jnp.concatenate([jnp.zeros((1,), dtype=num_nodes.dtype), jnp.cumsum(num_nodes)])
    node_offset = cum[batch]  # start offset of each node's graph
    src = graph_index[0]
    dst = graph_index[1]
    idx0 = batch[src]
    idx1 = src - node_offset[src]
    idx2 = dst - node_offset[dst]
    max_n = batch.shape[0]
    adj = jnp.zeros((num_graphs, max_n, max_n, emb.shape[-1]), dtype=emb.dtype)
    # scatter-add edge embeddings into dense adjacency [B, N, N, H]
    adj = adj.at[idx0, idx1, idx2].add(emb)

    # BATCH_HEAD_NODE_NODE permute -> [B, H, N, N]
    bias = jnp.transpose(adj, (0, 3, 1, 2))
    # INSERT_GRAPH_TOKEN = (1, 0, 1, 0): pad 1 at front of last two dims
    bias = jnp.pad(bias, ((0, 0), (0, 0), (1, 0), (1, 0)))
    B, H, N, _ = bias.shape
    # bias[:, :, 1:, 0] = graph_token ; graph_token [1, H, 1] broadcasts
    bias = bias.at[:, :, 1:, 0].set(jnp.broadcast_to(graph_token, (B, H, N - 1)))
    # bias[:, :, 0, :] = graph_token
    bias = bias.at[:, :, 0, :].set(jnp.broadcast_to(graph_token, (B, H, N)))
    attn_bias = bias.reshape(B * H, N, N)
    return attn_bias

if __name__ == "__main__":
    import jax
    _d = setup_inputs()
    print(jax.jit(kernel)(*tuple(_d.values())))

</pallas_src>

<mosaic_0001>
#map = affine_map<(d0, d1) -> (0)>
#map1 = affine_map<(d0, d1) -> (0, 0, 0)>
module attributes {stable_mosaic.version = 14 : i64} {
  func.func @_sc_body(%arg0: i32, %arg1: i32, %arg2: memref<131072xi32, #tpu.memory_space<hbm>>, %arg3: memref<131072xi32, #tpu.memory_space<hbm>>, %arg4: memref<131072xi32, #tpu.memory_space<hbm>>, %arg5: memref<1040xf32, #tpu.memory_space<hbm>>, %arg6: memref<16xf32, #tpu.memory_space<hbm>>, %arg7: memref<16x2049x2049xf32, #tpu.memory_space<hbm>>, %arg8: memref<8192xi32, #tpu.memory_space<vmem>>, %arg9: memref<8192xi32, #tpu.memory_space<vmem>>, %arg10: memref<8192xi32, #tpu.memory_space<vmem>>, %arg11: memref<1056xf32, #tpu.memory_space<vmem>>, %arg12: memref<16xf32, #tpu.memory_space<vmem>>, %arg13: memref<8192xi32, #tpu.memory_space<vmem>>, %arg14: memref<10240xi32, #tpu.memory_space<vmem>>, %arg15: memref<64xi32, #tpu.memory_space<vmem>>, %arg16: memref<16x2049xf32, #tpu.memory_space<vmem>>, %arg17: memref<16x2049xf32, #tpu.memory_space<vmem>>, %arg18: memref<!tpu.dma_semaphore, #tpu.memory_space<semaphore_mem>>, %arg19: memref<!tpu.dma_semaphore, #tpu.memory_space<semaphore_mem>>) attributes {dimension_semantics = [#tpu.dimension_semantics<core_parallel>, #tpu.dimension_semantics<subcore_parallel>], iteration_bounds = array<i64: 2, 16>, scalar_prefetch = 0 : i64, scratch_operands = 12 : i64, tpu.core_type = #tpu.core_type<sc_vector_subcore>, window_params = [{transform_indices = #map}, {transform_indices = #map}, {transform_indices = #map}, {transform_indices = #map}, {transform_indices = #map}, {transform_indices = #map1}]} {
    %mul3A = arith.constant 2 : i32
    %mul3A_0 = arith.muli %arg1, %mul3A : i32
    %add3A = arith.addi %mul3A_0, %arg0 : i32
    %mul3A_1 = arith.constant 64 : i32
    %mul3A_2 = arith.muli %add3A, %mul3A_1 : i32
    %iota3A = tpu.iota {dimensions = array<i32: 0>} : vector<16xi32>
    %broadcast_in_dim3A = arith.constant 0.000000e+00 : f32
    %broadcast_in_dim3A_3 = vector.broadcast %broadcast_in_dim3A : f32 to vector<16xf32>
    %broadcast_in_dim3A_4 = arith.constant 0 : i32
    %broadcast_in_dim3A_5 = vector.broadcast %broadcast_in_dim3A_4 : i32 to vector<16xi32>
    "tpu.region"() ({
      %run_scoped3A = tpu.sem_alloc : memref<!tpu.dma_semaphore, #tpu.memory_space<semaphore_mem>>
      %dma_start3A = arith.constant 0 : i32
      %dma_start3A_93 = tpu.memref_slice %arg11[%dma_start3A] : memref<1056xf32, #tpu.memory_space<vmem>> -> memref<1040xf32, #tpu.memory_space<vmem>>
      %dma_start3A_94 = arith.constant 0 : i32
      %dma_start3A_95 = tpu.memref_slice %arg11[%dma_start3A_94] : memref<1056xf32, #tpu.memory_space<vmem>> -> memref<1040xf32, #tpu.memory_space<vmem>>
      tpu.enqueue_dma source(%arg5 : memref<1040xf32, #tpu.memory_space<hbm>>) target(%dma_start3A_95 : memref<1040xf32, #tpu.memory_space<vmem>>) target_semaphore(%run_scoped3A : memref<!tpu.dma_semaphore, #tpu.memory_space<semaphore_mem>>)
      %dma_wait3A_96 = arith.constant 0 : i32
      %dma_wait3A_97 = tpu.memref_slice %arg11[%dma_wait3A_96] : memref<1056xf32, #tpu.memory_space<vmem>> -> memref<1040xf32, #tpu.memory_space<vmem>>
      %dma_wait3A_98 = arith.constant 0 : i32
      %dma_wait3A_99 = tpu.memref_slice %arg11[%dma_wait3A_98] : memref<1056xf32, #tpu.memory_space<vmem>> -> memref<1040xf32, #tpu.memory_space<vmem>>
      tpu.wait_dma2 semaphore(%run_scoped3A : memref<!tpu.dma_semaphore, #tpu.memory_space<semaphore_mem>>) src(%arg5 : memref<1040xf32, #tpu.memory_space<hbm>>) dst(%dma_wait3A_99 : memref<1040xf32, #tpu.memory_space<vmem>>)
      tpu.yield
    }) : () -> ()
    %swap3A = arith.constant 1040 : index
    %swap3A_6 = tpu.vector_load %arg11[%swap3A] {strides = array<i32>} : memref<1056xf32, #tpu.memory_space<vmem>>, vector<16xf32>,
    tpu.vector_store %arg11[%swap3A], %broadcast_in_dim3A_3 {strides = array<i32>} : memref<1056xf32, #tpu.memory_space<vmem>>, vector<16xf32>,
    "tpu.region"() ({
      %run_scoped3A = tpu.sem_alloc : memref<!tpu.dma_semaphore, #tpu.memory_space<semaphore_mem>>
      tpu.enqueue_dma source(%arg6 : memref<16xf32, #tpu.memory_space<hbm>>) target(%arg12 : memref<16xf32, #tpu.memory_space<vmem>>) target_semaphore(%run_scoped3A : memref<!tpu.dma_semaphore, #tpu.memory_space<semaphore_mem>>)
      tpu.wait_dma2 semaphore(%run_scoped3A : memref<!tpu.dma_semaphore, #tpu.memory_space<semaphore_mem>>) src(%arg6 : memref<16xf32, #tpu.memory_space<hbm>>) dst(%arg12 : memref<16xf32, #tpu.memory_space<vmem>>)
      tpu.yield
    }) : () -> ()
    %broadcast_in_dim3A_7 = arith.constant 2130706432 : i32
    %broadcast_in_dim3A_8 = vector.broadcast %broadcast_in_dim3A_7 : i32 to vector<16xi32>
    %broadcast_in_dim3A_9 = arith.constant 133120 : i32
    %broadcast_in_dim3A_10 = vector.broadcast %broadcast_in_dim3A_9 : i32 to vector<16xi32>
    %scan3A = arith.constant 0 : i32
    %scan3A_11 = arith.constant 0 : i32
    %scan3A_12 = arith.constant 512 : i32
    %scan3A_13 = arith.addi %scan3A_11, %scan3A_12 : i32
    %scan3A_14 = arith.constant 1 : i32
    scf.for %scan3A_93 = %scan3A_11 to %scan3A_13 step %scan3A_14  : i32 {
      %mul3A_94 = arith.constant 16 : i32
      %mul3A_95 = arith.muli %scan3A_93, %mul3A_94 : i32
      %swap3A_96 = arith.index_cast %mul3A_95 : i32 to index
      %swap3A_97 = tpu.vector_load %arg13[%swap3A_96] {strides = array<i32>} : memref<8192xi32, #tpu.memory_space<vmem>>, vector<16xi32>,
      tpu.vector_store %arg13[%swap3A_96], %broadcast_in_dim3A_8 {strides = array<i32>} : memref<8192xi32, #tpu.memory_space<vmem>>, vector<16xi32>,
    }
    %scan3A_15 = arith.constant 512 : i32
    %scan3A_16 = arith.constant 0 : i32
    %scan3A_17 = arith.constant 0 : i32
    %scan3A_18 = arith.constant 640 : i32
    %scan3A_19 = arith.addi %scan3A_17, %scan3A_18 : i32
    %scan3A_20 = arith.constant 1 : i32
    scf.for %scan3A_93 = %scan3A_17 to %scan3A_19 step %scan3A_20  : i32 {
      %mul3A_94 = arith.constant 16 : i32
      %mul3A_95 = arith.muli %scan3A_93, %mul3A_94 : i32
      %swap3A_96 = arith.index_cast %mul3A_95 : i32 to index
      %swap3A_97 = tpu.vector_load %arg14[%swap3A_96] {strides = array<i32>} : memref<10240xi32, #tpu.memory_space<vmem>>, vector<16xi32>,
      tpu.vector_store %arg14[%swap3A_96], %broadcast_in_dim3A_10 {strides = array<i32>} : memref<10240xi32, #tpu.memory_space<vmem>>, vector<16xi32>,
    }
    %scan3A_21 = arith.constant 640 : i32
    %swap3A_22 = arith.constant 0 : index
    %swap3A_23 = tpu.vector_load %arg15[%swap3A_22] {strides = array<i32>} : memref<64xi32, #tpu.memory_space<vmem>>, vector<16xi32>,
    tpu.vector_store %arg15[%swap3A_22], %broadcast_in_dim3A_5 {strides = array<i32>} : memref<64xi32, #tpu.memory_space<vmem>>, vector<16xi32>,
    %swap3A_24 = arith.constant 16 : index
    %swap3A_25 = tpu.vector_load %arg15[%swap3A_24] {strides = array<i32>} : memref<64xi32, #tpu.memory_space<vmem>>, vector<16xi32>,
    tpu.vector_store %arg15[%swap3A_24], %broadcast_in_dim3A_5 {strides = array<i32>} : memref<64xi32, #tpu.memory_space<vmem>>, vector<16xi32>,
    %swap3A_26 = arith.constant 32 : index
    %swap3A_27 = tpu.vector_load %arg15[%swap3A_26] {strides = array<i32>} : memref<64xi32, #tpu.memory_space<vmem>>, vector<16xi32>,
    tpu.vector_store %arg15[%swap3A_26], %broadcast_in_dim3A_5 {strides = array<i32>} : memref<64xi32, #tpu.memory_space<vmem>>, vector<16xi32>,
    %swap3A_28 = arith.constant 48 : index
    %swap3A_29 = tpu.vector_load %arg15[%swap3A_28] {strides = array<i32>} : memref<64xi32, #tpu.memory_space<vmem>>, vector<16xi32>,
    tpu.vector_store %arg15[%swap3A_28], %broadcast_in_dim3A_5 {strides = array<i32>} : memref<64xi32, #tpu.memory_space<vmem>>, vector<16xi32>,
    %broadcast_in_dim3A_30 = arith.constant 0 : i32
    %broadcast_in_dim3A_31 = vector.broadcast %broadcast_in_dim3A_30 : i32 to vector<16xi32>
    %scan3A_32 = arith.constant 0 : i32
    %scan3A_33 = arith.constant 16 : i32
    %scan3A_34 = arith.addi %scan3A_32, %scan3A_33 : i32
    %scan3A_35 = arith.constant 1 : i32
    %scan3A_36 = scf.for %scan3A_93 = %scan3A_32 to %scan3A_34 step %scan3A_35 iter_args(%scan3A_94 = %broadcast_in_dim3A_31) -> (vector<16xi32>)  : i32 {
      %mul3A_95 = arith.constant 8192 : i32
      %mul3A_96 = arith.muli %scan3A_93, %mul3A_95 : i32
      "tpu.region"() ({
        %run_scoped3A = tpu.sem_alloc : memref<!tpu.dma_semaphore, #tpu.memory_space<semaphore_mem>>
        %dma_start3A = tpu.memref_slice %arg2[%mul3A_96] : memref<131072xi32, #tpu.memory_space<hbm>> -> memref<8192xi32, #tpu.memory_space<hbm>>
        %dma_start3A_107 = tpu.memref_slice %arg2[%mul3A_96] : memref<131072xi32, #tpu.memory_space<hbm>> -> memref<8192xi32, #tpu.memory_space<hbm>>
        tpu.enqueue_dma source(%dma_start3A_107 : memref<8192xi32, #tpu.memory_space<hbm>>) target(%arg8 : memref<8192xi32, #tpu.memory_space<vmem>>) target_semaphore(%run_scoped3A : memref<!tpu.dma_semaphore, #tpu.memory_space<semaphore_mem>>)
        %dma_wait3A_108 = tpu.memref_slice %arg2[%mul3A_96] : memref<131072xi32, #tpu.memory_space<hbm>> -> memref<8192xi32, #tpu.memory_space<hbm>>
        %dma_wait3A_109 = tpu.memref_slice %arg2[%mul3A_96] : memref<131072xi32, #tpu.memory_space<hbm>> -> memref<8192xi32, #tpu.memory_space<hbm>>
        tpu.wait_dma2 semaphore(%run_scoped3A : memref<!tpu.dma_semaphore, #tpu.memory_space<semaphore_mem>>) src(%dma_wait3A_109 : memref<8192xi32, #tpu.memory_space<hbm>>) dst(%arg8 : memref<8192xi32, #tpu.memory_space<vmem>>)
        tpu.yield
      }) : () -> ()
      %mul3A_97 = arith.constant 8192 : i32
      %mul3A_98 = arith.muli %scan3A_93, %mul3A_97 : i32
      "tpu.region"() ({
        %run_scoped3A = tpu.sem_alloc : memref<!tpu.dma_semaphore, #tpu.memory_space<semaphore_mem>>
        %dma_start3A = tpu.memref_slice %arg3[%mul3A_98] : memref<131072xi32, #tpu.memory_space<hbm>> -> memref<8192xi32, #tpu.memory_space<hbm>>
        %dma_start3A_107 = tpu.memref_slice %arg3[%mul3A_98] : memref<131072xi32, #tpu.memory_space<hbm>> -> memref<8192xi32, #tpu.memory_space<hbm>>
        tpu.enqueue_dma source(%dma_start3A_107 : memref<8192xi32, #tpu.memory_space<hbm>>) target(%arg9 : memref<8192xi32, #tpu.memory_space<vmem>>) target_semaphore(%run_scoped3A : memref<!tpu.dma_semaphore, #tpu.memory_space<semaphore_mem>>)
        %dma_wait3A_108 = tpu.memref_slice %arg3[%mul3A_98] : memref<131072xi32, #tpu.memory_space<hbm>> -> memref<8192xi32, #tpu.memory_space<hbm>>
        %dma_wait3A_109 = tpu.memref_slice %arg3[%mul3A_98] : memref<131072xi32, #tpu.memory_space<hbm>> -> memref<8192xi32, #tpu.memory_space<hbm>>
        tpu.wait_dma2 semaphore(%run_scoped3A : memref<!tpu.dma_semaphore, #tpu.memory_space<semaphore_mem>>) src(%dma_wait3A_109 : memref<8192xi32, #tpu.memory_space<hbm>>) dst(%arg9 : memref<8192xi32, #tpu.memory_space<vmem>>)
        tpu.yield
      }) : () -> ()
      %mul3A_99 = arith.constant 8192 : i32
      %mul3A_100 = arith.muli %scan3A_93, %mul3A_99 : i32
      "tpu.region"() ({
        %run_scoped3A = tpu.sem_alloc : memref<!tpu.dma_semaphore, #tpu.memory_space<semaphore_mem>>
        %dma_start3A = tpu.memref_slice %arg4[%mul3A_100] : memref<131072xi32, #tpu.memory_space<hbm>> -> memref<8192xi32, #tpu.memory_space<hbm>>
        %dma_start3A_107 = tpu.memref_slice %arg4[%mul3A_100] : memref<131072xi32, #tpu.memory_space<hbm>> -> memref<8192xi32, #tpu.memory_space<hbm>>
        tpu.enqueue_dma source(%dma_start3A_107 : memref<8192xi32, #tpu.memory_space<hbm>>) target(%arg10 : memref<8192xi32, #tpu.memory_space<vmem>>) target_semaphore(%run_scoped3A : memref<!tpu.dma_semaphore, #tpu.memory_space<semaphore_mem>>)
        %dma_wait3A_108 = tpu.memref_slice %arg4[%mul3A_100] : memref<131072xi32, #tpu.memory_space<hbm>> -> memref<8192xi32, #tpu.memory_space<hbm>>
        %dma_wait3A_109 = tpu.memref_slice %arg4[%mul3A_100] : memref<131072xi32, #tpu.memory_space<hbm>> -> memref<8192xi32, #tpu.memory_space<hbm>>
        tpu.wait_dma2 semaphore(%run_scoped3A : memref<!tpu.dma_semaphore, #tpu.memory_space<semaphore_mem>>) src(%dma_wait3A_109 : memref<8192xi32, #tpu.memory_space<hbm>>) dst(%arg10 : memref<8192xi32, #tpu.memory_space<vmem>>)
        tpu.yield
      }) : () -> ()
      %scan3A_101 = arith.constant 0 : i32
      %scan3A_102 = arith.constant 512 : i32
      %scan3A_103 = arith.addi %scan3A_101, %scan3A_102 : i32
      %scan3A_104 = arith.constant 1 : i32
      %scan3A_105 = scf.for %scan3A_107 = %scan3A_101 to %scan3A_103 step %scan3A_104 iter_args(%scan3A_108 = %scan3A_94) -> (vector<16xi32>)  : i32 {
        %mul3A_109 = arith.constant 16 : i32
        %mul3A_110 = arith.muli %scan3A_107, %mul3A_109 : i32
        %get3A_111 = arith.index_cast %mul3A_110 : i32 to index
        %get3A_112 = tpu.vector_load %arg8[%get3A_111] {strides = array<i32>} : memref<8192xi32, #tpu.memory_space<vmem>>, vector<16xi32>,
        %mul3A_113 = arith.constant 16 : i32
        %mul3A_114 = arith.muli %scan3A_107, %mul3A_113 : i32
        %get3A_115 = arith.index_cast %mul3A_114 : i32 to index
        %get3A_116 = tpu.vector_load %arg9[%get3A_115] {strides = array<i32>} : memref<8192xi32, #tpu.memory_space<vmem>>, vector<16xi32>,
        %mul3A_117 = arith.constant 16 : i32
        %mul3A_118 = arith.muli %scan3A_107, %mul3A_117 : i32
        %get3A_119 = arith.index_cast %mul3A_118 : i32 to index
        %get3A_120 = tpu.vector_load %arg10[%get3A_119] {strides = array<i32>} : memref<8192xi32, #tpu.memory_space<vmem>>, vector<16xi32>,
        %sub3A_121 = vector.broadcast %mul3A_2 : i32 to vector<16xi32>
        %sub3A_122 = arith.subi %get3A_112, %sub3A_121 : vector<16xi32>
        %ge3A = arith.constant 0 : i32
        %ge3A_123 = vector.broadcast %ge3A : i32 to vector<16xi32>
        %ge3A_124 = arith.cmpi sge, %sub3A_122, %ge3A_123 : vector<16xi32>
        %lt3A = arith.constant 64 : i32
        %lt3A_125 = vector.broadcast %lt3A : i32 to vector<16xi32>
        %lt3A_126 = arith.cmpi slt, %sub3A_122, %lt3A_125 : vector<16xi32>
        %and3A = arith.andi %ge3A_124, %lt3A_126 : vector<16xi1>
        %shift_left3A = arith.constant 18 : i32
        %shift_left3A_127 = vector.broadcast %shift_left3A : i32 to vector<16xi32>
        %shift_left3A_128 = arith.shli %sub3A_122, %shift_left3A_127 : vector<16xi32>
        %shift_left3A_129 = arith.constant 11 : i32
        %shift_left3A_130 = vector.broadcast %shift_left3A_129 : i32 to vector<16xi32>
        %shift_left3A_131 = arith.shli %get3A_120, %shift_left3A_130 : vector<16xi32>
        %or3A = arith.ori %shift_left3A_128, %shift_left3A_131 : vector<16xi32>
        %or3A_132 = arith.ori %or3A, %get3A_116 : vector<16xi32>
        %convert_element_type3A_133 = arith.extui %and3A : vector<16xi1> to vector<16xi32>
        %broadcast_in_dim3A_134 = arith.constant true
        %broadcast_in_dim3A_135 = vector.broadcast %broadcast_in_dim3A_134 : i1 to vector<16xi1>
        %masked_cumsum3A = tpu.scan <sum>, %convert_element_type3A_133 masked %broadcast_in_dim3A_135 : vector<16xi32>, vector<16xi1> -> vector<16xi32>
        %add3A_136 = arith.addi %scan3A_108, %masked_cumsum3A : vector<16xi32>
        %sub3A_137 = arith.constant 1 : i32
        %sub3A_138 = vector.broadcast %sub3A_137 : i32 to vector<16xi32>
        %sub3A_139 = arith.subi %add3A_136, %sub3A_138 : vector<16xi32>
        %lt3A_140 = arith.constant 8192 : i32
        %lt3A_141 = vector.broadcast %lt3A_140 : i32 to vector<16xi32>
        %lt3A_142 = arith.cmpi slt, %sub3A_139, %lt3A_141 : vector<16xi32>
        %and3A_143 = arith.andi %and3A, %lt3A_142 : vector<16xi1>
        tpu.vector_store_idx %arg13[%sub3A_139], %or3A_132 masked %and3A_143 : memref<8192xi32, #tpu.memory_space<vmem>>[vector<16xi32>], vector<16xi32>, vector<16xi1>
        %all_reduce_population_count3A = tpu.all_reduce %and3A_143 {dim = 0 : i64, kind = #tpu.reduction_kind<sum>} : vector<16xi1> -> vector<16xi32>
        %add3A_144 = arith.addi %scan3A_108, %all_reduce_population_count3A : vector<16xi32>
        scf.yield %add3A_144 : vector<16xi32>
      }
      %scan3A_106 = arith.constant 512 : i32
      scf.yield %scan3A_105 : vector<16xi32>
    }
    %scan3A_37 = arith.constant 16 : i32
    %sub3A = arith.constant 1 : i32
    %sub3A_38 = vector.broadcast %sub3A : i32 to vector<16xi32>
    %sub3A_39 = arith.subi %iota3A, %sub3A_38 : vector<16xi32>
    %max3A = arith.constant 0 : i32
    %max3A_40 = vector.broadcast %max3A : i32 to vector<16xi32>
    %max3A_41 = arith.maxsi %sub3A_39, %max3A_40 : vector<16xi32>
    %add3A_42 = arith.constant 1 : i32
    %add3A_43 = vector.broadcast %add3A_42 : i32 to vector<16xi32>
    %add3A_44 = arith.addi %iota3A, %add3A_43 : vector<16xi32>
    %min3A = arith.constant 15 : i32
    %min3A_45 = vector.broadcast %min3A : i32 to vector<16xi32>
    %min3A_46 = arith.minsi %add3A_44, %min3A_45 : vector<16xi32>
    %scan3A_47 = arith.constant 0 : i32
    %scan3A_48 = arith.constant 0 : i32
    %scan3A_49 = arith.constant 512 : i32
    %scan3A_50 = arith.addi %scan3A_48, %scan3A_49 : i32
    %scan3A_51 = arith.constant 1 : i32
    scf.for %scan3A_93 = %scan3A_48 to %scan3A_50 step %scan3A_51  : i32 {
      %mul3A_94 = arith.constant 16 : i32
      %mul3A_95 = arith.muli %scan3A_93, %mul3A_94 : i32
      %get3A_96 = arith.index_cast %mul3A_95 : i32 to index
      %get3A_97 = tpu.vector_load %arg13[%get3A_96] {strides = array<i32>} : memref<8192xi32, #tpu.memory_space<vmem>>, vector<16xi32>,
      %shift_right_arithmetic3A = arith.constant 18 : i32
      %shift_right_arithmetic3A_98 = vector.broadcast %shift_right_arithmetic3A : i32 to vector<16xi32>
      %shift_right_arithmetic3A_99 = arith.shrsi %get3A_97, %shift_right_arithmetic3A_98 : vector<16xi32>
      %and3A = arith.constant 262143 : i32
      %and3A_100 = vector.broadcast %and3A : i32 to vector<16xi32>
      %and3A_101 = arith.andi %get3A_97, %and3A_100 : vector<16xi32>
      %masked_sort3A = arith.constant dense<true> : vector<16xi1>
      %masked_sort3A_102 = arith.constant -2147483648 : i32
      %masked_sort3A_103 = vector.broadcast %masked_sort3A_102 : i32 to vector<16xi32>
      %masked_sort3A_104 = arith.xori %shift_right_arithmetic3A_99, %masked_sort3A_103 : vector<16xi32>
      %masked_sort3A_105, %masked_sort3A_106, %masked_sort3A_107 = tpu.sort %masked_sort3A_104, %and3A_101 masked %masked_sort3A : (vector<16xi32>, vector<16xi32>, vector<16xi1>) -> (vector<16xi1>, vector<16xi32>, vector<16xi32>)
      %masked_sort3A_108 = arith.xori %masked_sort3A_106, %masked_sort3A_103 : vector<16xi32>
      %lt3A = arith.constant 64 : i32
      %lt3A_109 = vector.broadcast %lt3A : i32 to vector<16xi32>
      %lt3A_110 = arith.cmpi slt, %masked_sort3A_108, %lt3A_109 : vector<16xi32>
      %min3A_111 = arith.constant 63 : i32
      %min3A_112 = vector.broadcast %min3A_111 : i32 to vector<16xi32>
      %min3A_113 = arith.minsi %masked_sort3A_108, %min3A_112 : vector<16xi32>
      %broadcast_in_dim3A_114 = vector.shape_cast %max3A_41 : vector<16xi32> to vector<16x1xi32>
      %gather3A = vector.shape_cast %broadcast_in_dim3A_114 : vector<16x1xi32> to vector<16xi32>
      %gather3A_115 = tpu.dynamic_gather %masked_sort3A_108[%gather3A] in [0] : vector<16xi32>, vector<16xi32> -> vector<16xi32>
      %eq3A_116 = arith.constant 0 : i32
      %eq3A_117 = vector.broadcast %eq3A_116 : i32 to vector<16xi32>
      %eq3A_118 = arith.cmpi eq, %iota3A, %eq3A_117 : vector<16xi32>
      %ne3A = arith.cmpi ne, %masked_sort3A_108, %gather3A_115 : vector<16xi32>
      %or3A = arith.ori %eq3A_118, %ne3A : vector<16xi1>
      %select_n3A = arith.select %or3A, %iota3A, %broadcast_in_dim3A_5 : vector<16xi1>, vector<16xi32>
      %broadcast_in_dim3A_119 = arith.constant true
      %broadcast_in_dim3A_120 = vector.broadcast %broadcast_in_dim3A_119 : i1 to vector<16xi1>
      %masked_cummax3A = arith.constant -2147483648 : i32
      %masked_cummax3A_121 = vector.broadcast %masked_cummax3A : i32 to vector<16xi32>
      %masked_cummax3A_122 = arith.xori %select_n3A, %masked_cummax3A_121 : vector<16xi32>
      %masked_cummax3A_123 = tpu.scan <max>, %masked_cummax3A_122 masked %broadcast_in_dim3A_120 : vector<16xi32>, vector<16xi1> -> vector<16xi32>
      %masked_cummax3A_124 = arith.xori %masked_cummax3A_123, %masked_cummax3A_121 : vector<16xi32>
      %sub3A_125 = arith.subi %iota3A, %masked_cummax3A_124 : vector<16xi32>
      %gather3A_126 = tpu.vector_load_idx %arg15[%min3A_113] : memref<64xi32, #tpu.memory_space<vmem>>[vector<16xi32>], vector<16xi32>,
      %add3A_127 = arith.addi %gather3A_126, %sub3A_125 : vector<16xi32>
      %lt3A_128 = arith.constant 160 : i32
      %lt3A_129 = vector.broadcast %lt3A_128 : i32 to vector<16xi32>
      %lt3A_130 = arith.cmpi slt, %add3A_127, %lt3A_129 : vector<16xi32>
      %and3A_131 = arith.andi %lt3A_110, %lt3A_130 : vector<16xi1>
      %mul3A_132 = arith.constant 160 : i32
      %mul3A_133 = vector.broadcast %mul3A_132 : i32 to vector<16xi32>
      %mul3A_134 = arith.muli %min3A_113, %mul3A_133 : vector<16xi32>
      %add3A_135 = arith.addi %mul3A_134, %add3A_127 : vector<16xi32>
      tpu.vector_store_idx %arg14[%add3A_135], %masked_sort3A_107 masked %and3A_131 : memref<10240xi32, #tpu.memory_space<vmem>>[vector<16xi32>], vector<16xi32>, vector<16xi1>
      %broadcast_in_dim3A_136 = vector.shape_cast %min3A_46 : vector<16xi32> to vector<16x1xi32>
      %gather3A_137 = vector.shape_cast %broadcast_in_dim3A_136 : vector<16x1xi32> to vector<16xi32>
      %gather3A_138 = tpu.dynamic_gather %masked_sort3A_108[%gather3A_137] in [0] : vector<16xi32>, vector<16xi32> -> vector<16xi32>
      %eq3A_139 = arith.constant 15 : i32
      %eq3A_140 = vector.broadcast %eq3A_139 : i32 to vector<16xi32>
      %eq3A_141 = arith.cmpi eq, %iota3A, %eq3A_140 : vector<16xi32>
      %ne3A_142 = arith.cmpi ne, %masked_sort3A_108, %gather3A_138 : vector<16xi32>
      %or3A_143 = arith.ori %eq3A_141, %ne3A_142 : vector<16xi1>
      %add3A_144 = arith.constant 1 : i32
      %add3A_145 = vector.broadcast %add3A_144 : i32 to vector<16xi32>
      %add3A_146 = arith.addi %add3A_127, %add3A_145 : vector<16xi32>
      %and3A_147 = arith.andi %and3A_131, %or3A_143 : vector<16xi1>
      tpu.vector_store_idx %arg15[%min3A_113], %add3A_146 masked %and3A_147 : memref<64xi32, #tpu.memory_space<vmem>>[vector<16xi32>], vector<16xi32>, vector<16xi1>
    }
    %scan3A_52 = arith.constant 512 : i32
    %get3A = arith.constant 0 : index
    %get3A_53 = tpu.vector_load %arg12[%get3A] {strides = array<i32>} : memref<16xf32, #tpu.memory_space<vmem>>, vector<16xf32>,
    %broadcast_in_dim3A_54 = arith.constant 2048 : i32
    %broadcast_in_dim3A_55 = vector.broadcast %broadcast_in_dim3A_54 : i32 to vector<16xi32>
    %scan3A_56 = arith.constant 0 : i32
    %scan3A_57 = arith.constant 0 : i32
    %scan3A_58 = arith.constant 128 : i32
    %scan3A_59 = arith.addi %scan3A_57, %scan3A_58 : i32
    %scan3A_60 = arith.constant 1 : i32
    scf.for %scan3A_93 = %scan3A_57 to %scan3A_59 step %scan3A_60  : i32 {
      %mul3A_94 = arith.constant 16 : i32
      %mul3A_95 = arith.muli %scan3A_93, %mul3A_94 : i32
      %swap3A_96 = arith.constant 0 : i32
      %swap3A_97 = arith.index_cast %swap3A_96 : i32 to index
      %swap3A_98 = arith.index_cast %mul3A_95 : i32 to index
      %swap3A_99 = tpu.vector_load %arg16[%swap3A_97, %swap3A_98] {strides = array<i32>} : memref<16x2049xf32, #tpu.memory_space<vmem>>, vector<16xf32>,
      tpu.vector_store %arg16[%swap3A_97, %swap3A_98], %broadcast_in_dim3A_3 {strides = array<i32>} : memref<16x2049xf32, #tpu.memory_space<vmem>>, vector<16xf32>,
      %mul3A_100 = arith.constant 16 : i32
      %mul3A_101 = arith.muli %scan3A_93, %mul3A_100 : i32
      %swap3A_102 = arith.constant 1 : i32
      %swap3A_103 = arith.index_cast %swap3A_102 : i32 to index
      %swap3A_104 = arith.index_cast %mul3A_101 : i32 to index
      %swap3A_105 = tpu.vector_load %arg16[%swap3A_103, %swap3A_104] {strides = array<i32>} : memref<16x2049xf32, #tpu.memory_space<vmem>>, vector<16xf32>,
      tpu.vector_store %arg16[%swap3A_103, %swap3A_104], %broadcast_in_dim3A_3 {strides = array<i32>} : memref<16x2049xf32, #tpu.memory_space<vmem>>, vector<16xf32>,
      %mul3A_106 = arith.constant 16 : i32
      %mul3A_107 = arith.muli %scan3A_93, %mul3A_106 : i32
      %swap3A_108 = arith.constant 2 : i32
      %swap3A_109 = arith.index_cast %swap3A_108 : i32 to index
      %swap3A_110 = arith.index_cast %mul3A_107 : i32 to index
      %swap3A_111 = tpu.vector_load %arg16[%swap3A_109, %swap3A_110] {strides = array<i32>} : memref<16x2049xf32, #tpu.memory_space<vmem>>, vector<16xf32>,
      tpu.vector_store %arg16[%swap3A_109, %swap3A_110], %broadcast_in_dim3A_3 {strides = array<i32>} : memref<16x2049xf32, #tpu.memory_space<vmem>>, vector<16xf32>,
      %mul3A_112 = arith.constant 16 : i32
      %mul3A_113 = arith.muli %scan3A_93, %mul3A_112 : i32
      %swap3A_114 = arith.constant 3 : i32
      %swap3A_115 = arith.index_cast %swap3A_114 : i32 to index
      %swap3A_116 = arith.index_cast %mul3A_113 : i32 to index
      %swap3A_117 = tpu.vector_load %arg16[%swap3A_115, %swap3A_116] {strides = array<i32>} : memref<16x2049xf32, #tpu.memory_space<vmem>>, vector<16xf32>,
      tpu.vector_store %arg16[%swap3A_115, %swap3A_116], %broadcast_in_dim3A_3 {strides = array<i32>} : memref<16x2049xf32, #tpu.memory_space<vmem>>, vector<16xf32>,
      %mul3A_118 = arith.constant 16 : i32
      %mul3A_119 = arith.muli %scan3A_93, %mul3A_118 : i32
      %swap3A_120 = arith.constant 4 : i32
      %swap3A_121 = arith.index_cast %swap3A_120 : i32 to index
      %swap3A_122 = arith.index_cast %mul3A_119 : i32 to index
      %swap3A_123 = tpu.vector_load %arg16[%swap3A_121, %swap3A_122] {strides = array<i32>} : memref<16x2049xf32, #tpu.memory_space<vmem>>, vector<16xf32>,
      tpu.vector_store %arg16[%swap3A_121, %swap3A_122], %broadcast_in_dim3A_3 {strides = array<i32>} : memref<16x2049xf32, #tpu.memory_space<vmem>>, vector<16xf32>,
      %mul3A_124 = arith.constant 16 : i32
      %mul3A_125 = arith.muli %scan3A_93, %mul3A_124 : i32
      %swap3A_126 = arith.constant 5 : i32
      %swap3A_127 = arith.index_cast %swap3A_126 : i32 to index
      %swap3A_128 = arith.index_cast %mul3A_125 : i32 to index
      %swap3A_129 = tpu.vector_load %arg16[%swap3A_127, %swap3A_128] {strides = array<i32>} : memref<16x2049xf32, #tpu.memory_space<vmem>>, vector<16xf32>,
      tpu.vector_store %arg16[%swap3A_127, %swap3A_128], %broadcast_in_dim3A_3 {strides = array<i32>} : memref<16x2049xf32, #tpu.memory_space<vmem>>, vector<16xf32>,
      %mul3A_130 = arith.constant 16 : i32
      %mul3A_131 = arith.muli %scan3A_93, %mul3A_130 : i32
      %swap3A_132 = arith.constant 6 : i32
      %swap3A_133 = arith.index_cast %swap3A_132 : i32 to index
      %swap3A_134 = arith.index_cast %mul3A_131 : i32 to index
      %swap3A_135 = tpu.vector_load %arg16[%swap3A_133, %swap3A_134] {strides = array<i32>} : memref<16x2049xf32, #tpu.memory_space<vmem>>, vector<16xf32>,
      tpu.vector_store %arg16[%swap3A_133, %swap3A_134], %broadcast_in_dim3A_3 {strides = array<i32>} : memref<16x2049xf32, #tpu.memory_space<vmem>>, vector<16xf32>,
      %mul3A_136 = arith.constant 16 : i32
      %mul3A_137 = arith.muli %scan3A_93, %mul3A_136 : i32
      %swap3A_138 = arith.constant 7 : i32
      %swap3A_139 = arith.index_cast %swap3A_138 : i32 to index
      %swap3A_140 = arith.index_cast %mul3A_137 : i32 to index
      %swap3A_141 = tpu.vector_load %arg16[%swap3A_139, %swap3A_140] {strides = array<i32>} : memref<16x2049xf32, #tpu.memory_space<vmem>>, vector<16xf32>,
      tpu.vector_store %arg16[%swap3A_139, %swap3A_140], %broadcast_in_dim3A_3 {strides = array<i32>} : memref<16x2049xf32, #tpu.memory_space<vmem>>, vector<16xf32>,
      %mul3A_142 = arith.constant 16 : i32
      %mul3A_143 = arith.muli %scan3A_93, %mul3A_142 : i32
      %swap3A_144 = arith.constant 8 : i32
      %swap3A_145 = arith.index_cast %swap3A_144 : i32 to index
      %swap3A_146 = arith.index_cast %mul3A_143 : i32 to index
      %swap3A_147 = tpu.vector_load %arg16[%swap3A_145, %swap3A_146] {strides = array<i32>} : memref<16x2049xf32, #tpu.memory_space<vmem>>, vector<16xf32>,
      tpu.vector_store %arg16[%swap3A_145, %swap3A_146], %broadcast_in_dim3A_3 {strides = array<i32>} : memref<16x2049xf32, #tpu.memory_space<vmem>>, vector<16xf32>,
      %mul3A_148 = arith.constant 16 : i32
      %mul3A_149 = arith.muli %scan3A_93, %mul3A_148 : i32
      %swap3A_150 = arith.constant 9 : i32
      %swap3A_151 = arith.index_cast %swap3A_150 : i32 to index
      %swap3A_152 = arith.index_cast %mul3A_149 : i32 to index
      %swap3A_153 = tpu.vector_load %arg16[%swap3A_151, %swap3A_152] {strides = array<i32>} : memref<16x2049xf32, #tpu.memory_space<vmem>>, vector<16xf32>,
      tpu.vector_store %arg16[%swap3A_151, %swap3A_152], %broadcast_in_dim3A_3 {strides = array<i32>} : memref<16x2049xf32, #tpu.memory_space<vmem>>, vector<16xf32>,
      %mul3A_154 = arith.constant 16 : i32
      %mul3A_155 = arith.muli %scan3A_93, %mul3A_154 : i32
      %swap3A_156 = arith.constant 10 : i32
      %swap3A_157 = arith.index_cast %swap3A_156 : i32 to index
      %swap3A_158 = arith.index_cast %mul3A_155 : i32 to index
      %swap3A_159 = tpu.vector_load %arg16[%swap3A_157, %swap3A_158] {strides = array<i32>} : memref<16x2049xf32, #tpu.memory_space<vmem>>, vector<16xf32>,
      tpu.vector_store %arg16[%swap3A_157, %swap3A_158], %broadcast_in_dim3A_3 {strides = array<i32>} : memref<16x2049xf32, #tpu.memory_space<vmem>>, vector<16xf32>,
      %mul3A_160 = arith.constant 16 : i32
      %mul3A_161 = arith.muli %scan3A_93, %mul3A_160 : i32
      %swap3A_162 = arith.constant 11 : i32
      %swap3A_163 = arith.index_cast %swap3A_162 : i32 to index
      %swap3A_164 = arith.index_cast %mul3A_161 : i32 to index
      %swap3A_165 = tpu.vector_load %arg16[%swap3A_163, %swap3A_164] {strides = array<i32>} : memref<16x2049xf32, #tpu.memory_space<vmem>>, vector<16xf32>,
      tpu.vector_store %arg16[%swap3A_163, %swap3A_164], %broadcast_in_dim3A_3 {strides = array<i32>} : memref<16x2049xf32, #tpu.memory_space<vmem>>, vector<16xf32>,
      %mul3A_166 = arith.constant 16 : i32
      %mul3A_167 = arith.muli %scan3A_93, %mul3A_166 : i32
      %swap3A_168 = arith.constant 12 : i32
      %swap3A_169 = arith.index_cast %swap3A_168 : i32 to index
      %swap3A_170 = arith.index_cast %mul3A_167 : i32 to index
      %swap3A_171 = tpu.vector_load %arg16[%swap3A_169, %swap3A_170] {strides = array<i32>} : memref<16x2049xf32, #tpu.memory_space<vmem>>, vector<16xf32>,
      tpu.vector_store %arg16[%swap3A_169, %swap3A_170], %broadcast_in_dim3A_3 {strides = array<i32>} : memref<16x2049xf32, #tpu.memory_space<vmem>>, vector<16xf32>,
      %mul3A_172 = arith.constant 16 : i32
      %mul3A_173 = arith.muli %scan3A_93, %mul3A_172 : i32
      %swap3A_174 = arith.constant 13 : i32
      %swap3A_175 = arith.index_cast %swap3A_174 : i32 to index
      %swap3A_176 = arith.index_cast %mul3A_173 : i32 to index
      %swap3A_177 = tpu.vector_load %arg16[%swap3A_175, %swap3A_176] {strides = array<i32>} : memref<16x2049xf32, #tpu.memory_space<vmem>>, vector<16xf32>,
      tpu.vector_store %arg16[%swap3A_175, %swap3A_176], %broadcast_in_dim3A_3 {strides = array<i32>} : memref<16x2049xf32, #tpu.memory_space<vmem>>, vector<16xf32>,
      %mul3A_178 = arith.constant 16 : i32
      %mul3A_179 = arith.muli %scan3A_93, %mul3A_178 : i32
      %swap3A_180 = arith.constant 14 : i32
      %swap3A_181 = arith.index_cast %swap3A_180 : i32 to index
      %swap3A_182 = arith.index_cast %mul3A_179 : i32 to index
      %swap3A_183 = tpu.vector_load %arg16[%swap3A_181, %swap3A_182] {strides = array<i32>} : memref<16x2049xf32, #tpu.memory_space<vmem>>, vector<16xf32>,
      tpu.vector_store %arg16[%swap3A_181, %swap3A_182], %broadcast_in_dim3A_3 {strides = array<i32>} : memref<16x2049xf32, #tpu.memory_space<vmem>>, vector<16xf32>,
      %mul3A_184 = arith.constant 16 : i32
      %mul3A_185 = arith.muli %scan3A_93, %mul3A_184 : i32
      %swap3A_186 = arith.constant 15 : i32
      %swap3A_187 = arith.index_cast %swap3A_186 : i32 to index
      %swap3A_188 = arith.index_cast %mul3A_185 : i32 to index
      %swap3A_189 = tpu.vector_load %arg16[%swap3A_187, %swap3A_188] {strides = array<i32>} : memref<16x2049xf32, #tpu.memory_space<vmem>>, vector<16xf32>,
      tpu.vector_store %arg16[%swap3A_187, %swap3A_188], %broadcast_in_dim3A_3 {strides = array<i32>} : memref<16x2049xf32, #tpu.memory_space<vmem>>, vector<16xf32>,
    }
    %scan3A_61 = arith.constant 128 : i32
    tpu.vector_store_idx %arg16[%iota3A, %broadcast_in_dim3A_55], %broadcast_in_dim3A_3 : memref<16x2049xf32, #tpu.memory_space<vmem>>[vector<16xi32>, vector<16xi32>], vector<16xf32>,
    tpu.vector_store_idx %arg16[%iota3A, %broadcast_in_dim3A_5], %get3A_53 : memref<16x2049xf32, #tpu.memory_space<vmem>>[vector<16xi32>, vector<16xi32>], vector<16xf32>,
    %scan3A_62 = arith.constant 0 : i32
    %scan3A_63 = arith.constant 0 : i32
    %scan3A_64 = arith.constant 128 : i32
    %scan3A_65 = arith.addi %scan3A_63, %scan3A_64 : i32
    %scan3A_66 = arith.constant 1 : i32
    scf.for %scan3A_93 = %scan3A_63 to %scan3A_65 step %scan3A_66  : i32 {
      %mul3A_94 = arith.constant 16 : i32
      %mul3A_95 = arith.muli %scan3A_93, %mul3A_94 : i32
      %swap3A_96 = arith.constant 0 : i32
      %swap3A_97 = arith.index_cast %swap3A_96 : i32 to index
      %swap3A_98 = arith.index_cast %mul3A_95 : i32 to index
      %swap3A_99 = tpu.vector_load %arg17[%swap3A_97, %swap3A_98] {strides = array<i32>} : memref<16x2049xf32, #tpu.memory_space<vmem>>, vector<16xf32>,
      tpu.vector_store %arg17[%swap3A_97, %swap3A_98], %broadcast_in_dim3A_3 {strides = array<i32>} : memref<16x2049xf32, #tpu.memory_space<vmem>>, vector<16xf32>,
      %mul3A_100 = arith.constant 16 : i32
      %mul3A_101 = arith.muli %scan3A_93, %mul3A_100 : i32
      %swap3A_102 = arith.constant 1 : i32
      %swap3A_103 = arith.index_cast %swap3A_102 : i32 to index
      %swap3A_104 = arith.index_cast %mul3A_101 : i32 to index
      %swap3A_105 = tpu.vector_load %arg17[%swap3A_103, %swap3A_104] {strides = array<i32>} : memref<16x2049xf32, #tpu.memory_space<vmem>>, vector<16xf32>,
      tpu.vector_store %arg17[%swap3A_103, %swap3A_104], %broadcast_in_dim3A_3 {strides = array<i32>} : memref<16x2049xf32, #tpu.memory_space<vmem>>, vector<16xf32>,
      %mul3A_106 = arith.constant 16 : i32
      %mul3A_107 = arith.muli %scan3A_93, %mul3A_106 : i32
      %swap3A_108 = arith.constant 2 : i32
      %swap3A_109 = arith.index_cast %swap3A_108 : i32 to index
      %swap3A_110 = arith.index_cast %mul3A_107 : i32 to index
      %swap3A_111 = tpu.vector_load %arg17[%swap3A_109, %swap3A_110] {strides = array<i32>} : memref<16x2049xf32, #tpu.memory_space<vmem>>, vector<16xf32>,
      tpu.vector_store %arg17[%swap3A_109, %swap3A_110], %broadcast_in_dim3A_3 {strides = array<i32>} : memref<16x2049xf32, #tpu.memory_space<vmem>>, vector<16xf32>,
      %mul3A_112 = arith.constant 16 : i32
      %mul3A_113 = arith.muli %scan3A_93, %mul3A_112 : i32
      %swap3A_114 = arith.constant 3 : i32
      %swap3A_115 = arith.index_cast %swap3A_114 : i32 to index
      %swap3A_116 = arith.index_cast %mul3A_113 : i32 to index
      %swap3A_117 = tpu.vector_load %arg17[%swap3A_115, %swap3A_116] {strides = array<i32>} : memref<16x2049xf32, #tpu.memory_space<vmem>>, vector<16xf32>,
      tpu.vector_store %arg17[%swap3A_115, %swap3A_116], %broadcast_in_dim3A_3 {strides = array<i32>} : memref<16x2049xf32, #tpu.memory_space<vmem>>, vector<16xf32>,
      %mul3A_118 = arith.constant 16 : i32
      %mul3A_119 = arith.muli %scan3A_93, %mul3A_118 : i32
      %swap3A_120 = arith.constant 4 : i32
      %swap3A_121 = arith.index_cast %swap3A_120 : i32 to index
      %swap3A_122 = arith.index_cast %mul3A_119 : i32 to index
      %swap3A_123 = tpu.vector_load %arg17[%swap3A_121, %swap3A_122] {strides = array<i32>} : memref<16x2049xf32, #tpu.memory_space<vmem>>, vector<16xf32>,
      tpu.vector_store %arg17[%swap3A_121, %swap3A_122], %broadcast_in_dim3A_3 {strides = array<i32>} : memref<16x2049xf32, #tpu.memory_space<vmem>>, vector<16xf32>,
      %mul3A_124 = arith.constant 16 : i32
      %mul3A_125 = arith.muli %scan3A_93, %mul3A_124 : i32
      %swap3A_126 = arith.constant 5 : i32
      %swap3A_127 = arith.index_cast %swap3A_126 : i32 to index
      %swap3A_128 = arith.index_cast %mul3A_125 : i32 to index
      %swap3A_129 = tpu.vector_load %arg17[%swap3A_127, %swap3A_128] {strides = array<i32>} : memref<16x2049xf32, #tpu.memory_space<vmem>>, vector<16xf32>,
      tpu.vector_store %arg17[%swap3A_127, %swap3A_128], %broadcast_in_dim3A_3 {strides = array<i32>} : memref<16x2049xf32, #tpu.memory_space<vmem>>, vector<16xf32>,
      %mul3A_130 = arith.constant 16 : i32
      %mul3A_131 = arith.muli %scan3A_93, %mul3A_130 : i32
      %swap3A_132 = arith.constant 6 : i32
      %swap3A_133 = arith.index_cast %swap3A_132 : i32 to index
      %swap3A_134 = arith.index_cast %mul3A_131 : i32 to index
      %swap3A_135 = tpu.vector_load %arg17[%swap3A_133, %swap3A_134] {strides = array<i32>} : memref<16x2049xf32, #tpu.memory_space<vmem>>, vector<16xf32>,
      tpu.vector_store %arg17[%swap3A_133, %swap3A_134], %broadcast_in_dim3A_3 {strides = array<i32>} : memref<16x2049xf32, #tpu.memory_space<vmem>>, vector<16xf32>,
      %mul3A_136 = arith.constant 16 : i32
      %mul3A_137 = arith.muli %scan3A_93, %mul3A_136 : i32
      %swap3A_138 = arith.constant 7 : i32
      %swap3A_139 = arith.index_cast %swap3A_138 : i32 to index
      %swap3A_140 = arith.index_cast %mul3A_137 : i32 to index
      %swap3A_141 = tpu.vector_load %arg17[%swap3A_139, %swap3A_140] {strides = array<i32>} : memref<16x2049xf32, #tpu.memory_space<vmem>>, vector<16xf32>,
      tpu.vector_store %arg17[%swap3A_139, %swap3A_140], %broadcast_in_dim3A_3 {strides = array<i32>} : memref<16x2049xf32, #tpu.memory_space<vmem>>, vector<16xf32>,
      %mul3A_142 = arith.constant 16 : i32
      %mul3A_143 = arith.muli %scan3A_93, %mul3A_142 : i32
      %swap3A_144 = arith.constant 8 : i32
      %swap3A_145 = arith.index_cast %swap3A_144 : i32 to index
      %swap3A_146 = arith.index_cast %mul3A_143 : i32 to index
      %swap3A_147 = tpu.vector_load %arg17[%swap3A_145, %swap3A_146] {strides = array<i32>} : memref<16x2049xf32, #tpu.memory_space<vmem>>, vector<16xf32>,
      tpu.vector_store %arg17[%swap3A_145, %swap3A_146], %broadcast_in_dim3A_3 {strides = array<i32>} : memref<16x2049xf32, #tpu.memory_space<vmem>>, vector<16xf32>,
      %mul3A_148 = arith.constant 16 : i32
      %mul3A_149 = arith.muli %scan3A_93, %mul3A_148 : i32
      %swap3A_150 = arith.constant 9 : i32
      %swap3A_151 = arith.index_cast %swap3A_150 : i32 to index
      %swap3A_152 = arith.index_cast %mul3A_149 : i32 to index
      %swap3A_153 = tpu.vector_load %arg17[%swap3A_151, %swap3A_152] {strides = array<i32>} : memref<16x2049xf32, #tpu.memory_space<vmem>>, vector<16xf32>,
      tpu.vector_store %arg17[%swap3A_151, %swap3A_152], %broadcast_in_dim3A_3 {strides = array<i32>} : memref<16x2049xf32, #tpu.memory_space<vmem>>, vector<16xf32>,
      %mul3A_154 = arith.constant 16 : i32
      %mul3A_155 = arith.muli %scan3A_93, %mul3A_154 : i32
      %swap3A_156 = arith.constant 10 : i32
      %swap3A_157 = arith.index_cast %swap3A_156 : i32 to index
      %swap3A_158 = arith.index_cast %mul3A_155 : i32 to index
      %swap3A_159 = tpu.vector_load %arg17[%swap3A_157, %swap3A_158] {strides = array<i32>} : memref<16x2049xf32, #tpu.memory_space<vmem>>, vector<16xf32>,
      tpu.vector_store %arg17[%swap3A_157, %swap3A_158], %broadcast_in_dim3A_3 {strides = array<i32>} : memref<16x2049xf32, #tpu.memory_space<vmem>>, vector<16xf32>,
      %mul3A_160 = arith.constant 16 : i32
      %mul3A_161 = arith.muli %scan3A_93, %mul3A_160 : i32
      %swap3A_162 = arith.constant 11 : i32
      %swap3A_163 = arith.index_cast %swap3A_162 : i32 to index
      %swap3A_164 = arith.index_cast %mul3A_161 : i32 to index
      %swap3A_165 = tpu.vector_load %arg17[%swap3A_163, %swap3A_164] {strides = array<i32>} : memref<16x2049xf32, #tpu.memory_space<vmem>>, vector<16xf32>,
      tpu.vector_store %arg17[%swap3A_163, %swap3A_164], %broadcast_in_dim3A_3 {strides = array<i32>} : memref<16x2049xf32, #tpu.memory_space<vmem>>, vector<16xf32>,
      %mul3A_166 = arith.constant 16 : i32
      %mul3A_167 = arith.muli %scan3A_93, %mul3A_166 : i32
      %swap3A_168 = arith.constant 12 : i32
      %swap3A_169 = arith.index_cast %swap3A_168 : i32 to index
      %swap3A_170 = arith.index_cast %mul3A_167 : i32 to index
      %swap3A_171 = tpu.vector_load %arg17[%swap3A_169, %swap3A_170] {strides = array<i32>} : memref<16x2049xf32, #tpu.memory_space<vmem>>, vector<16xf32>,
      tpu.vector_store %arg17[%swap3A_169, %swap3A_170], %broadcast_in_dim3A_3 {strides = array<i32>} : memref<16x2049xf32, #tpu.memory_space<vmem>>, vector<16xf32>,
      %mul3A_172 = arith.constant 16 : i32
      %mul3A_173 = arith.muli %scan3A_93, %mul3A_172 : i32
      %swap3A_174 = arith.constant 13 : i32
      %swap3A_175 = arith.index_cast %swap3A_174 : i32 to index
      %swap3A_176 = arith.index_cast %mul3A_173 : i32 to index
      %swap3A_177 = tpu.vector_load %arg17[%swap3A_175, %swap3A_176] {strides = array<i32>} : memref<16x2049xf32, #tpu.memory_space<vmem>>, vector<16xf32>,
      tpu.vector_store %arg17[%swap3A_175, %swap3A_176], %broadcast_in_dim3A_3 {strides = array<i32>} : memref<16x2049xf32, #tpu.memory_space<vmem>>, vector<16xf32>,
      %mul3A_178 = arith.constant 16 : i32
      %mul3A_179 = arith.muli %scan3A_93, %mul3A_178 : i32
      %swap3A_180 = arith.constant 14 : i32
      %swap3A_181 = arith.index_cast %swap3A_180 : i32 to index
      %swap3A_182 = arith.index_cast %mul3A_179 : i32 to index
      %swap3A_183 = tpu.vector_load %arg17[%swap3A_181, %swap3A_182] {strides = array<i32>} : memref<16x2049xf32, #tpu.memory_space<vmem>>, vector<16xf32>,
      tpu.vector_store %arg17[%swap3A_181, %swap3A_182], %broadcast_in_dim3A_3 {strides = array<i32>} : memref<16x2049xf32, #tpu.memory_space<vmem>>, vector<16xf32>,
      %mul3A_184 = arith.constant 16 : i32
      %mul3A_185 = arith.muli %scan3A_93, %mul3A_184 : i32
      %swap3A_186 = arith.constant 15 : i32
      %swap3A_187 = arith.index_cast %swap3A_186 : i32 to index
      %swap3A_188 = arith.index_cast %mul3A_185 : i32 to index
      %swap3A_189 = tpu.vector_load %arg17[%swap3A_187, %swap3A_188] {strides = array<i32>} : memref<16x2049xf32, #tpu.memory_space<vmem>>, vector<16xf32>,
      tpu.vector_store %arg17[%swap3A_187, %swap3A_188], %broadcast_in_dim3A_3 {strides = array<i32>} : memref<16x2049xf32, #tpu.memory_space<vmem>>, vector<16xf32>,
    }
    %scan3A_67 = arith.constant 128 : i32
    tpu.vector_store_idx %arg17[%iota3A, %broadcast_in_dim3A_55], %broadcast_in_dim3A_3 : memref<16x2049xf32, #tpu.memory_space<vmem>>[vector<16xi32>, vector<16xi32>], vector<16xf32>,
    tpu.vector_store_idx %arg17[%iota3A, %broadcast_in_dim3A_5], %get3A_53 : memref<16x2049xf32, #tpu.memory_space<vmem>>[vector<16xi32>, vector<16xi32>], vector<16xf32>,
    %scan3A_68 = arith.constant 0 : i32
    %scan3A_69 = arith.constant 0 : i32
    %scan3A_70 = arith.constant 32 : i32
    %scan3A_71 = arith.addi %scan3A_69, %scan3A_70 : i32
    %scan3A_72 = arith.constant 1 : i32
    scf.for %scan3A_93 = %scan3A_69 to %scan3A_71 step %scan3A_72  : i32 {
      %gt3A = arith.constant 0 : i32
      %gt3A_94 = arith.cmpi sgt, %scan3A_93, %gt3A : i32
      %convert_element_type3A_95 = arith.extui %gt3A_94 : i1 to i32
      %cond3A_96 = arith.constant 0 : i32
      %cond3A_97 = arith.cmpi ne, %convert_element_type3A_95, %cond3A_96 : i32
      scf.if %cond3A_97 {
        %dma_wait3A_146 = arith.constant 1 : i32
        %dma_wait3A_147 = arith.constant 0 : i32
        %dma_wait3A_148 = arith.constant 0 : i32
        %dma_wait3A_149 = tpu.memref_slice %arg7[%dma_wait3A_147, %dma_wait3A_146, %dma_wait3A_148] : memref<16x2049x2049xf32, #tpu.memory_space<hbm>> -> memref<16x1x2049xf32, #tpu.memory_space<hbm>>
        %dma_wait3A_150 = tpu.memref_squeeze %dma_wait3A_149 : memref<16x1x2049xf32, #tpu.memory_space<hbm>> -> memref<16x2049xf32, #tpu.memory_space<hbm>>
        %dma_wait3A_151 = arith.constant 0 : i32
        %dma_wait3A_152 = arith.constant 0 : i32
        %dma_wait3A_153 = tpu.memref_slice %arg7[%dma_wait3A_151, %dma_wait3A_146, %dma_wait3A_152] : memref<16x2049x2049xf32, #tpu.memory_space<hbm>> -> memref<16x1x2049xf32, #tpu.memory_space<hbm>>
        %dma_wait3A_154 = tpu.memref_squeeze %dma_wait3A_153 : memref<16x1x2049xf32, #tpu.memory_space<hbm>> -> memref<16x2049xf32, #tpu.memory_space<hbm>>
        tpu.wait_dma2 semaphore(%arg18 : memref<!tpu.dma_semaphore, #tpu.memory_space<semaphore_mem>>) src(%arg16 : memref<16x2049xf32, #tpu.memory_space<vmem>>) dst(%dma_wait3A_154 : memref<16x2049xf32, #tpu.memory_space<hbm>>)
        %mul3A_155 = arith.constant 2 : i32
        %mul3A_156 = arith.muli %mul3A_155, %scan3A_93 : i32
        %sub3A_157 = arith.constant 2 : i32
        %sub3A_158 = arith.subi %mul3A_156, %sub3A_157 : i32
        %scan3A_159 = arith.constant 0 : i32
        %scan3A_160 = arith.constant 0 : i32
        %scan3A_161 = arith.constant 10 : i32
        %scan3A_162 = arith.addi %scan3A_160, %scan3A_161 : i32
        %scan3A_163 = arith.constant 1 : i32
        scf.for %scan3A_165 = %scan3A_160 to %scan3A_162 step %scan3A_163  : i32 {
          %mul3A_166 = arith.constant 160 : i32
          %mul3A_167 = arith.muli %sub3A_158, %mul3A_166 : i32
          %mul3A_168 = arith.constant 16 : i32
          %mul3A_169 = arith.muli %scan3A_165, %mul3A_168 : i32
          %add3A_170 = arith.addi %mul3A_167, %mul3A_169 : i32
          %get3A_171 = arith.index_cast %add3A_170 : i32 to index
          %get3A_172 = tpu.vector_load %arg14[%get3A_171] {strides = array<i32>} : memref<10240xi32, #tpu.memory_space<vmem>>, vector<16xi32>,
          %slice3A = vector.extract_strided_slice %get3A_172 {offsets = [0], sizes = [1], strides = [1]} : vector<16xi32> to vector<1xi32>
          %squeeze3A = vector.extract %slice3A[0] : i32 from vector<1xi32>
          %and3A = arith.constant 2047 : i32
          %and3A_173 = arith.andi %squeeze3A, %and3A : i32
          %add3A_174 = arith.constant 1 : i32
          %add3A_175 = arith.addi %and3A_173, %add3A_174 : i32
          %broadcast_in_dim3A_176 = vector.broadcast %add3A_175 : i32 to vector<16xi32>
          tpu.vector_store_idx %arg16[%iota3A, %broadcast_in_dim3A_176], %broadcast_in_dim3A_3 : memref<16x2049xf32, #tpu.memory_space<vmem>>[vector<16xi32>, vector<16xi32>], vector<16xf32>,
          %slice3A_177 = vector.extract_strided_slice %get3A_172 {offsets = [1], sizes = [1], strides = [1]} : vector<16xi32> to vector<1xi32>
          %squeeze3A_178 = vector.extract %slice3A_177[0] : i32 from vector<1xi32>
          %and3A_179 = arith.constant 2047 : i32
          %and3A_180 = arith.andi %squeeze3A_178, %and3A_179 : i32
          %add3A_181 = arith.constant 1 : i32
          %add3A_182 = arith.addi %and3A_180, %add3A_181 : i32
          %broadcast_in_dim3A_183 = vector.broadcast %add3A_182 : i32 to vector<16xi32>
          tpu.vector_store_idx %arg16[%iota3A, %broadcast_in_dim3A_183], %broadcast_in_dim3A_3 : memref<16x2049xf32, #tpu.memory_space<vmem>>[vector<16xi32>, vector<16xi32>], vector<16xf32>,
          %slice3A_184 = vector.extract_strided_slice %get3A_172 {offsets = [2], sizes = [1], strides = [1]} : vector<16xi32> to vector<1xi32>
          %squeeze3A_185 = vector.extract %slice3A_184[0] : i32 from vector<1xi32>
          %and3A_186 = arith.constant 2047 : i32
          %and3A_187 = arith.andi %squeeze3A_185, %and3A_186 : i32
          %add3A_188 = arith.constant 1 : i32
          %add3A_189 = arith.addi %and3A_187, %add3A_188 : i32
          %broadcast_in_dim3A_190 = vector.broadcast %add3A_189 : i32 to vector<16xi32>
          tpu.vector_store_idx %arg16[%iota3A, %broadcast_in_dim3A_190], %broadcast_in_dim3A_3 : memref<16x2049xf32, #tpu.memory_space<vmem>>[vector<16xi32>, vector<16xi32>], vector<16xf32>,
          %slice3A_191 = vector.extract_strided_slice %get3A_172 {offsets = [3], sizes = [1], strides = [1]} : vector<16xi32> to vector<1xi32>
          %squeeze3A_192 = vector.extract %slice3A_191[0] : i32 from vector<1xi32>
          %and3A_193 = arith.constant 2047 : i32
          %and3A_194 = arith.andi %squeeze3A_192, %and3A_193 : i32
          %add3A_195 = arith.constant 1 : i32
          %add3A_196 = arith.addi %and3A_194, %add3A_195 : i32
          %broadcast_in_dim3A_197 = vector.broadcast %add3A_196 : i32 to vector<16xi32>
          tpu.vector_store_idx %arg16[%iota3A, %broadcast_in_dim3A_197], %broadcast_in_dim3A_3 : memref<16x2049xf32, #tpu.memory_space<vmem>>[vector<16xi32>, vector<16xi32>], vector<16xf32>,
          %slice3A_198 = vector.extract_strided_slice %get3A_172 {offsets = [4], sizes = [1], strides = [1]} : vector<16xi32> to vector<1xi32>
          %squeeze3A_199 = vector.extract %slice3A_198[0] : i32 from vector<1xi32>
          %and3A_200 = arith.constant 2047 : i32
          %and3A_201 = arith.andi %squeeze3A_199, %and3A_200 : i32
          %add3A_202 = arith.constant 1 : i32
          %add3A_203 = arith.addi %and3A_201, %add3A_202 : i32
          %broadcast_in_dim3A_204 = vector.broadcast %add3A_203 : i32 to vector<16xi32>
          tpu.vector_store_idx %arg16[%iota3A, %broadcast_in_dim3A_204], %broadcast_in_dim3A_3 : memref<16x2049xf32, #tpu.memory_space<vmem>>[vector<16xi32>, vector<16xi32>], vector<16xf32>,
          %slice3A_205 = vector.extract_strided_slice %get3A_172 {offsets = [5], sizes = [1], strides = [1]} : vector<16xi32> to vector<1xi32>
          %squeeze3A_206 = vector.extract %slice3A_205[0] : i32 from vector<1xi32>
          %and3A_207 = arith.constant 2047 : i32
          %and3A_208 = arith.andi %squeeze3A_206, %and3A_207 : i32
          %add3A_209 = arith.constant 1 : i32
          %add3A_210 = arith.addi %and3A_208, %add3A_209 : i32
          %broadcast_in_dim3A_211 = vector.broadcast %add3A_210 : i32 to vector<16xi32>
          tpu.vector_store_idx %arg16[%iota3A, %broadcast_in_dim3A_211], %broadcast_in_dim3A_3 : memref<16x2049xf32, #tpu.memory_space<vmem>>[vector<16xi32>, vector<16xi32>], vector<16xf32>,
          %slice3A_212 = vector.extract_strided_slice %get3A_172 {offsets = [6], sizes = [1], strides = [1]} : vector<16xi32> to vector<1xi32>
          %squeeze3A_213 = vector.extract %slice3A_212[0] : i32 from vector<1xi32>
          %and3A_214 = arith.constant 2047 : i32
          %and3A_215 = arith.andi %squeeze3A_213, %and3A_214 : i32
          %add3A_216 = arith.constant 1 : i32
          %add3A_217 = arith.addi %and3A_215, %add3A_216 : i32
          %broadcast_in_dim3A_218 = vector.broadcast %add3A_217 : i32 to vector<16xi32>
          tpu.vector_store_idx %arg16[%iota3A, %broadcast_in_dim3A_218], %broadcast_in_dim3A_3 : memref<16x2049xf32, #tpu.memory_space<vmem>>[vector<16xi32>, vector<16xi32>], vector<16xf32>,
          %slice3A_219 = vector.extract_strided_slice %get3A_172 {offsets = [7], sizes = [1], strides = [1]} : vector<16xi32> to vector<1xi32>
          %squeeze3A_220 = vector.extract %slice3A_219[0] : i32 from vector<1xi32>
          %and3A_221 = arith.constant 2047 : i32
          %and3A_222 = arith.andi %squeeze3A_220, %and3A_221 : i32
          %add3A_223 = arith.constant 1 : i32
          %add3A_224 = arith.addi %and3A_222, %add3A_223 : i32
          %broadcast_in_dim3A_225 = vector.broadcast %add3A_224 : i32 to vector<16xi32>
          tpu.vector_store_idx %arg16[%iota3A, %broadcast_in_dim3A_225], %broadcast_in_dim3A_3 : memref<16x2049xf32, #tpu.memory_space<vmem>>[vector<16xi32>, vector<16xi32>], vector<16xf32>,
          %slice3A_226 = vector.extract_strided_slice %get3A_172 {offsets = [8], sizes = [1], strides = [1]} : vector<16xi32> to vector<1xi32>
          %squeeze3A_227 = vector.extract %slice3A_226[0] : i32 from vector<1xi32>
          %and3A_228 = arith.constant 2047 : i32
          %and3A_229 = arith.andi %squeeze3A_227, %and3A_228 : i32
          %add3A_230 = arith.constant 1 : i32
          %add3A_231 = arith.addi %and3A_229, %add3A_230 : i32
          %broadcast_in_dim3A_232 = vector.broadcast %add3A_231 : i32 to vector<16xi32>
          tpu.vector_store_idx %arg16[%iota3A, %broadcast_in_dim3A_232], %broadcast_in_dim3A_3 : memref<16x2049xf32, #tpu.memory_space<vmem>>[vector<16xi32>, vector<16xi32>], vector<16xf32>,
          %slice3A_233 = vector.extract_strided_slice %get3A_172 {offsets = [9], sizes = [1], strides = [1]} : vector<16xi32> to vector<1xi32>
          %squeeze3A_234 = vector.extract %slice3A_233[0] : i32 from vector<1xi32>
          %and3A_235 = arith.constant 2047 : i32
          %and3A_236 = arith.andi %squeeze3A_234, %and3A_235 : i32
          %add3A_237 = arith.constant 1 : i32
          %add3A_238 = arith.addi %and3A_236, %add3A_237 : i32
          %broadcast_in_dim3A_239 = vector.broadcast %add3A_238 : i32 to vector<16xi32>
          tpu.vector_store_idx %arg16[%iota3A, %broadcast_in_dim3A_239], %broadcast_in_dim3A_3 : memref<16x2049xf32, #tpu.memory_space<vmem>>[vector<16xi32>, vector<16xi32>], vector<16xf32>,
          %slice3A_240 = vector.extract_strided_slice %get3A_172 {offsets = [10], sizes = [1], strides = [1]} : vector<16xi32> to vector<1xi32>
          %squeeze3A_241 = vector.extract %slice3A_240[0] : i32 from vector<1xi32>
          %and3A_242 = arith.constant 2047 : i32
          %and3A_243 = arith.andi %squeeze3A_241, %and3A_242 : i32
          %add3A_244 = arith.constant 1 : i32
          %add3A_245 = arith.addi %and3A_243, %add3A_244 : i32
          %broadcast_in_dim3A_246 = vector.broadcast %add3A_245 : i32 to vector<16xi32>
          tpu.vector_store_idx %arg16[%iota3A, %broadcast_in_dim3A_246], %broadcast_in_dim3A_3 : memref<16x2049xf32, #tpu.memory_space<vmem>>[vector<16xi32>, vector<16xi32>], vector<16xf32>,
          %slice3A_247 = vector.extract_strided_slice %get3A_172 {offsets = [11], sizes = [1], strides = [1]} : vector<16xi32> to vector<1xi32>
          %squeeze3A_248 = vector.extract %slice3A_247[0] : i32 from vector<1xi32>
          %and3A_249 = arith.constant 2047 : i32
          %and3A_250 = arith.andi %squeeze3A_248, %and3A_249 : i32
          %add3A_251 = arith.constant 1 : i32
          %add3A_252 = arith.addi %and3A_250, %add3A_251 : i32
          %broadcast_in_dim3A_253 = vector.broadcast %add3A_252 : i32 to vector<16xi32>
          tpu.vector_store_idx %arg16[%iota3A, %broadcast_in_dim3A_253], %broadcast_in_dim3A_3 : memref<16x2049xf32, #tpu.memory_space<vmem>>[vector<16xi32>, vector<16xi32>], vector<16xf32>,
          %slice3A_254 = vector.extract_strided_slice %get3A_172 {offsets = [12], sizes = [1], strides = [1]} : vector<16xi32> to vector<1xi32>
          %squeeze3A_255 = vector.extract %slice3A_254[0] : i32 from vector<1xi32>
          %and3A_256 = arith.constant 2047 : i32
          %and3A_257 = arith.andi %squeeze3A_255, %and3A_256 : i32
          %add3A_258 = arith.constant 1 : i32
          %add3A_259 = arith.addi %and3A_257, %add3A_258 : i32
          %broadcast_in_dim3A_260 = vector.broadcast %add3A_259 : i32 to vector<16xi32>
          tpu.vector_store_idx %arg16[%iota3A, %broadcast_in_dim3A_260], %broadcast_in_dim3A_3 : memref<16x2049xf32, #tpu.memory_space<vmem>>[vector<16xi32>, vector<16xi32>], vector<16xf32>,
          %slice3A_261 = vector.extract_strided_slice %get3A_172 {offsets = [13], sizes = [1], strides = [1]} : vector<16xi32> to vector<1xi32>
          %squeeze3A_262 = vector.extract %slice3A_261[0] : i32 from vector<1xi32>
          %and3A_263 = arith.constant 2047 : i32
          %and3A_264 = arith.andi %squeeze3A_262, %and3A_263 : i32
          %add3A_265 = arith.constant 1 : i32
          %add3A_266 = arith.addi %and3A_264, %add3A_265 : i32
          %broadcast_in_dim3A_267 = vector.broadcast %add3A_266 : i32 to vector<16xi32>
          tpu.vector_store_idx %arg16[%iota3A, %broadcast_in_dim3A_267], %broadcast_in_dim3A_3 : memref<16x2049xf32, #tpu.memory_space<vmem>>[vector<16xi32>, vector<16xi32>], vector<16xf32>,
          %slice3A_268 = vector.extract_strided_slice %get3A_172 {offsets = [14], sizes = [1], strides = [1]} : vector<16xi32> to vector<1xi32>
          %squeeze3A_269 = vector.extract %slice3A_268[0] : i32 from vector<1xi32>
          %and3A_270 = arith.constant 2047 : i32
          %and3A_271 = arith.andi %squeeze3A_269, %and3A_270 : i32
          %add3A_272 = arith.constant 1 : i32
          %add3A_273 = arith.addi %and3A_271, %add3A_272 : i32
          %broadcast_in_dim3A_274 = vector.broadcast %add3A_273 : i32 to vector<16xi32>
          tpu.vector_store_idx %arg16[%iota3A, %broadcast_in_dim3A_274], %broadcast_in_dim3A_3 : memref<16x2049xf32, #tpu.memory_space<vmem>>[vector<16xi32>, vector<16xi32>], vector<16xf32>,
          %slice3A_275 = vector.extract_strided_slice %get3A_172 {offsets = [15], sizes = [1], strides = [1]} : vector<16xi32> to vector<1xi32>
          %squeeze3A_276 = vector.extract %slice3A_275[0] : i32 from vector<1xi32>
          %and3A_277 = arith.constant 2047 : i32
          %and3A_278 = arith.andi %squeeze3A_276, %and3A_277 : i32
          %add3A_279 = arith.constant 1 : i32
          %add3A_280 = arith.addi %and3A_278, %add3A_279 : i32
          %broadcast_in_dim3A_281 = vector.broadcast %add3A_280 : i32 to vector<16xi32>
          tpu.vector_store_idx %arg16[%iota3A, %broadcast_in_dim3A_281], %broadcast_in_dim3A_3 : memref<16x2049xf32, #tpu.memory_space<vmem>>[vector<16xi32>, vector<16xi32>], vector<16xf32>,
        }
        %scan3A_164 = arith.constant 10 : i32
      } else {
      }
      %mul3A_98 = arith.constant 2 : i32
      %mul3A_99 = arith.muli %mul3A_98, %scan3A_93 : i32
      %scan3A_100 = arith.constant 0 : i32
      %scan3A_101 = arith.constant 0 : i32
      %scan3A_102 = arith.constant 10 : i32
      %scan3A_103 = arith.addi %scan3A_101, %scan3A_102 : i32
      %scan3A_104 = arith.constant 1 : i32
      scf.for %scan3A_146 = %scan3A_101 to %scan3A_103 step %scan3A_104  : i32 {
        %mul3A_147 = arith.constant 160 : i32
        %mul3A_148 = arith.muli %mul3A_99, %mul3A_147 : i32
        %mul3A_149 = arith.constant 16 : i32
        %mul3A_150 = arith.muli %scan3A_146, %mul3A_149 : i32
        %add3A_151 = arith.addi %mul3A_148, %mul3A_150 : i32
        %get3A_152 = arith.index_cast %add3A_151 : i32 to index
        %get3A_153 = tpu.vector_load %arg14[%get3A_152] {strides = array<i32>} : memref<10240xi32, #tpu.memory_space<vmem>>, vector<16xi32>,
        %slice3A = vector.extract_strided_slice %get3A_153 {offsets = [0], sizes = [1], strides = [1]} : vector<16xi32> to vector<1xi32>
        %squeeze3A = vector.extract %slice3A[0] : i32 from vector<1xi32>
        %and3A = arith.constant 2047 : i32
        %and3A_154 = arith.andi %squeeze3A, %and3A : i32
        %shift_right_arithmetic3A = arith.constant 11 : i32
        %shift_right_arithmetic3A_155 = arith.shrsi %squeeze3A, %shift_right_arithmetic3A : i32
        %mul3A_156 = arith.constant 16 : i32
        %mul3A_157 = arith.muli %shift_right_arithmetic3A_155, %mul3A_156 : i32
        %add3A_158 = vector.broadcast %mul3A_157 : i32 to vector<16xi32>
        %add3A_159 = arith.addi %add3A_158, %iota3A : vector<16xi32>
        %gather3A = tpu.vector_load_idx %arg11[%add3A_159] : memref<1056xf32, #tpu.memory_space<vmem>>[vector<16xi32>], vector<16xf32>,
        %add3A_160 = arith.constant 1 : i32
        %add3A_161 = arith.addi %and3A_154, %add3A_160 : i32
        %broadcast_in_dim3A_162 = vector.broadcast %add3A_161 : i32 to vector<16xi32>
        tpu.vector_store_idx %arg16[%iota3A, %broadcast_in_dim3A_162], %gather3A {add = true} : memref<16x2049xf32, #tpu.memory_space<vmem>>[vector<16xi32>, vector<16xi32>], vector<16xf32>,
        %slice3A_163 = vector.extract_strided_slice %get3A_153 {offsets = [1], sizes = [1], strides = [1]} : vector<16xi32> to vector<1xi32>
        %squeeze3A_164 = vector.extract %slice3A_163[0] : i32 from vector<1xi32>
        %and3A_165 = arith.constant 2047 : i32
        %and3A_166 = arith.andi %squeeze3A_164, %and3A_165 : i32
        %shift_right_arithmetic3A_167 = arith.constant 11 : i32
        %shift_right_arithmetic3A_168 = arith.shrsi %squeeze3A_164, %shift_right_arithmetic3A_167 : i32
        %mul3A_169 = arith.constant 16 : i32
        %mul3A_170 = arith.muli %shift_right_arithmetic3A_168, %mul3A_169 : i32
        %add3A_171 = vector.broadcast %mul3A_170 : i32 to vector<16xi32>
        %add3A_172 = arith.addi %add3A_171, %iota3A : vector<16xi32>
        %gather3A_173 = tpu.vector_load_idx %arg11[%add3A_172] : memref<1056xf32, #tpu.memory_space<vmem>>[vector<16xi32>], vector<16xf32>,
        %add3A_174 = arith.constant 1 : i32
        %add3A_175 = arith.addi %and3A_166, %add3A_174 : i32
        %broadcast_in_dim3A_176 = vector.broadcast %add3A_175 : i32 to vector<16xi32>
        tpu.vector_store_idx %arg16[%iota3A, %broadcast_in_dim3A_176], %gather3A_173 {add = true} : memref<16x2049xf32, #tpu.memory_space<vmem>>[vector<16xi32>, vector<16xi32>], vector<16xf32>,
        %slice3A_177 = vector.extract_strided_slice %get3A_153 {offsets = [2], sizes = [1], strides = [1]} : vector<16xi32> to vector<1xi32>
        %squeeze3A_178 = vector.extract %slice3A_177[0] : i32 from vector<1xi32>
        %and3A_179 = arith.constant 2047 : i32
        %and3A_180 = arith.andi %squeeze3A_178, %and3A_179 : i32
        %shift_right_arithmetic3A_181 = arith.constant 11 : i32
        %shift_right_arithmetic3A_182 = arith.shrsi %squeeze3A_178, %shift_right_arithmetic3A_181 : i32
        %mul3A_183 = arith.constant 16 : i32
        %mul3A_184 = arith.muli %shift_right_arithmetic3A_182, %mul3A_183 : i32
        %add3A_185 = vector.broadcast %mul3A_184 : i32 to vector<16xi32>
        %add3A_186 = arith.addi %add3A_185, %iota3A : vector<16xi32>
        %gather3A_187 = tpu.vector_load_idx %arg11[%add3A_186] : memref<1056xf32, #tpu.memory_space<vmem>>[vector<16xi32>], vector<16xf32>,
        %add3A_188 = arith.constant 1 : i32
        %add3A_189 = arith.addi %and3A_180, %add3A_188 : i32
        %broadcast_in_dim3A_190 = vector.broadcast %add3A_189 : i32 to vector<16xi32>
        tpu.vector_store_idx %arg16[%iota3A, %broadcast_in_dim3A_190], %gather3A_187 {add = true} : memref<16x2049xf32, #tpu.memory_space<vmem>>[vector<16xi32>, vector<16xi32>], vector<16xf32>,
        %slice3A_191 = vector.extract_strided_slice %get3A_153 {offsets = [3], sizes = [1], strides = [1]} : vector<16xi32> to vector<1xi32>
        %squeeze3A_192 = vector.extract %slice3A_191[0] : i32 from vector<1xi32>
        %and3A_193 = arith.constant 2047 : i32
        %and3A_194 = arith.andi %squeeze3A_192, %and3A_193 : i32
        %shift_right_arithmetic3A_195 = arith.constant 11 : i32
        %shift_right_arithmetic3A_196 = arith.shrsi %squeeze3A_192, %shift_right_arithmetic3A_195 : i32
        %mul3A_197 = arith.constant 16 : i32
        %mul3A_198 = arith.muli %shift_right_arithmetic3A_196, %mul3A_197 : i32
        %add3A_199 = vector.broadcast %mul3A_198 : i32 to vector<16xi32>
        %add3A_200 = arith.addi %add3A_199, %iota3A : vector<16xi32>
        %gather3A_201 = tpu.vector_load_idx %arg11[%add3A_200] : memref<1056xf32, #tpu.memory_space<vmem>>[vector<16xi32>], vector<16xf32>,
        %add3A_202 = arith.constant 1 : i32
        %add3A_203 = arith.addi %and3A_194, %add3A_202 : i32
        %broadcast_in_dim3A_204 = vector.broadcast %add3A_203 : i32 to vector<16xi32>
        tpu.vector_store_idx %arg16[%iota3A, %broadcast_in_dim3A_204], %gather3A_201 {add = true} : memref<16x2049xf32, #tpu.memory_space<vmem>>[vector<16xi32>, vector<16xi32>], vector<16xf32>,
        %slice3A_205 = vector.extract_strided_slice %get3A_153 {offsets = [4], sizes = [1], strides = [1]} : vector<16xi32> to vector<1xi32>
        %squeeze3A_206 = vector.extract %slice3A_205[0] : i32 from vector<1xi32>
        %and3A_207 = arith.constant 2047 : i32
        %and3A_208 = arith.andi %squeeze3A_206, %and3A_207 : i32
        %shift_right_arithmetic3A_209 = arith.constant 11 : i32
        %shift_right_arithmetic3A_210 = arith.shrsi %squeeze3A_206, %shift_right_arithmetic3A_209 : i32
        %mul3A_211 = arith.constant 16 : i32
        %mul3A_212 = arith.muli %shift_right_arithmetic3A_210, %mul3A_211 : i32
        %add3A_213 = vector.broadcast %mul3A_212 : i32 to vector<16xi32>
        %add3A_214 = arith.addi %add3A_213, %iota3A : vector<16xi32>
        %gather3A_215 = tpu.vector_load_idx %arg11[%add3A_214] : memref<1056xf32, #tpu.memory_space<vmem>>[vector<16xi32>], vector<16xf32>,
        %add3A_216 = arith.constant 1 : i32
        %add3A_217 = arith.addi %and3A_208, %add3A_216 : i32
        %broadcast_in_dim3A_218 = vector.broadcast %add3A_217 : i32 to vector<16xi32>
        tpu.vector_store_idx %arg16[%iota3A, %broadcast_in_dim3A_218], %gather3A_215 {add = true} : memref<16x2049xf32, #tpu.memory_space<vmem>>[vector<16xi32>, vector<16xi32>], vector<16xf32>,
        %slice3A_219 = vector.extract_strided_slice %get3A_153 {offsets = [5], sizes = [1], strides = [1]} : vector<16xi32> to vector<1xi32>
        %squeeze3A_220 = vector.extract %slice3A_219[0] : i32 from vector<1xi32>
        %and3A_221 = arith.constant 2047 : i32
        %and3A_222 = arith.andi %squeeze3A_220, %and3A_221 : i32
        %shift_right_arithmetic3A_223 = arith.constant 11 : i32
        %shift_right_arithmetic3A_224 = arith.shrsi %squeeze3A_220, %shift_right_arithmetic3A_223 : i32
        %mul3A_225 = arith.constant 16 : i32
        %mul3A_226 = arith.muli %shift_right_arithmetic3A_224, %mul3A_225 : i32
        %add3A_227 = vector.broadcast %mul3A_226 : i32 to vector<16xi32>
        %add3A_228 = arith.addi %add3A_227, %iota3A : vector<16xi32>
        %gather3A_229 = tpu.vector_load_idx %arg11[%add3A_228] : memref<1056xf32, #tpu.memory_space<vmem>>[vector<16xi32>], vector<16xf32>,
        %add3A_230 = arith.constant 1 : i32
        %add3A_231 = arith.addi %and3A_222, %add3A_230 : i32
        %broadcast_in_dim3A_232 = vector.broadcast %add3A_231 : i32 to vector<16xi32>
        tpu.vector_store_idx %arg16[%iota3A, %broadcast_in_dim3A_232], %gather3A_229 {add = true} : memref<16x2049xf32, #tpu.memory_space<vmem>>[vector<16xi32>, vector<16xi32>], vector<16xf32>,
        %slice3A_233 = vector.extract_strided_slice %get3A_153 {offsets = [6], sizes = [1], strides = [1]} : vector<16xi32> to vector<1xi32>
        %squeeze3A_234 = vector.extract %slice3A_233[0] : i32 from vector<1xi32>
        %and3A_235 = arith.constant 2047 : i32
        %and3A_236 = arith.andi %squeeze3A_234, %and3A_235 : i32
        %shift_right_arithmetic3A_237 = arith.constant 11 : i32
        %shift_right_arithmetic3A_238 = arith.shrsi %squeeze3A_234, %shift_right_arithmetic3A_237 : i32
        %mul3A_239 = arith.constant 16 : i32
        %mul3A_240 = arith.muli %shift_right_arithmetic3A_238, %mul3A_239 : i32
        %add3A_241 = vector.broadcast %mul3A_240 : i32 to vector<16xi32>
        %add3A_242 = arith.addi %add3A_241, %iota3A : vector<16xi32>
        %gather3A_243 = tpu.vector_load_idx %arg11[%add3A_242] : memref<1056xf32, #tpu.memory_space<vmem>>[vector<16xi32>], vector<16xf32>,
        %add3A_244 = arith.constant 1 : i32
        %add3A_245 = arith.addi %and3A_236, %add3A_244 : i32
        %broadcast_in_dim3A_246 = vector.broadcast %add3A_245 : i32 to vector<16xi32>
        tpu.vector_store_idx %arg16[%iota3A, %broadcast_in_dim3A_246], %gather3A_243 {add = true} : memref<16x2049xf32, #tpu.memory_space<vmem>>[vector<16xi32>, vector<16xi32>], vector<16xf32>,
        %slice3A_247 = vector.extract_strided_slice %get3A_153 {offsets = [7], sizes = [1], strides = [1]} : vector<16xi32> to vector<1xi32>
        %squeeze3A_248 = vector.extract %slice3A_247[0] : i32 from vector<1xi32>
        %and3A_249 = arith.constant 2047 : i32
        %and3A_250 = arith.andi %squeeze3A_248, %and3A_249 : i32
        %shift_right_arithmetic3A_251 = arith.constant 11 : i32
        %shift_right_arithmetic3A_252 = arith.shrsi %squeeze3A_248, %shift_right_arithmetic3A_251 : i32
        %mul3A_253 = arith.constant 16 : i32
        %mul3A_254 = arith.muli %shift_right_arithmetic3A_252, %mul3A_253 : i32
        %add3A_255 = vector.broadcast %mul3A_254 : i32 to vector<16xi32>
        %add3A_256 = arith.addi %add3A_255, %iota3A : vector<16xi32>
        %gather3A_257 = tpu.vector_load_idx %arg11[%add3A_256] : memref<1056xf32, #tpu.memory_space<vmem>>[vector<16xi32>], vector<16xf32>,
        %add3A_258 = arith.constant 1 : i32
        %add3A_259 = arith.addi %and3A_250, %add3A_258 : i32
        %broadcast_in_dim3A_260 = vector.broadcast %add3A_259 : i32 to vector<16xi32>
        tpu.vector_store_idx %arg16[%iota3A, %broadcast_in_dim3A_260], %gather3A_257 {add = true} : memref<16x2049xf32, #tpu.memory_space<vmem>>[vector<16xi32>, vector<16xi32>], vector<16xf32>,
        %slice3A_261 = vector.extract_strided_slice %get3A_153 {offsets = [8], sizes = [1], strides = [1]} : vector<16xi32> to vector<1xi32>
        %squeeze3A_262 = vector.extract %slice3A_261[0] : i32 from vector<1xi32>
        %and3A_263 = arith.constant 2047 : i32
        %and3A_264 = arith.andi %squeeze3A_262, %and3A_263 : i32
        %shift_right_arithmetic3A_265 = arith.constant 11 : i32
        %shift_right_arithmetic3A_266 = arith.shrsi %squeeze3A_262, %shift_right_arithmetic3A_265 : i32
        %mul3A_267 = arith.constant 16 : i32
        %mul3A_268 = arith.muli %shift_right_arithmetic3A_266, %mul3A_267 : i32
        %add3A_269 = vector.broadcast %mul3A_268 : i32 to vector<16xi32>
        %add3A_270 = arith.addi %add3A_269, %iota3A : vector<16xi32>
        %gather3A_271 = tpu.vector_load_idx %arg11[%add3A_270] : memref<1056xf32, #tpu.memory_space<vmem>>[vector<16xi32>], vector<16xf32>,
        %add3A_272 = arith.constant 1 : i32
        %add3A_273 = arith.addi %and3A_264, %add3A_272 : i32
        %broadcast_in_dim3A_274 = vector.broadcast %add3A_273 : i32 to vector<16xi32>
        tpu.vector_store_idx %arg16[%iota3A, %broadcast_in_dim3A_274], %gather3A_271 {add = true} : memref<16x2049xf32, #tpu.memory_space<vmem>>[vector<16xi32>, vector<16xi32>], vector<16xf32>,
        %slice3A_275 = vector.extract_strided_slice %get3A_153 {offsets = [9], sizes = [1], strides = [1]} : vector<16xi32> to vector<1xi32>
        %squeeze3A_276 = vector.extract %slice3A_275[0] : i32 from vector<1xi32>
        %and3A_277 = arith.constant 2047 : i32
        %and3A_278 = arith.andi %squeeze3A_276, %and3A_277 : i32
        %shift_right_arithmetic3A_279 = arith.constant 11 : i32
        %shift_right_arithmetic3A_280 = arith.shrsi %squeeze3A_276, %shift_right_arithmetic3A_279 : i32
        %mul3A_281 = arith.constant 16 : i32
        %mul3A_282 = arith.muli %shift_right_arithmetic3A_280, %mul3A_281 : i32
        %add3A_283 = vector.broadcast %mul3A_282 : i32 to vector<16xi32>
        %add3A_284 = arith.addi %add3A_283, %iota3A : vector<16xi32>
        %gather3A_285 = tpu.vector_load_idx %arg11[%add3A_284] : memref<1056xf32, #tpu.memory_space<vmem>>[vector<16xi32>], vector<16xf32>,
        %add3A_286 = arith.constant 1 : i32
        %add3A_287 = arith.addi %and3A_278, %add3A_286 : i32
        %broadcast_in_dim3A_288 = vector.broadcast %add3A_287 : i32 to vector<16xi32>
        tpu.vector_store_idx %arg16[%iota3A, %broadcast_in_dim3A_288], %gather3A_285 {add = true} : memref<16x2049xf32, #tpu.memory_space<vmem>>[vector<16xi32>, vector<16xi32>], vector<16xf32>,
        %slice3A_289 = vector.extract_strided_slice %get3A_153 {offsets = [10], sizes = [1], strides = [1]} : vector<16xi32> to vector<1xi32>
        %squeeze3A_290 = vector.extract %slice3A_289[0] : i32 from vector<1xi32>
        %and3A_291 = arith.constant 2047 : i32
        %and3A_292 = arith.andi %squeeze3A_290, %and3A_291 : i32
        %shift_right_arithmetic3A_293 = arith.constant 11 : i32
        %shift_right_arithmetic3A_294 = arith.shrsi %squeeze3A_290, %shift_right_arithmetic3A_293 : i32
        %mul3A_295 = arith.constant 16 : i32
        %mul3A_296 = arith.muli %shift_right_arithmetic3A_294, %mul3A_295 : i32
        %add3A_297 = vector.broadcast %mul3A_296 : i32 to vector<16xi32>
        %add3A_298 = arith.addi %add3A_297, %iota3A : vector<16xi32>
        %gather3A_299 = tpu.vector_load_idx %arg11[%add3A_298] : memref<1056xf32, #tpu.memory_space<vmem>>[vector<16xi32>], vector<16xf32>,
        %add3A_300 = arith.constant 1 : i32
        %add3A_301 = arith.addi %and3A_292, %add3A_300 : i32
        %broadcast_in_dim3A_302 = vector.broadcast %add3A_301 : i32 to vector<16xi32>
        tpu.vector_store_idx %arg16[%iota3A, %broadcast_in_dim3A_302], %gather3A_299 {add = true} : memref<16x2049xf32, #tpu.memory_space<vmem>>[vector<16xi32>, vector<16xi32>], vector<16xf32>,
        %slice3A_303 = vector.extract_strided_slice %get3A_153 {offsets = [11], sizes = [1], strides = [1]} : vector<16xi32> to vector<1xi32>
        %squeeze3A_304 = vector.extract %slice3A_303[0] : i32 from vector<1xi32>
        %and3A_305 = arith.constant 2047 : i32
        %and3A_306 = arith.andi %squeeze3A_304, %and3A_305 : i32
        %shift_right_arithmetic3A_307 = arith.constant 11 : i32
        %shift_right_arithmetic3A_308 = arith.shrsi %squeeze3A_304, %shift_right_arithmetic3A_307 : i32
        %mul3A_309 = arith.constant 16 : i32
        %mul3A_310 = arith.muli %shift_right_arithmetic3A_308, %mul3A_309 : i32
        %add3A_311 = vector.broadcast %mul3A_310 : i32 to vector<16xi32>
        %add3A_312 = arith.addi %add3A_311, %iota3A : vector<16xi32>
        %gather3A_313 = tpu.vector_load_idx %arg11[%add3A_312] : memref<1056xf32, #tpu.memory_space<vmem>>[vector<16xi32>], vector<16xf32>,
        %add3A_314 = arith.constant 1 : i32
        %add3A_315 = arith.addi %and3A_306, %add3A_314 : i32
        %broadcast_in_dim3A_316 = vector.broadcast %add3A_315 : i32 to vector<16xi32>
        tpu.vector_store_idx %arg16[%iota3A, %broadcast_in_dim3A_316], %gather3A_313 {add = true} : memref<16x2049xf32, #tpu.memory_space<vmem>>[vector<16xi32>, vector<16xi32>], vector<16xf32>,
        %slice3A_317 = vector.extract_strided_slice %get3A_153 {offsets = [12], sizes = [1], strides = [1]} : vector<16xi32> to vector<1xi32>
        %squeeze3A_318 = vector.extract %slice3A_317[0] : i32 from vector<1xi32>
        %and3A_319 = arith.constant 2047 : i32
        %and3A_320 = arith.andi %squeeze3A_318, %and3A_319 : i32
        %shift_right_arithmetic3A_321 = arith.constant 11 : i32
        %shift_right_arithmetic3A_322 = arith.shrsi %squeeze3A_318, %shift_right_arithmetic3A_321 : i32
        %mul3A_323 = arith.constant 16 : i32
        %mul3A_324 = arith.muli %shift_right_arithmetic3A_322, %mul3A_323 : i32
        %add3A_325 = vector.broadcast %mul3A_324 : i32 to vector<16xi32>
        %add3A_326 = arith.addi %add3A_325, %iota3A : vector<16xi32>
        %gather3A_327 = tpu.vector_load_idx %arg11[%add3A_326] : memref<1056xf32, #tpu.memory_space<vmem>>[vector<16xi32>], vector<16xf32>,
        %add3A_328 = arith.constant 1 : i32
        %add3A_329 = arith.addi %and3A_320, %add3A_328 : i32
        %broadcast_in_dim3A_330 = vector.broadcast %add3A_329 : i32 to vector<16xi32>
        tpu.vector_store_idx %arg16[%iota3A, %broadcast_in_dim3A_330], %gather3A_327 {add = true} : memref<16x2049xf32, #tpu.memory_space<vmem>>[vector<16xi32>, vector<16xi32>], vector<16xf32>,
        %slice3A_331 = vector.extract_strided_slice %get3A_153 {offsets = [13], sizes = [1], strides = [1]} : vector<16xi32> to vector<1xi32>
        %squeeze3A_332 = vector.extract %slice3A_331[0] : i32 from vector<1xi32>
        %and3A_333 = arith.constant 2047 : i32
        %and3A_334 = arith.andi %squeeze3A_332, %and3A_333 : i32
        %shift_right_arithmetic3A_335 = arith.constant 11 : i32
        %shift_right_arithmetic3A_336 = arith.shrsi %squeeze3A_332, %shift_right_arithmetic3A_335 : i32
        %mul3A_337 = arith.constant 16 : i32
        %mul3A_338 = arith.muli %shift_right_arithmetic3A_336, %mul3A_337 : i32
        %add3A_339 = vector.broadcast %mul3A_338 : i32 to vector<16xi32>
        %add3A_340 = arith.addi %add3A_339, %iota3A : vector<16xi32>
        %gather3A_341 = tpu.vector_load_idx %arg11[%add3A_340] : memref<1056xf32, #tpu.memory_space<vmem>>[vector<16xi32>], vector<16xf32>,
        %add3A_342 = arith.constant 1 : i32
        %add3A_343 = arith.addi %and3A_334, %add3A_342 : i32
        %broadcast_in_dim3A_344 = vector.broadcast %add3A_343 : i32 to vector<16xi32>
        tpu.vector_store_idx %arg16[%iota3A, %broadcast_in_dim3A_344], %gather3A_341 {add = true} : memref<16x2049xf32, #tpu.memory_space<vmem>>[vector<16xi32>, vector<16xi32>], vector<16xf32>,
        %slice3A_345 = vector.extract_strided_slice %get3A_153 {offsets = [14], sizes = [1], strides = [1]} : vector<16xi32> to vector<1xi32>
        %squeeze3A_346 = vector.extract %slice3A_345[0] : i32 from vector<1xi32>
        %and3A_347 = arith.constant 2047 : i32
        %and3A_348 = arith.andi %squeeze3A_346, %and3A_347 : i32
        %shift_right_arithmetic3A_349 = arith.constant 11 : i32
        %shift_right_arithmetic3A_350 = arith.shrsi %squeeze3A_346, %shift_right_arithmetic3A_349 : i32
        %mul3A_351 = arith.constant 16 : i32
        %mul3A_352 = arith.muli %shift_right_arithmetic3A_350, %mul3A_351 : i32
        %add3A_353 = vector.broadcast %mul3A_352 : i32 to vector<16xi32>
        %add3A_354 = arith.addi %add3A_353, %iota3A : vector<16xi32>
        %gather3A_355 = tpu.vector_load_idx %arg11[%add3A_354] : memref<1056xf32, #tpu.memory_space<vmem>>[vector<16xi32>], vector<16xf32>,
        %add3A_356 = arith.constant 1 : i32
        %add3A_357 = arith.addi %and3A_348, %add3A_356 : i32
        %broadcast_in_dim3A_358 = vector.broadcast %add3A_357 : i32 to vector<16xi32>
        tpu.vector_store_idx %arg16[%iota3A, %broadcast_in_dim3A_358], %gather3A_355 {add = true} : memref<16x2049xf32, #tpu.memory_space<vmem>>[vector<16xi32>, vector<16xi32>], vector<16xf32>,
        %slice3A_359 = vector.extract_strided_slice %get3A_153 {offsets = [15], sizes = [1], strides = [1]} : vector<16xi32> to vector<1xi32>
        %squeeze3A_360 = vector.extract %slice3A_359[0] : i32 from vector<1xi32>
        %and3A_361 = arith.constant 2047 : i32
        %and3A_362 = arith.andi %squeeze3A_360, %and3A_361 : i32
        %shift_right_arithmetic3A_363 = arith.constant 11 : i32
        %shift_right_arithmetic3A_364 = arith.shrsi %squeeze3A_360, %shift_right_arithmetic3A_363 : i32
        %mul3A_365 = arith.constant 16 : i32
        %mul3A_366 = arith.muli %shift_right_arithmetic3A_364, %mul3A_365 : i32
        %add3A_367 = vector.broadcast %mul3A_366 : i32 to vector<16xi32>
        %add3A_368 = arith.addi %add3A_367, %iota3A : vector<16xi32>
        %gather3A_369 = tpu.vector_load_idx %arg11[%add3A_368] : memref<1056xf32, #tpu.memory_space<vmem>>[vector<16xi32>], vector<16xf32>,
        %add3A_370 = arith.constant 1 : i32
        %add3A_371 = arith.addi %and3A_362, %add3A_370 : i32
        %broadcast_in_dim3A_372 = vector.broadcast %add3A_371 : i32 to vector<16xi32>
        tpu.vector_store_idx %arg16[%iota3A, %broadcast_in_dim3A_372], %gather3A_369 {add = true} : memref<16x2049xf32, #tpu.memory_space<vmem>>[vector<16xi32>, vector<16xi32>], vector<16xf32>,
      }
      %scan3A_105 = arith.constant 10 : i32
      %add3A_106 = arith.constant 1 : i32
      %add3A_107 = arith.addi %add3A_106, %mul3A_2 : i32
      %mul3A_108 = arith.constant 2 : i32
      %mul3A_109 = arith.muli %mul3A_108, %scan3A_93 : i32
      %add3A_110 = arith.addi %add3A_107, %mul3A_109 : i32
      %dma_start3A = arith.constant 0 : i32
      %dma_start3A_111 = arith.constant 0 : i32
      %dma_start3A_112 = tpu.memref_slice %arg7[%dma_start3A, %add3A_110, %dma_start3A_111] : memref<16x2049x2049xf32, #tpu.memory_space<hbm>> -> memref<16x1x2049xf32, #tpu.memory_space<hbm>>
      %dma_start3A_113 = tpu.memref_squeeze %dma_start3A_112 : memref<16x1x2049xf32, #tpu.memory_space<hbm>> -> memref<16x2049xf32, #tpu.memory_space<hbm>>
      %dma_start3A_114 = arith.constant 0 : i32
      %dma_start3A_115 = arith.constant 0 : i32
      %dma_start3A_116 = tpu.memref_slice %arg7[%dma_start3A_114, %add3A_110, %dma_start3A_115] : memref<16x2049x2049xf32, #tpu.memory_space<hbm>> -> memref<16x1x2049xf32, #tpu.memory_space<hbm>>
      %dma_start3A_117 = tpu.memref_squeeze %dma_start3A_116 : memref<16x1x2049xf32, #tpu.memory_space<hbm>> -> memref<16x2049xf32, #tpu.memory_space<hbm>>
      tpu.enqueue_dma source(%arg16 : memref<16x2049xf32, #tpu.memory_space<vmem>>) target(%dma_start3A_117 : memref<16x2049xf32, #tpu.memory_space<hbm>>) target_semaphore(%arg18 : memref<!tpu.dma_semaphore, #tpu.memory_space<semaphore_mem>>)
      %gt3A_118 = arith.constant 0 : i32
      %gt3A_119 = arith.cmpi sgt, %scan3A_93, %gt3A_118 : i32
      %convert_element_type3A_120 = arith.extui %gt3A_119 : i1 to i32
      %cond3A_121 = arith.constant 0 : i32
      %cond3A_122 = arith.cmpi ne, %convert_element_type3A_120, %cond3A_121 : i32
      scf.if %cond3A_122 {
        %dma_wait3A_146 = arith.constant 1 : i32
        %dma_wait3A_147 = arith.constant 0 : i32
        %dma_wait3A_148 = arith.constant 0 : i32
        %dma_wait3A_149 = tpu.memref_slice %arg7[%dma_wait3A_147, %dma_wait3A_146, %dma_wait3A_148] : memref<16x2049x2049xf32, #tpu.memory_space<hbm>> -> memref<16x1x2049xf32, #tpu.memory_space<hbm>>
        %dma_wait3A_150 = tpu.memref_squeeze %dma_wait3A_149 : memref<16x1x2049xf32, #tpu.memory_space<hbm>> -> memref<16x2049xf32, #tpu.memory_space<hbm>>
        %dma_wait3A_151 = arith.constant 0 : i32
        %dma_wait3A_152 = arith.constant 0 : i32
        %dma_wait3A_153 = tpu.memref_slice %arg7[%dma_wait3A_151, %dma_wait3A_146, %dma_wait3A_152] : memref<16x2049x2049xf32, #tpu.memory_space<hbm>> -> memref<16x1x2049xf32, #tpu.memory_space<hbm>>
        %dma_wait3A_154 = tpu.memref_squeeze %dma_wait3A_153 : memref<16x1x2049xf32, #tpu.memory_space<hbm>> -> memref<16x2049xf32, #tpu.memory_space<hbm>>
        tpu.wait_dma2 semaphore(%arg19 : memref<!tpu.dma_semaphore, #tpu.memory_space<semaphore_mem>>) src(%arg17 : memref<16x2049xf32, #tpu.memory_space<vmem>>) dst(%dma_wait3A_154 : memref<16x2049xf32, #tpu.memory_space<hbm>>)
        %mul3A_155 = arith.constant 2 : i32
        %mul3A_156 = arith.muli %mul3A_155, %scan3A_93 : i32
        %sub3A_157 = arith.constant 1 : i32
        %sub3A_158 = arith.subi %mul3A_156, %sub3A_157 : i32
        %scan3A_159 = arith.constant 0 : i32
        %scan3A_160 = arith.constant 0 : i32
        %scan3A_161 = arith.constant 10 : i32
        %scan3A_162 = arith.addi %scan3A_160, %scan3A_161 : i32
        %scan3A_163 = arith.constant 1 : i32
        scf.for %scan3A_165 = %scan3A_160 to %scan3A_162 step %scan3A_163  : i32 {
          %mul3A_166 = arith.constant 160 : i32
          %mul3A_167 = arith.muli %sub3A_158, %mul3A_166 : i32
          %mul3A_168 = arith.constant 16 : i32
          %mul3A_169 = arith.muli %scan3A_165, %mul3A_168 : i32
          %add3A_170 = arith.addi %mul3A_167, %mul3A_169 : i32
          %get3A_171 = arith.index_cast %add3A_170 : i32 to index
          %get3A_172 = tpu.vector_load %arg14[%get3A_171] {strides = array<i32>} : memref<10240xi32, #tpu.memory_space<vmem>>, vector<16xi32>,
          %slice3A = vector.extract_strided_slice %get3A_172 {offsets = [0], sizes = [1], strides = [1]} : vector<16xi32> to vector<1xi32>
          %squeeze3A = vector.extract %slice3A[0] : i32 from vector<1xi32>
          %and3A = arith.constant 2047 : i32
          %and3A_173 = arith.andi %squeeze3A, %and3A : i32
          %add3A_174 = arith.constant 1 : i32
          %add3A_175 = arith.addi %and3A_173, %add3A_174 : i32
          %broadcast_in_dim3A_176 = vector.broadcast %add3A_175 : i32 to vector<16xi32>
          tpu.vector_store_idx %arg17[%iota3A, %broadcast_in_dim3A_176], %broadcast_in_dim3A_3 : memref<16x2049xf32, #tpu.memory_space<vmem>>[vector<16xi32>, vector<16xi32>], vector<16xf32>,
          %slice3A_177 = vector.extract_strided_slice %get3A_172 {offsets = [1], sizes = [1], strides = [1]} : vector<16xi32> to vector<1xi32>
          %squeeze3A_178 = vector.extract %slice3A_177[0] : i32 from vector<1xi32>
          %and3A_179 = arith.constant 2047 : i32
          %and3A_180 = arith.andi %squeeze3A_178, %and3A_179 : i32
          %add3A_181 = arith.constant 1 : i32
          %add3A_182 = arith.addi %and3A_180, %add3A_181 : i32
          %broadcast_in_dim3A_183 = vector.broadcast %add3A_182 : i32 to vector<16xi32>
          tpu.vector_store_idx %arg17[%iota3A, %broadcast_in_dim3A_183], %broadcast_in_dim3A_3 : memref<16x2049xf32, #tpu.memory_space<vmem>>[vector<16xi32>, vector<16xi32>], vector<16xf32>,
          %slice3A_184 = vector.extract_strided_slice %get3A_172 {offsets = [2], sizes = [1], strides = [1]} : vector<16xi32> to vector<1xi32>
          %squeeze3A_185 = vector.extract %slice3A_184[0] : i32 from vector<1xi32>
          %and3A_186 = arith.constant 2047 : i32
          %and3A_187 = arith.andi %squeeze3A_185, %and3A_186 : i32
          %add3A_188 = arith.constant 1 : i32
          %add3A_189 = arith.addi %and3A_187, %add3A_188 : i32
          %broadcast_in_dim3A_190 = vector.broadcast %add3A_189 : i32 to vector<16xi32>
          tpu.vector_store_idx %arg17[%iota3A, %broadcast_in_dim3A_190], %broadcast_in_dim3A_3 : memref<16x2049xf32, #tpu.memory_space<vmem>>[vector<16xi32>, vector<16xi32>], vector<16xf32>,
          %slice3A_191 = vector.extract_strided_slice %get3A_172 {offsets = [3], sizes = [1], strides = [1]} : vector<16xi32> to vector<1xi32>
          %squeeze3A_192 = vector.extract %slice3A_191[0] : i32 from vector<1xi32>
          %and3A_193 = arith.constant 2047 : i32
          %and3A_194 = arith.andi %squeeze3A_192, %and3A_193 : i32
          %add3A_195 = arith.constant 1 : i32
          %add3A_196 = arith.addi %and3A_194, %add3A_195 : i32
          %broadcast_in_dim3A_197 = vector.broadcast %add3A_196 : i32 to vector<16xi32>
          tpu.vector_store_idx %arg17[%iota3A, %broadcast_in_dim3A_197], %broadcast_in_dim3A_3 : memref<16x2049xf32, #tpu.memory_space<vmem>>[vector<16xi32>, vector<16xi32>], vector<16xf32>,
          %slice3A_198 = vector.extract_strided_slice %get3A_172 {offsets = [4], sizes = [1], strides = [1]} : vector<16xi32> to vector<1xi32>
          %squeeze3A_199 = vector.extract %slice3A_198[0] : i32 from vector<1xi32>
          %and3A_200 = arith.constant 2047 : i32
          %and3A_201 = arith.andi %squeeze3A_199, %and3A_200 : i32
          %add3A_202 = arith.constant 1 : i32
          %add3A_203 = arith.addi %and3A_201, %add3A_202 : i32
          %broadcast_in_dim3A_204 = vector.broadcast %add3A_203 : i32 to vector<16xi32>
          tpu.vector_store_idx %arg17[%iota3A, %broadcast_in_dim3A_204], %broadcast_in_dim3A_3 : memref<16x2049xf32, #tpu.memory_space<vmem>>[vector<16xi32>, vector<16xi32>], vector<16xf32>,
          %slice3A_205 = vector.extract_strided_slice %get3A_172 {offsets = [5], sizes = [1], strides = [1]} : vector<16xi32> to vector<1xi32>
          %squeeze3A_206 = vector.extract %slice3A_205[0] : i32 from vector<1xi32>
          %and3A_207 = arith.constant 2047 : i32
          %and3A_208 = arith.andi %squeeze3A_206, %and3A_207 : i32
          %add3A_209 = arith.constant 1 : i32
          %add3A_210 = arith.addi %and3A_208, %add3A_209 : i32
          %broadcast_in_dim3A_211 = vector.broadcast %add3A_210 : i32 to vector<16xi32>
          tpu.vector_store_idx %arg17[%iota3A, %broadcast_in_dim3A_211], %broadcast_in_dim3A_3 : memref<16x2049xf32, #tpu.memory_space<vmem>>[vector<16xi32>, vector<16xi32>], vector<16xf32>,
          %slice3A_212 = vector.extract_strided_slice %get3A_172 {offsets = [6], sizes = [1], strides = [1]} : vector<16xi32> to vector<1xi32>
          %squeeze3A_213 = vector.extract %slice3A_212[0] : i32 from vector<1xi32>
          %and3A_214 = arith.constant 2047 : i32
          %and3A_215 = arith.andi %squeeze3A_213, %and3A_214 : i32
          %add3A_216 = arith.constant 1 : i32
          %add3A_217 = arith.addi %and3A_215, %add3A_216 : i32
          %broadcast_in_dim3A_218 = vector.broadcast %add3A_217 : i32 to vector<16xi32>
          tpu.vector_store_idx %arg17[%iota3A, %broadcast_in_dim3A_218], %broadcast_in_dim3A_3 : memref<16x2049xf32, #tpu.memory_space<vmem>>[vector<16xi32>, vector<16xi32>], vector<16xf32>,
          %slice3A_219 = vector.extract_strided_slice %get3A_172 {offsets = [7], sizes = [1], strides = [1]} : vector<16xi32> to vector<1xi32>
          %squeeze3A_220 = vector.extract %slice3A_219[0] : i32 from vector<1xi32>
          %and3A_221 = arith.constant 2047 : i32
          %and3A_222 = arith.andi %squeeze3A_220, %and3A_221 : i32
          %add3A_223 = arith.constant 1 : i32
          %add3A_224 = arith.addi %and3A_222, %add3A_223 : i32
          %broadcast_in_dim3A_225 = vector.broadcast %add3A_224 : i32 to vector<16xi32>
          tpu.vector_store_idx %arg17[%iota3A, %broadcast_in_dim3A_225], %broadcast_in_dim3A_3 : memref<16x2049xf32, #tpu.memory_space<vmem>>[vector<16xi32>, vector<16xi32>], vector<16xf32>,
          %slice3A_226 = vector.extract_strided_slice %get3A_172 {offsets = [8], sizes = [1], strides = [1]} : vector<16xi32> to vector<1xi32>
          %squeeze3A_227 = vector.extract %slice3A_226[0] : i32 from vector<1xi32>
          %and3A_228 = arith.constant 2047 : i32
          %and3A_229 = arith.andi %squeeze3A_227, %and3A_228 : i32
          %add3A_230 = arith.constant 1 : i32
          %add3A_231 = arith.addi %and3A_229, %add3A_230 : i32
          %broadcast_in_dim3A_232 = vector.broadcast %add3A_231 : i32 to vector<16xi32>
          tpu.vector_store_idx %arg17[%iota3A, %broadcast_in_dim3A_232], %broadcast_in_dim3A_3 : memref<16x2049xf32, #tpu.memory_space<vmem>>[vector<16xi32>, vector<16xi32>], vector<16xf32>,
          %slice3A_233 = vector.extract_strided_slice %get3A_172 {offsets = [9], sizes = [1], strides = [1]} : vector<16xi32> to vector<1xi32>
          %squeeze3A_234 = vector.extract %slice3A_233[0] : i32 from vector<1xi32>
          %and3A_235 = arith.constant 2047 : i32
          %and3A_236 = arith.andi %squeeze3A_234, %and3A_235 : i32
          %add3A_237 = arith.constant 1 : i32
          %add3A_238 = arith.addi %and3A_236, %add3A_237 : i32
          %broadcast_in_dim3A_239 = vector.broadcast %add3A_238 : i32 to vector<16xi32>
          tpu.vector_store_idx %arg17[%iota3A, %broadcast_in_dim3A_239], %broadcast_in_dim3A_3 : memref<16x2049xf32, #tpu.memory_space<vmem>>[vector<16xi32>, vector<16xi32>], vector<16xf32>,
          %slice3A_240 = vector.extract_strided_slice %get3A_172 {offsets = [10], sizes = [1], strides = [1]} : vector<16xi32> to vector<1xi32>
          %squeeze3A_241 = vector.extract %slice3A_240[0] : i32 from vector<1xi32>
          %and3A_242 = arith.constant 2047 : i32
          %and3A_243 = arith.andi %squeeze3A_241, %and3A_242 : i32
          %add3A_244 = arith.constant 1 : i32
          %add3A_245 = arith.addi %and3A_243, %add3A_244 : i32
          %broadcast_in_dim3A_246 = vector.broadcast %add3A_245 : i32 to vector<16xi32>
          tpu.vector_store_idx %arg17[%iota3A, %broadcast_in_dim3A_246], %broadcast_in_dim3A_3 : memref<16x2049xf32, #tpu.memory_space<vmem>>[vector<16xi32>, vector<16xi32>], vector<16xf32>,
          %slice3A_247 = vector.extract_strided_slice %get3A_172 {offsets = [11], sizes = [1], strides = [1]} : vector<16xi32> to vector<1xi32>
          %squeeze3A_248 = vector.extract %slice3A_247[0] : i32 from vector<1xi32>
          %and3A_249 = arith.constant 2047 : i32
          %and3A_250 = arith.andi %squeeze3A_248, %and3A_249 : i32
          %add3A_251 = arith.constant 1 : i32
          %add3A_252 = arith.addi %and3A_250, %add3A_251 : i32
          %broadcast_in_dim3A_253 = vector.broadcast %add3A_252 : i32 to vector<16xi32>
          tpu.vector_store_idx %arg17[%iota3A, %broadcast_in_dim3A_253], %broadcast_in_dim3A_3 : memref<16x2049xf32, #tpu.memory_space<vmem>>[vector<16xi32>, vector<16xi32>], vector<16xf32>,
          %slice3A_254 = vector.extract_strided_slice %get3A_172 {offsets = [12], sizes = [1], strides = [1]} : vector<16xi32> to vector<1xi32>
          %squeeze3A_255 = vector.extract %slice3A_254[0] : i32 from vector<1xi32>
          %and3A_256 = arith.constant 2047 : i32
          %and3A_257 = arith.andi %squeeze3A_255, %and3A_256 : i32
          %add3A_258 = arith.constant 1 : i32
          %add3A_259 = arith.addi %and3A_257, %add3A_258 : i32
          %broadcast_in_dim3A_260 = vector.broadcast %add3A_259 : i32 to vector<16xi32>
          tpu.vector_store_idx %arg17[%iota3A, %broadcast_in_dim3A_260], %broadcast_in_dim3A_3 : memref<16x2049xf32, #tpu.memory_space<vmem>>[vector<16xi32>, vector<16xi32>], vector<16xf32>,
          %slice3A_261 = vector.extract_strided_slice %get3A_172 {offsets = [13], sizes = [1], strides = [1]} : vector<16xi32> to vector<1xi32>
          %squeeze3A_262 = vector.extract %slice3A_261[0] : i32 from vector<1xi32>
          %and3A_263 = arith.constant 2047 : i32
          %and3A_264 = arith.andi %squeeze3A_262, %and3A_263 : i32
          %add3A_265 = arith.constant 1 : i32
          %add3A_266 = arith.addi %and3A_264, %add3A_265 : i32
          %broadcast_in_dim3A_267 = vector.broadcast %add3A_266 : i32 to vector<16xi32>
          tpu.vector_store_idx %arg17[%iota3A, %broadcast_in_dim3A_267], %broadcast_in_dim3A_3 : memref<16x2049xf32, #tpu.memory_space<vmem>>[vector<16xi32>, vector<16xi32>], vector<16xf32>,
          %slice3A_268 = vector.extract_strided_slice %get3A_172 {offsets = [14], sizes = [1], strides = [1]} : vector<16xi32> to vector<1xi32>
          %squeeze3A_269 = vector.extract %slice3A_268[0] : i32 from vector<1xi32>
          %and3A_270 = arith.constant 2047 : i32
          %and3A_271 = arith.andi %squeeze3A_269, %and3A_270 : i32
          %add3A_272 = arith.constant 1 : i32
          %add3A_273 = arith.addi %and3A_271, %add3A_272 : i32
          %broadcast_in_dim3A_274 = vector.broadcast %add3A_273 : i32 to vector<16xi32>
          tpu.vector_store_idx %arg17[%iota3A, %broadcast_in_dim3A_274], %broadcast_in_dim3A_3 : memref<16x2049xf32, #tpu.memory_space<vmem>>[vector<16xi32>, vector<16xi32>], vector<16xf32>,
          %slice3A_275 = vector.extract_strided_slice %get3A_172 {offsets = [15], sizes = [1], strides = [1]} : vector<16xi32> to vector<1xi32>
          %squeeze3A_276 = vector.extract %slice3A_275[0] : i32 from vector<1xi32>
          %and3A_277 = arith.constant 2047 : i32
          %and3A_278 = arith.andi %squeeze3A_276, %and3A_277 : i32
          %add3A_279 = arith.constant 1 : i32
          %add3A_280 = arith.addi %and3A_278, %add3A_279 : i32
          %broadcast_in_dim3A_281 = vector.broadcast %add3A_280 : i32 to vector<16xi32>
          tpu.vector_store_idx %arg17[%iota3A, %broadcast_in_dim3A_281], %broadcast_in_dim3A_3 : memref<16x2049xf32, #tpu.memory_space<vmem>>[vector<16xi32>, vector<16xi32>], vector<16xf32>,
        }
        %scan3A_164 = arith.constant 10 : i32
      } else {
      }
      %mul3A_123 = arith.constant 2 : i32
      %mul3A_124 = arith.muli %mul3A_123, %scan3A_93 : i32
      %add3A_125 = arith.constant 1 : i32
      %add3A_126 = arith.addi %mul3A_124, %add3A_125 : i32
      %scan3A_127 = arith.constant 0 : i32
      %scan3A_128 = arith.constant 0 : i32
      %scan3A_129 = arith.constant 10 : i32
      %scan3A_130 = arith.addi %scan3A_128, %scan3A_129 : i32
      %scan3A_131 = arith.constant 1 : i32
      scf.for %scan3A_146 = %scan3A_128 to %scan3A_130 step %scan3A_131  : i32 {
        %mul3A_147 = arith.constant 160 : i32
        %mul3A_148 = arith.muli %add3A_126, %mul3A_147 : i32
        %mul3A_149 = arith.constant 16 : i32
        %mul3A_150 = arith.muli %scan3A_146, %mul3A_149 : i32
        %add3A_151 = arith.addi %mul3A_148, %mul3A_150 : i32
        %get3A_152 = arith.index_cast %add3A_151 : i32 to index
        %get3A_153 = tpu.vector_load %arg14[%get3A_152] {strides = array<i32>} : memref<10240xi32, #tpu.memory_space<vmem>>, vector<16xi32>,
        %slice3A = vector.extract_strided_slice %get3A_153 {offsets = [0], sizes = [1], strides = [1]} : vector<16xi32> to vector<1xi32>
        %squeeze3A = vector.extract %slice3A[0] : i32 from vector<1xi32>
        %and3A = arith.constant 2047 : i32
        %and3A_154 = arith.andi %squeeze3A, %and3A : i32
        %shift_right_arithmetic3A = arith.constant 11 : i32
        %shift_right_arithmetic3A_155 = arith.shrsi %squeeze3A, %shift_right_arithmetic3A : i32
        %mul3A_156 = arith.constant 16 : i32
        %mul3A_157 = arith.muli %shift_right_arithmetic3A_155, %mul3A_156 : i32
        %add3A_158 = vector.broadcast %mul3A_157 : i32 to vector<16xi32>
        %add3A_159 = arith.addi %add3A_158, %iota3A : vector<16xi32>
        %gather3A = tpu.vector_load_idx %arg11[%add3A_159] : memref<1056xf32, #tpu.memory_space<vmem>>[vector<16xi32>], vector<16xf32>,
        %add3A_160 = arith.constant 1 : i32
        %add3A_161 = arith.addi %and3A_154, %add3A_160 : i32
        %broadcast_in_dim3A_162 = vector.broadcast %add3A_161 : i32 to vector<16xi32>
        tpu.vector_store_idx %arg17[%iota3A, %broadcast_in_dim3A_162], %gather3A {add = true} : memref<16x2049xf32, #tpu.memory_space<vmem>>[vector<16xi32>, vector<16xi32>], vector<16xf32>,
        %slice3A_163 = vector.extract_strided_slice %get3A_153 {offsets = [1], sizes = [1], strides = [1]} : vector<16xi32> to vector<1xi32>
        %squeeze3A_164 = vector.extract %slice3A_163[0] : i32 from vector<1xi32>
        %and3A_165 = arith.constant 2047 : i32
        %and3A_166 = arith.andi %squeeze3A_164, %and3A_165 : i32
        %shift_right_arithmetic3A_167 = arith.constant 11 : i32
        %shift_right_arithmetic3A_168 = arith.shrsi %squeeze3A_164, %shift_right_arithmetic3A_167 : i32
        %mul3A_169 = arith.constant 16 : i32
        %mul3A_170 = arith.muli %shift_right_arithmetic3A_168, %mul3A_169 : i32
        %add3A_171 = vector.broadcast %mul3A_170 : i32 to vector<16xi32>
        %add3A_172 = arith.addi %add3A_171, %iota3A : vector<16xi32>
        %gather3A_173 = tpu.vector_load_idx %arg11[%add3A_172] : memref<1056xf32, #tpu.memory_space<vmem>>[vector<16xi32>], vector<16xf32>,
        %add3A_174 = arith.constant 1 : i32
        %add3A_175 = arith.addi %and3A_166, %add3A_174 : i32
        %broadcast_in_dim3A_176 = vector.broadcast %add3A_175 : i32 to vector<16xi32>
        tpu.vector_store_idx %arg17[%iota3A, %broadcast_in_dim3A_176], %gather3A_173 {add = true} : memref<16x2049xf32, #tpu.memory_space<vmem>>[vector<16xi32>, vector<16xi32>], vector<16xf32>,
        %slice3A_177 = vector.extract_strided_slice %get3A_153 {offsets = [2], sizes = [1], strides = [1]} : vector<16xi32> to vector<1xi32>
        %squeeze3A_178 = vector.extract %slice3A_177[0] : i32 from vector<1xi32>
        %and3A_179 = arith.constant 2047 : i32
        %and3A_180 = arith.andi %squeeze3A_178, %and3A_179 : i32
        %shift_right_arithmetic3A_181 = arith.constant 11 : i32
        %shift_right_arithmetic3A_182 = arith.shrsi %squeeze3A_178, %shift_right_arithmetic3A_181 : i32
        %mul3A_183 = arith.constant 16 : i32
        %mul3A_184 = arith.muli %shift_right_arithmetic3A_182, %mul3A_183 : i32
        %add3A_185 = vector.broadcast %mul3A_184 : i32 to vector<16xi32>
        %add3A_186 = arith.addi %add3A_185, %iota3A : vector<16xi32>
        %gather3A_187 = tpu.vector_load_idx %arg11[%add3A_186] : memref<1056xf32, #tpu.memory_space<vmem>>[vector<16xi32>], vector<16xf32>,
        %add3A_188 = arith.constant 1 : i32
        %add3A_189 = arith.addi %and3A_180, %add3A_188 : i32
        %broadcast_in_dim3A_190 = vector.broadcast %add3A_189 : i32 to vector<16xi32>
        tpu.vector_store_idx %arg17[%iota3A, %broadcast_in_dim3A_190], %gather3A_187 {add = true} : memref<16x2049xf32, #tpu.memory_space<vmem>>[vector<16xi32>, vector<16xi32>], vector<16xf32>,
        %slice3A_191 = vector.extract_strided_slice %get3A_153 {offsets = [3], sizes = [1], strides = [1]} : vector<16xi32> to vector<1xi32>
        %squeeze3A_192 = vector.extract %slice3A_191[0] : i32 from vector<1xi32>
        %and3A_193 = arith.constant 2047 : i32
        %and3A_194 = arith.andi %squeeze3A_192, %and3A_193 : i32
        %shift_right_arithmetic3A_195 = arith.constant 11 : i32
        %shift_right_arithmetic3A_196 = arith.shrsi %squeeze3A_192, %shift_right_arithmetic3A_195 : i32
        %mul3A_197 = arith.constant 16 : i32
        %mul3A_198 = arith.muli %shift_right_arithmetic3A_196, %mul3A_197 : i32
        %add3A_199 = vector.broadcast %mul3A_198 : i32 to vector<16xi32>
        %add3A_200 = arith.addi %add3A_199, %iota3A : vector<16xi32>
        %gather3A_201 = tpu.vector_load_idx %arg11[%add3A_200] : memref<1056xf32, #tpu.memory_space<vmem>>[vector<16xi32>], vector<16xf32>,
        %add3A_202 = arith.constant 1 : i32
        %add3A_203 = arith.addi %and3A_194, %add3A_202 : i32
        %broadcast_in_dim3A_204 = vector.broadcast %add3A_203 : i32 to vector<16xi32>
        tpu.vector_store_idx %arg17[%iota3A, %broadcast_in_dim3A_204], %gather3A_201 {add = true} : memref<16x2049xf32, #tpu.memory_space<vmem>>[vector<16xi32>, vector<16xi32>], vector<16xf32>,
        %slice3A_205 = vector.extract_strided_slice %get3A_153 {offsets = [4], sizes = [1], strides = [1]} : vector<16xi32> to vector<1xi32>
        %squeeze3A_206 = vector.extract %slice3A_205[0] : i32 from vector<1xi32>
        %and3A_207 = arith.constant 2047 : i32
        %and3A_208 = arith.andi %squeeze3A_206, %and3A_207 : i32
        %shift_right_arithmetic3A_209 = arith.constant 11 : i32
        %shift_right_arithmetic3A_210 = arith.shrsi %squeeze3A_206, %shift_right_arithmetic3A_209 : i32
        %mul3A_211 = arith.constant 16 : i32
        %mul3A_212 = arith.muli %shift_right_arithmetic3A_210, %mul3A_211 : i32
        %add3A_213 = vector.broadcast %mul3A_212 : i32 to vector<16xi32>
        %add3A_214 = arith.addi %add3A_213, %iota3A : vector<16xi32>
        %gather3A_215 = tpu.vector_load_idx %arg11[%add3A_214] : memref<1056xf32, #tpu.memory_space<vmem>>[vector<16xi32>], vector<16xf32>,
        %add3A_216 = arith.constant 1 : i32
        %add3A_217 = arith.addi %and3A_208, %add3A_216 : i32
        %broadcast_in_dim3A_218 = vector.broadcast %add3A_217 : i32 to vector<16xi32>
        tpu.vector_store_idx %arg17[%iota3A, %broadcast_in_dim3A_218], %gather3A_215 {add = true} : memref<16x2049xf32, #tpu.memory_space<vmem>>[vector<16xi32>, vector<16xi32>], vector<16xf32>,
        %slice3A_219 = vector.extract_strided_slice %get3A_153 {offsets = [5], sizes = [1], strides = [1]} : vector<16xi32> to vector<1xi32>
        %squeeze3A_220 = vector.extract %slice3A_219[0] : i32 from vector<1xi32>
        %and3A_221 = arith.constant 2047 : i32
        %and3A_222 = arith.andi %squeeze3A_220, %and3A_221 : i32
        %shift_right_arithmetic3A_223 = arith.constant 11 : i32
        %shift_right_arithmetic3A_224 = arith.shrsi %squeeze3A_220, %shift_right_arithmetic3A_223 : i32
        %mul3A_225 = arith.constant 16 : i32
        %mul3A_226 = arith.muli %shift_right_arithmetic3A_224, %mul3A_225 : i32
        %add3A_227 = vector.broadcast %mul3A_226 : i32 to vector<16xi32>
        %add3A_228 = arith.addi %add3A_227, %iota3A : vector<16xi32>
        %gather3A_229 = tpu.vector_load_idx %arg11[%add3A_228] : memref<1056xf32, #tpu.memory_space<vmem>>[vector<16xi32>], vector<16xf32>,
        %add3A_230 = arith.constant 1 : i32
        %add3A_231 = arith.addi %and3A_222, %add3A_230 : i32
        %broadcast_in_dim3A_232 = vector.broadcast %add3A_231 : i32 to vector<16xi32>
        tpu.vector_store_idx %arg17[%iota3A, %broadcast_in_dim3A_232], %gather3A_229 {add = true} : memref<16x2049xf32, #tpu.memory_space<vmem>>[vector<16xi32>, vector<16xi32>], vector<16xf32>,
        %slice3A_233 = vector.extract_strided_slice %get3A_153 {offsets = [6], sizes = [1], strides = [1]} : vector<16xi32> to vector<1xi32>
        %squeeze3A_234 = vector.extract %slice3A_233[0] : i32 from vector<1xi32>
        %and3A_235 = arith.constant 2047 : i32
        %and3A_236 = arith.andi %squeeze3A_234, %and3A_235 : i32
        %shift_right_arithmetic3A_237 = arith.constant 11 : i32
        %shift_right_arithmetic3A_238 = arith.shrsi %squeeze3A_234, %shift_right_arithmetic3A_237 : i32
        %mul3A_239 = arith.constant 16 : i32
        %mul3A_240 = arith.muli %shift_right_arithmetic3A_238, %mul3A_239 : i32
        %add3A_241 = vector.broadcast %mul3A_240 : i32 to vector<16xi32>
        %add3A_242 = arith.addi %add3A_241, %iota3A : vector<16xi32>
        %gather3A_243 = tpu.vector_load_idx %arg11[%add3A_242] : memref<1056xf32, #tpu.memory_space<vmem>>[vector<16xi32>], vector<16xf32>,
        %add3A_244 = arith.constant 1 : i32
        %add3A_245 = arith.addi %and3A_236, %add3A_244 : i32
        %broadcast_in_dim3A_246 = vector.broadcast %add3A_245 : i32 to vector<16xi32>
        tpu.vector_store_idx %arg17[%iota3A, %broadcast_in_dim3A_246], %gather3A_243 {add = true} : memref<16x2049xf32, #tpu.memory_space<vmem>>[vector<16xi32>, vector<16xi32>], vector<16xf32>,
        %slice3A_247 = vector.extract_strided_slice %get3A_153 {offsets = [7], sizes = [1], strides = [1]} : vector<16xi32> to vector<1xi32>
        %squeeze3A_248 = vector.extract %slice3A_247[0] : i32 from vector<1xi32>
        %and3A_249 = arith.constant 2047 : i32
        %and3A_250 = arith.andi %squeeze3A_248, %and3A_249 : i32
        %shift_right_arithmetic3A_251 = arith.constant 11 : i32
        %shift_right_arithmetic3A_252 = arith.shrsi %squeeze3A_248, %shift_right_arithmetic3A_251 : i32
        %mul3A_253 = arith.constant 16 : i32
        %mul3A_254 = arith.muli %shift_right_arithmetic3A_252, %mul3A_253 : i32
        %add3A_255 = vector.broadcast %mul3A_254 : i32 to vector<16xi32>
        %add3A_256 = arith.addi %add3A_255, %iota3A : vector<16xi32>
        %gather3A_257 = tpu.vector_load_idx %arg11[%add3A_256] : memref<1056xf32, #tpu.memory_space<vmem>>[vector<16xi32>], vector<16xf32>,
        %add3A_258 = arith.constant 1 : i32
        %add3A_259 = arith.addi %and3A_250, %add3A_258 : i32
        %broadcast_in_dim3A_260 = vector.broadcast %add3A_259 : i32 to vector<16xi32>
        tpu.vector_store_idx %arg17[%iota3A, %broadcast_in_dim3A_260], %gather3A_257 {add = true} : memref<16x2049xf32, #tpu.memory_space<vmem>>[vector<16xi32>, vector<16xi32>], vector<16xf32>,
        %slice3A_261 = vector.extract_strided_slice %get3A_153 {offsets = [8], sizes = [1], strides = [1]} : vector<16xi32> to vector<1xi32>
        %squeeze3A_262 = vector.extract %slice3A_261[0] : i32 from vector<1xi32>
        %and3A_263 = arith.constant 2047 : i32
        %and3A_264 = arith.andi %squeeze3A_262, %and3A_263 : i32
        %shift_right_arithmetic3A_265 = arith.constant 11 : i32
        %shift_right_arithmetic3A_266 = arith.shrsi %squeeze3A_262, %shift_right_arithmetic3A_265 : i32
        %mul3A_267 = arith.constant 16 : i32
        %mul3A_268 = arith.muli %shift_right_arithmetic3A_266, %mul3A_267 : i32
        %add3A_269 = vector.broadcast %mul3A_268 : i32 to vector<16xi32>
        %add3A_270 = arith.addi %add3A_269, %iota3A : vector<16xi32>
        %gather3A_271 = tpu.vector_load_idx %arg11[%add3A_270] : memref<1056xf32, #tpu.memory_space<vmem>>[vector<16xi32>], vector<16xf32>,
        %add3A_272 = arith.constant 1 : i32
        %add3A_273 = arith.addi %and3A_264, %add3A_272 : i32
        %broadcast_in_dim3A_274 = vector.broadcast %add3A_273 : i32 to vector<16xi32>
        tpu.vector_store_idx %arg17[%iota3A, %broadcast_in_dim3A_274], %gather3A_271 {add = true} : memref<16x2049xf32, #tpu.memory_space<vmem>>[vector<16xi32>, vector<16xi32>], vector<16xf32>,
        %slice3A_275 = vector.extract_strided_slice %get3A_153 {offsets = [9], sizes = [1], strides = [1]} : vector<16xi32> to vector<1xi32>
        %squeeze3A_276 = vector.extract %slice3A_275[0] : i32 from vector<1xi32>
        %and3A_277 = arith.constant 2047 : i32
        %and3A_278 = arith.andi %squeeze3A_276, %and3A_277 : i32
        %shift_right_arithmetic3A_279 = arith.constant 11 : i32
        %shift_right_arithmetic3A_280 = arith.shrsi %squeeze3A_276, %shift_right_arithmetic3A_279 : i32
        %mul3A_281 = arith.constant 16 : i32
        %mul3A_282 = arith.muli %shift_right_arithmetic3A_280, %mul3A_281 : i32
        %add3A_283 = vector.broadcast %mul3A_282 : i32 to vector<16xi32>
        %add3A_284 = arith.addi %add3A_283, %iota3A : vector<16xi32>
        %gather3A_285 = tpu.vector_load_idx %arg11[%add3A_284] : memref<1056xf32, #tpu.memory_space<vmem>>[vector<16xi32>], vector<16xf32>,
        %add3A_286 = arith.constant 1 : i32
        %add3A_287 = arith.addi %and3A_278, %add3A_286 : i32
        %broadcast_in_dim3A_288 = vector.broadcast %add3A_287 : i32 to vector<16xi32>
        tpu.vector_store_idx %arg17[%iota3A, %broadcast_in_dim3A_288], %gather3A_285 {add = true} : memref<16x2049xf32, #tpu.memory_space<vmem>>[vector<16xi32>, vector<16xi32>], vector<16xf32>,
        %slice3A_289 = vector.extract_strided_slice %get3A_153 {offsets = [10], sizes = [1], strides = [1]} : vector<16xi32> to vector<1xi32>
        %squeeze3A_290 = vector.extract %slice3A_289[0] : i32 from vector<1xi32>
        %and3A_291 = arith.constant 2047 : i32
        %and3A_292 = arith.andi %squeeze3A_290, %and3A_291 : i32
        %shift_right_arithmetic3A_293 = arith.constant 11 : i32
        %shift_right_arithmetic3A_294 = arith.shrsi %squeeze3A_290, %shift_right_arithmetic3A_293 : i32
        %mul3A_295 = arith.constant 16 : i32
        %mul3A_296 = arith.muli %shift_right_arithmetic3A_294, %mul3A_295 : i32
        %add3A_297 = vector.broadcast %mul3A_296 : i32 to vector<16xi32>
        %add3A_298 = arith.addi %add3A_297, %iota3A : vector<16xi32>
        %gather3A_299 = tpu.vector_load_idx %arg11[%add3A_298] : memref<1056xf32, #tpu.memory_space<vmem>>[vector<16xi32>], vector<16xf32>,
        %add3A_300 = arith.constant 1 : i32
        %add3A_301 = arith.addi %and3A_292, %add3A_300 : i32
        %broadcast_in_dim3A_302 = vector.broadcast %add3A_301 : i32 to vector<16xi32>
        tpu.vector_store_idx %arg17[%iota3A, %broadcast_in_dim3A_302], %gather3A_299 {add = true} : memref<16x2049xf32, #tpu.memory_space<vmem>>[vector<16xi32>, vector<16xi32>], vector<16xf32>,
        %slice3A_303 = vector.extract_strided_slice %get3A_153 {offsets = [11], sizes = [1], strides = [1]} : vector<16xi32> to vector<1xi32>
        %squeeze3A_304 = vector.extract %slice3A_303[0] : i32 from vector<1xi32>
        %and3A_305 = arith.constant 2047 : i32
        %and3A_306 = arith.andi %squeeze3A_304, %and3A_305 : i32
        %shift_right_arithmetic3A_307 = arith.constant 11 : i32
        %shift_right_arithmetic3A_308 = arith.shrsi %squeeze3A_304, %shift_right_arithmetic3A_307 : i32
        %mul3A_309 = arith.constant 16 : i32
        %mul3A_310 = arith.muli %shift_right_arithmetic3A_308, %mul3A_309 : i32
        %add3A_311 = vector.broadcast %mul3A_310 : i32 to vector<16xi32>
        %add3A_312 = arith.addi %add3A_311, %iota3A : vector<16xi32>
        %gather3A_313 = tpu.vector_load_idx %arg11[%add3A_312] : memref<1056xf32, #tpu.memory_space<vmem>>[vector<16xi32>], vector<16xf32>,
        %add3A_314 = arith.constant 1 : i32
        %add3A_315 = arith.addi %and3A_306, %add3A_314 : i32
        %broadcast_in_dim3A_316 = vector.broadcast %add3A_315 : i32 to vector<16xi32>
        tpu.vector_store_idx %arg17[%iota3A, %broadcast_in_dim3A_316], %gather3A_313 {add = true} : memref<16x2049xf32, #tpu.memory_space<vmem>>[vector<16xi32>, vector<16xi32>], vector<16xf32>,
        %slice3A_317 = vector.extract_strided_slice %get3A_153 {offsets = [12], sizes = [1], strides = [1]} : vector<16xi32> to vector<1xi32>
        %squeeze3A_318 = vector.extract %slice3A_317[0] : i32 from vector<1xi32>
        %and3A_319 = arith.constant 2047 : i32
        %and3A_320 = arith.andi %squeeze3A_318, %and3A_319 : i32
        %shift_right_arithmetic3A_321 = arith.constant 11 : i32
        %shift_right_arithmetic3A_322 = arith.shrsi %squeeze3A_318, %shift_right_arithmetic3A_321 : i32
        %mul3A_323 = arith.constant 16 : i32
        %mul3A_324 = arith.muli %shift_right_arithmetic3A_322, %mul3A_323 : i32
        %add3A_325 = vector.broadcast %mul3A_324 : i32 to vector<16xi32>
        %add3A_326 = arith.addi %add3A_325, %iota3A : vector<16xi32>
        %gather3A_327 = tpu.vector_load_idx %arg11[%add3A_326] : memref<1056xf32, #tpu.memory_space<vmem>>[vector<16xi32>], vector<16xf32>,
        %add3A_328 = arith.constant 1 : i32
        %add3A_329 = arith.addi %and3A_320, %add3A_328 : i32
        %broadcast_in_dim3A_330 = vector.broadcast %add3A_329 : i32 to vector<16xi32>
        tpu.vector_store_idx %arg17[%iota3A, %broadcast_in_dim3A_330], %gather3A_327 {add = true} : memref<16x2049xf32, #tpu.memory_space<vmem>>[vector<16xi32>, vector<16xi32>], vector<16xf32>,
        %slice3A_331 = vector.extract_strided_slice %get3A_153 {offsets = [13], sizes = [1], strides = [1]} : vector<16xi32> to vector<1xi32>
        %squeeze3A_332 = vector.extract %slice3A_331[0] : i32 from vector<1xi32>
        %and3A_333 = arith.constant 2047 : i32
        %and3A_334 = arith.andi %squeeze3A_332, %and3A_333 : i32
        %shift_right_arithmetic3A_335 = arith.constant 11 : i32
        %shift_right_arithmetic3A_336 = arith.shrsi %squeeze3A_332, %shift_right_arithmetic3A_335 : i32
        %mul3A_337 = arith.constant 16 : i32
        %mul3A_338 = arith.muli %shift_right_arithmetic3A_336, %mul3A_337 : i32
        %add3A_339 = vector.broadcast %mul3A_338 : i32 to vector<16xi32>
        %add3A_340 = arith.addi %add3A_339, %iota3A : vector<16xi32>
        %gather3A_341 = tpu.vector_load_idx %arg11[%add3A_340] : memref<1056xf32, #tpu.memory_space<vmem>>[vector<16xi32>], vector<16xf32>,
        %add3A_342 = arith.constant 1 : i32
        %add3A_343 = arith.addi %and3A_334, %add3A_342 : i32
        %broadcast_in_dim3A_344 = vector.broadcast %add3A_343 : i32 to vector<16xi32>
        tpu.vector_store_idx %arg17[%iota3A, %broadcast_in_dim3A_344], %gather3A_341 {add = true} : memref<16x2049xf32, #tpu.memory_space<vmem>>[vector<16xi32>, vector<16xi32>], vector<16xf32>,
        %slice3A_345 = vector.extract_strided_slice %get3A_153 {offsets = [14], sizes = [1], strides = [1]} : vector<16xi32> to vector<1xi32>
        %squeeze3A_346 = vector.extract %slice3A_345[0] : i32 from vector<1xi32>
        %and3A_347 = arith.constant 2047 : i32
        %and3A_348 = arith.andi %squeeze3A_346, %and3A_347 : i32
        %shift_right_arithmetic3A_349 = arith.constant 11 : i32
        %shift_right_arithmetic3A_350 = arith.shrsi %squeeze3A_346, %shift_right_arithmetic3A_349 : i32
        %mul3A_351 = arith.constant 16 : i32
        %mul3A_352 = arith.muli %shift_right_arithmetic3A_350, %mul3A_351 : i32
        %add3A_353 = vector.broadcast %mul3A_352 : i32 to vector<16xi32>
        %add3A_354 = arith.addi %add3A_353, %iota3A : vector<16xi32>
        %gather3A_355 = tpu.vector_load_idx %arg11[%add3A_354] : memref<1056xf32, #tpu.memory_space<vmem>>[vector<16xi32>], vector<16xf32>,
        %add3A_356 = arith.constant 1 : i32
        %add3A_357 = arith.addi %and3A_348, %add3A_356 : i32
        %broadcast_in_dim3A_358 = vector.broadcast %add3A_357 : i32 to vector<16xi32>
        tpu.vector_store_idx %arg17[%iota3A, %broadcast_in_dim3A_358], %gather3A_355 {add = true} : memref<16x2049xf32, #tpu.memory_space<vmem>>[vector<16xi32>, vector<16xi32>], vector<16xf32>,
        %slice3A_359 = vector.extract_strided_slice %get3A_153 {offsets = [15], sizes = [1], strides = [1]} : vector<16xi32> to vector<1xi32>
        %squeeze3A_360 = vector.extract %slice3A_359[0] : i32 from vector<1xi32>
        %and3A_361 = arith.constant 2047 : i32
        %and3A_362 = arith.andi %squeeze3A_360, %and3A_361 : i32
        %shift_right_arithmetic3A_363 = arith.constant 11 : i32
        %shift_right_arithmetic3A_364 = arith.shrsi %squeeze3A_360, %shift_right_arithmetic3A_363 : i32
        %mul3A_365 = arith.constant 16 : i32
        %mul3A_366 = arith.muli %shift_right_arithmetic3A_364, %mul3A_365 : i32
        %add3A_367 = vector.broadcast %mul3A_366 : i32 to vector<16xi32>
        %add3A_368 = arith.addi %add3A_367, %iota3A : vector<16xi32>
        %gather3A_369 = tpu.vector_load_idx %arg11[%add3A_368] : memref<1056xf32, #tpu.memory_space<vmem>>[vector<16xi32>], vector<16xf32>,
        %add3A_370 = arith.constant 1 : i32
        %add3A_371 = arith.addi %and3A_362, %add3A_370 : i32
        %broadcast_in_dim3A_372 = vector.broadcast %add3A_371 : i32 to vector<16xi32>
        tpu.vector_store_idx %arg17[%iota3A, %broadcast_in_dim3A_372], %gather3A_369 {add = true} : memref<16x2049xf32, #tpu.memory_space<vmem>>[vector<16xi32>, vector<16xi32>], vector<16xf32>,
      }
      %scan3A_132 = arith.constant 10 : i32
      %add3A_133 = arith.constant 2 : i32
      %add3A_134 = arith.addi %add3A_133, %mul3A_2 : i32
      %mul3A_135 = arith.constant 2 : i32
      %mul3A_136 = arith.muli %mul3A_135, %scan3A_93 : i32
      %add3A_137 = arith.addi %add3A_134, %mul3A_136 : i32
      %dma_start3A_138 = arith.constant 0 : i32
      %dma_start3A_139 = arith.constant 0 : i32
      %dma_start3A_140 = tpu.memref_slice %arg7[%dma_start3A_138, %add3A_137, %dma_start3A_139] : memref<16x2049x2049xf32, #tpu.memory_space<hbm>> -> memref<16x1x2049xf32, #tpu.memory_space<hbm>>
      %dma_start3A_141 = tpu.memref_squeeze %dma_start3A_140 : memref<16x1x2049xf32, #tpu.memory_space<hbm>> -> memref<16x2049xf32, #tpu.memory_space<hbm>>
      %dma_start3A_142 = arith.constant 0 : i32
      %dma_start3A_143 = arith.constant 0 : i32
      %dma_start3A_144 = tpu.memref_slice %arg7[%dma_start3A_142, %add3A_137, %dma_start3A_143] : memref<16x2049x2049xf32, #tpu.memory_space<hbm>> -> memref<16x1x2049xf32, #tpu.memory_space<hbm>>
      %dma_start3A_145 = tpu.memref_squeeze %dma_start3A_144 : memref<16x1x2049xf32, #tpu.memory_space<hbm>> -> memref<16x2049xf32, #tpu.memory_space<hbm>>
      tpu.enqueue_dma source(%arg17 : memref<16x2049xf32, #tpu.memory_space<vmem>>) target(%dma_start3A_145 : memref<16x2049xf32, #tpu.memory_space<hbm>>) target_semaphore(%arg19 : memref<!tpu.dma_semaphore, #tpu.memory_space<semaphore_mem>>)
    }
    %scan3A_73 = arith.constant 32 : i32
    %dma_wait3A = arith.constant 1 : i32
    %dma_wait3A_74 = arith.constant 0 : i32
    %dma_wait3A_75 = arith.constant 0 : i32
    %dma_wait3A_76 = tpu.memref_slice %arg7[%dma_wait3A_74, %dma_wait3A, %dma_wait3A_75] : memref<16x2049x2049xf32, #tpu.memory_space<hbm>> -> memref<16x1x2049xf32, #tpu.memory_space<hbm>>
    %dma_wait3A_77 = tpu.memref_squeeze %dma_wait3A_76 : memref<16x1x2049xf32, #tpu.memory_space<hbm>> -> memref<16x2049xf32, #tpu.memory_space<hbm>>
    %dma_wait3A_78 = arith.constant 0 : i32
    %dma_wait3A_79 = arith.constant 0 : i32
    %dma_wait3A_80 = tpu.memref_slice %arg7[%dma_wait3A_78, %dma_wait3A, %dma_wait3A_79] : memref<16x2049x2049xf32, #tpu.memory_space<hbm>> -> memref<16x1x2049xf32, #tpu.memory_space<hbm>>
    %dma_wait3A_81 = tpu.memref_squeeze %dma_wait3A_80 : memref<16x1x2049xf32, #tpu.memory_space<hbm>> -> memref<16x2049xf32, #tpu.memory_space<hbm>>
    tpu.wait_dma2 semaphore(%arg18 : memref<!tpu.dma_semaphore, #tpu.memory_space<semaphore_mem>>) src(%arg16 : memref<16x2049xf32, #tpu.memory_space<vmem>>) dst(%dma_wait3A_81 : memref<16x2049xf32, #tpu.memory_space<hbm>>)
    %dma_wait3A_82 = arith.constant 1 : i32
    %dma_wait3A_83 = arith.constant 0 : i32
    %dma_wait3A_84 = arith.constant 0 : i32
    %dma_wait3A_85 = tpu.memref_slice %arg7[%dma_wait3A_83, %dma_wait3A_82, %dma_wait3A_84] : memref<16x2049x2049xf32, #tpu.memory_space<hbm>> -> memref<16x1x2049xf32, #tpu.memory_space<hbm>>
    %dma_wait3A_86 = tpu.memref_squeeze %dma_wait3A_85 : memref<16x1x2049xf32, #tpu.memory_space<hbm>> -> memref<16x2049xf32, #tpu.memory_space<hbm>>
    %dma_wait3A_87 = arith.constant 0 : i32
    %dma_wait3A_88 = arith.constant 0 : i32
    %dma_wait3A_89 = tpu.memref_slice %arg7[%dma_wait3A_87, %dma_wait3A_82, %dma_wait3A_88] : memref<16x2049x2049xf32, #tpu.memory_space<hbm>> -> memref<16x1x2049xf32, #tpu.memory_space<hbm>>
    %dma_wait3A_90 = tpu.memref_squeeze %dma_wait3A_89 : memref<16x1x2049xf32, #tpu.memory_space<hbm>> -> memref<16x2049xf32, #tpu.memory_space<hbm>>
    tpu.wait_dma2 semaphore(%arg19 : memref<!tpu.dma_semaphore, #tpu.memory_space<semaphore_mem>>) src(%arg17 : memref<16x2049xf32, #tpu.memory_space<vmem>>) dst(%dma_wait3A_90 : memref<16x2049xf32, #tpu.memory_space<hbm>>)
    %eq3A = arith.constant 0 : i32
    %eq3A_91 = arith.cmpi eq, %add3A, %eq3A : i32
    %convert_element_type3A = arith.extui %eq3A_91 : i1 to i32
    %cond3A = arith.constant 0 : i32
    %cond3A_92 = arith.cmpi ne, %convert_element_type3A, %cond3A : i32
    scf.if %cond3A_92 {
      %slice3A = vector.extract_strided_slice %get3A_53 {offsets = [0], sizes = [1], strides = [1]} : vector<16xf32> to vector<1xf32>
      %squeeze3A = vector.extract %slice3A[0] : f32 from vector<1xf32>
      %broadcast_in_dim3A_93 = vector.broadcast %squeeze3A : f32 to vector<16xf32>
      %scan3A_94 = arith.constant 0 : i32
      %scan3A_95 = arith.constant 0 : i32
      %scan3A_96 = arith.constant 128 : i32
      %scan3A_97 = arith.addi %scan3A_95, %scan3A_96 : i32
      %scan3A_98 = arith.constant 1 : i32
      scf.for %scan3A_235 = %scan3A_95 to %scan3A_97 step %scan3A_98  : i32 {
        %mul3A_236 = arith.constant 16 : i32
        %mul3A_237 = arith.muli %scan3A_235, %mul3A_236 : i32
        %swap3A_238 = arith.constant 0 : i32
        %swap3A_239 = arith.index_cast %swap3A_238 : i32 to index
        %swap3A_240 = arith.index_cast %mul3A_237 : i32 to index
        %swap3A_241 = tpu.vector_load %arg16[%swap3A_239, %swap3A_240] {strides = array<i32>} : memref<16x2049xf32, #tpu.memory_space<vmem>>, vector<16xf32>,
        tpu.vector_store %arg16[%swap3A_239, %swap3A_240], %broadcast_in_dim3A_93 {strides = array<i32>} : memref<16x2049xf32, #tpu.memory_space<vmem>>, vector<16xf32>,
      }
      %scan3A_99 = arith.constant 128 : i32
      %slice3A_100 = vector.extract_strided_slice %get3A_53 {offsets = [1], sizes = [1], strides = [1]} : vector<16xf32> to vector<1xf32>
      %squeeze3A_101 = vector.extract %slice3A_100[0] : f32 from vector<1xf32>
      %broadcast_in_dim3A_102 = vector.broadcast %squeeze3A_101 : f32 to vector<16xf32>
      %scan3A_103 = arith.constant 0 : i32
      %scan3A_104 = arith.constant 0 : i32
      %scan3A_105 = arith.constant 128 : i32
      %scan3A_106 = arith.addi %scan3A_104, %scan3A_105 : i32
      %scan3A_107 = arith.constant 1 : i32
      scf.for %scan3A_235 = %scan3A_104 to %scan3A_106 step %scan3A_107  : i32 {
        %mul3A_236 = arith.constant 16 : i32
        %mul3A_237 = arith.muli %scan3A_235, %mul3A_236 : i32
        %swap3A_238 = arith.constant 1 : i32
        %swap3A_239 = arith.index_cast %swap3A_238 : i32 to index
        %swap3A_240 = arith.index_cast %mul3A_237 : i32 to index
        %swap3A_241 = tpu.vector_load %arg16[%swap3A_239, %swap3A_240] {strides = array<i32>} : memref<16x2049xf32, #tpu.memory_space<vmem>>, vector<16xf32>,
        tpu.vector_store %arg16[%swap3A_239, %swap3A_240], %broadcast_in_dim3A_102 {strides = array<i32>} : memref<16x2049xf32, #tpu.memory_space<vmem>>, vector<16xf32>,
      }
      %scan3A_108 = arith.constant 128 : i32
      %slice3A_109 = vector.extract_strided_slice %get3A_53 {offsets = [2], sizes = [1], strides = [1]} : vector<16xf32> to vector<1xf32>
      %squeeze3A_110 = vector.extract %slice3A_109[0] : f32 from vector<1xf32>
      %broadcast_in_dim3A_111 = vector.broadcast %squeeze3A_110 : f32 to vector<16xf32>
      %scan3A_112 = arith.constant 0 : i32
      %scan3A_113 = arith.constant 0 : i32
      %scan3A_114 = arith.constant 128 : i32
      %scan3A_115 = arith.addi %scan3A_113, %scan3A_114 : i32
      %scan3A_116 = arith.constant 1 : i32
      scf.for %scan3A_235 = %scan3A_113 to %scan3A_115 step %scan3A_116  : i32 {
        %mul3A_236 = arith.constant 16 : i32
        %mul3A_237 = arith.muli %scan3A_235, %mul3A_236 : i32
        %swap3A_238 = arith.constant 2 : i32
        %swap3A_239 = arith.index_cast %swap3A_238 : i32 to index
        %swap3A_240 = arith.index_cast %mul3A_237 : i32 to index
        %swap3A_241 = tpu.vector_load %arg16[%swap3A_239, %swap3A_240] {strides = array<i32>} : memref<16x2049xf32, #tpu.memory_space<vmem>>, vector<16xf32>,
        tpu.vector_store %arg16[%swap3A_239, %swap3A_240], %broadcast_in_dim3A_111 {strides = array<i32>} : memref<16x2049xf32, #tpu.memory_space<vmem>>, vector<16xf32>,
      }
      %scan3A_117 = arith.constant 128 : i32
      %slice3A_118 = vector.extract_strided_slice %get3A_53 {offsets = [3], sizes = [1], strides = [1]} : vector<16xf32> to vector<1xf32>
      %squeeze3A_119 = vector.extract %slice3A_118[0] : f32 from vector<1xf32>
      %broadcast_in_dim3A_120 = vector.broadcast %squeeze3A_119 : f32 to vector<16xf32>
      %scan3A_121 = arith.constant 0 : i32
      %scan3A_122 = arith.constant 0 : i32
      %scan3A_123 = arith.constant 128 : i32
      %scan3A_124 = arith.addi %scan3A_122, %scan3A_123 : i32
      %scan3A_125 = arith.constant 1 : i32
      scf.for %scan3A_235 = %scan3A_122 to %scan3A_124 step %scan3A_125  : i32 {
        %mul3A_236 = arith.constant 16 : i32
        %mul3A_237 = arith.muli %scan3A_235, %mul3A_236 : i32
        %swap3A_238 = arith.constant 3 : i32
        %swap3A_239 = arith.index_cast %swap3A_238 : i32 to index
        %swap3A_240 = arith.index_cast %mul3A_237 : i32 to index
        %swap3A_241 = tpu.vector_load %arg16[%swap3A_239, %swap3A_240] {strides = array<i32>} : memref<16x2049xf32, #tpu.memory_space<vmem>>, vector<16xf32>,
        tpu.vector_store %arg16[%swap3A_239, %swap3A_240], %broadcast_in_dim3A_120 {strides = array<i32>} : memref<16x2049xf32, #tpu.memory_space<vmem>>, vector<16xf32>,
      }
      %scan3A_126 = arith.constant 128 : i32
      %slice3A_127 = vector.extract_strided_slice %get3A_53 {offsets = [4], sizes = [1], strides = [1]} : vector<16xf32> to vector<1xf32>
      %squeeze3A_128 = vector.extract %slice3A_127[0] : f32 from vector<1xf32>
      %broadcast_in_dim3A_129 = vector.broadcast %squeeze3A_128 : f32 to vector<16xf32>
      %scan3A_130 = arith.constant 0 : i32
      %scan3A_131 = arith.constant 0 : i32
      %scan3A_132 = arith.constant 128 : i32
      %scan3A_133 = arith.addi %scan3A_131, %scan3A_132 : i32
      %scan3A_134 = arith.constant 1 : i32
      scf.for %scan3A_235 = %scan3A_131 to %scan3A_133 step %scan3A_134  : i32 {
        %mul3A_236 = arith.constant 16 : i32
        %mul3A_237 = arith.muli %scan3A_235, %mul3A_236 : i32
        %swap3A_238 = arith.constant 4 : i32
        %swap3A_239 = arith.index_cast %swap3A_238 : i32 to index
        %swap3A_240 = arith.index_cast %mul3A_237 : i32 to index
        %swap3A_241 = tpu.vector_load %arg16[%swap3A_239, %swap3A_240] {strides = array<i32>} : memref<16x2049xf32, #tpu.memory_space<vmem>>, vector<16xf32>,
        tpu.vector_store %arg16[%swap3A_239, %swap3A_240], %broadcast_in_dim3A_129 {strides = array<i32>} : memref<16x2049xf32, #tpu.memory_space<vmem>>, vector<16xf32>,
      }
      %scan3A_135 = arith.constant 128 : i32
      %slice3A_136 = vector.extract_strided_slice %get3A_53 {offsets = [5], sizes = [1], strides = [1]} : vector<16xf32> to vector<1xf32>
      %squeeze3A_137 = vector.extract %slice3A_136[0] : f32 from vector<1xf32>
      %broadcast_in_dim3A_138 = vector.broadcast %squeeze3A_137 : f32 to vector<16xf32>
      %scan3A_139 = arith.constant 0 : i32
      %scan3A_140 = arith.constant 0 : i32
      %scan3A_141 = arith.constant 128 : i32
      %scan3A_142 = arith.addi %scan3A_140, %scan3A_141 : i32
      %scan3A_143 = arith.constant 1 : i32
      scf.for %scan3A_235 = %scan3A_140 to %scan3A_142 step %scan3A_143  : i32 {
        %mul3A_236 = arith.constant 16 : i32
        %mul3A_237 = arith.muli %scan3A_235, %mul3A_236 : i32
        %swap3A_238 = arith.constant 5 : i32
        %swap3A_239 = arith.index_cast %swap3A_238 : i32 to index
        %swap3A_240 = arith.index_cast %mul3A_237 : i32 to index
        %swap3A_241 = tpu.vector_load %arg16[%swap3A_239, %swap3A_240] {strides = array<i32>} : memref<16x2049xf32, #tpu.memory_space<vmem>>, vector<16xf32>,
        tpu.vector_store %arg16[%swap3A_239, %swap3A_240], %broadcast_in_dim3A_138 {strides = array<i32>} : memref<16x2049xf32, #tpu.memory_space<vmem>>, vector<16xf32>,
      }
      %scan3A_144 = arith.constant 128 : i32
      %slice3A_145 = vector.extract_strided_slice %get3A_53 {offsets = [6], sizes = [1], strides = [1]} : vector<16xf32> to vector<1xf32>
      %squeeze3A_146 = vector.extract %slice3A_145[0] : f32 from vector<1xf32>
      %broadcast_in_dim3A_147 = vector.broadcast %squeeze3A_146 : f32 to vector<16xf32>
      %scan3A_148 = arith.constant 0 : i32
      %scan3A_149 = arith.constant 0 : i32
      %scan3A_150 = arith.constant 128 : i32
      %scan3A_151 = arith.addi %scan3A_149, %scan3A_150 : i32
      %scan3A_152 = arith.constant 1 : i32
      scf.for %scan3A_235 = %scan3A_149 to %scan3A_151 step %scan3A_152  : i32 {
        %mul3A_236 = arith.constant 16 : i32
        %mul3A_237 = arith.muli %scan3A_235, %mul3A_236 : i32
        %swap3A_238 = arith.constant 6 : i32
        %swap3A_239 = arith.index_cast %swap3A_238 : i32 to index
        %swap3A_240 = arith.index_cast %mul3A_237 : i32 to index
        %swap3A_241 = tpu.vector_load %arg16[%swap3A_239, %swap3A_240] {strides = array<i32>} : memref<16x2049xf32, #tpu.memory_space<vmem>>, vector<16xf32>,
        tpu.vector_store %arg16[%swap3A_239, %swap3A_240], %broadcast_in_dim3A_147 {strides = array<i32>} : memref<16x2049xf32, #tpu.memory_space<vmem>>, vector<16xf32>,
      }
      %scan3A_153 = arith.constant 128 : i32
      %slice3A_154 = vector.extract_strided_slice %get3A_53 {offsets = [7], sizes = [1], strides = [1]} : vector<16xf32> to vector<1xf32>
      %squeeze3A_155 = vector.extract %slice3A_154[0] : f32 from vector<1xf32>
      %broadcast_in_dim3A_156 = vector.broadcast %squeeze3A_155 : f32 to vector<16xf32>
      %scan3A_157 = arith.constant 0 : i32
      %scan3A_158 = arith.constant 0 : i32
      %scan3A_159 = arith.constant 128 : i32
      %scan3A_160 = arith.addi %scan3A_158, %scan3A_159 : i32
      %scan3A_161 = arith.constant 1 : i32
      scf.for %scan3A_235 = %scan3A_158 to %scan3A_160 step %scan3A_161  : i32 {
        %mul3A_236 = arith.constant 16 : i32
        %mul3A_237 = arith.muli %scan3A_235, %mul3A_236 : i32
        %swap3A_238 = arith.constant 7 : i32
        %swap3A_239 = arith.index_cast %swap3A_238 : i32 to index
        %swap3A_240 = arith.index_cast %mul3A_237 : i32 to index
        %swap3A_241 = tpu.vector_load %arg16[%swap3A_239, %swap3A_240] {strides = array<i32>} : memref<16x2049xf32, #tpu.memory_space<vmem>>, vector<16xf32>,
        tpu.vector_store %arg16[%swap3A_239, %swap3A_240], %broadcast_in_dim3A_156 {strides = array<i32>} : memref<16x2049xf32, #tpu.memory_space<vmem>>, vector<16xf32>,
      }
      %scan3A_162 = arith.constant 128 : i32
      %slice3A_163 = vector.extract_strided_slice %get3A_53 {offsets = [8], sizes = [1], strides = [1]} : vector<16xf32> to vector<1xf32>
      %squeeze3A_164 = vector.extract %slice3A_163[0] : f32 from vector<1xf32>
      %broadcast_in_dim3A_165 = vector.broadcast %squeeze3A_164 : f32 to vector<16xf32>
      %scan3A_166 = arith.constant 0 : i32
      %scan3A_167 = arith.constant 0 : i32
      %scan3A_168 = arith.constant 128 : i32
      %scan3A_169 = arith.addi %scan3A_167, %scan3A_168 : i32
      %scan3A_170 = arith.constant 1 : i32
      scf.for %scan3A_235 = %scan3A_167 to %scan3A_169 step %scan3A_170  : i32 {
        %mul3A_236 = arith.constant 16 : i32
        %mul3A_237 = arith.muli %scan3A_235, %mul3A_236 : i32
        %swap3A_238 = arith.constant 8 : i32
        %swap3A_239 = arith.index_cast %swap3A_238 : i32 to index
        %swap3A_240 = arith.index_cast %mul3A_237 : i32 to index
        %swap3A_241 = tpu.vector_load %arg16[%swap3A_239, %swap3A_240] {strides = array<i32>} : memref<16x2049xf32, #tpu.memory_space<vmem>>, vector<16xf32>,
        tpu.vector_store %arg16[%swap3A_239, %swap3A_240], %broadcast_in_dim3A_165 {strides = array<i32>} : memref<16x2049xf32, #tpu.memory_space<vmem>>, vector<16xf32>,
      }
      %scan3A_171 = arith.constant 128 : i32
      %slice3A_172 = vector.extract_strided_slice %get3A_53 {offsets = [9], sizes = [1], strides = [1]} : vector<16xf32> to vector<1xf32>
      %squeeze3A_173 = vector.extract %slice3A_172[0] : f32 from vector<1xf32>
      %broadcast_in_dim3A_174 = vector.broadcast %squeeze3A_173 : f32 to vector<16xf32>
      %scan3A_175 = arith.constant 0 : i32
      %scan3A_176 = arith.constant 0 : i32
      %scan3A_177 = arith.constant 128 : i32
      %scan3A_178 = arith.addi %scan3A_176, %scan3A_177 : i32
      %scan3A_179 = arith.constant 1 : i32
      scf.for %scan3A_235 = %scan3A_176 to %scan3A_178 step %scan3A_179  : i32 {
        %mul3A_236 = arith.constant 16 : i32
        %mul3A_237 = arith.muli %scan3A_235, %mul3A_236 : i32
        %swap3A_238 = arith.constant 9 : i32
        %swap3A_239 = arith.index_cast %swap3A_238 : i32 to index
        %swap3A_240 = arith.index_cast %mul3A_237 : i32 to index
        %swap3A_241 = tpu.vector_load %arg16[%swap3A_239, %swap3A_240] {strides = array<i32>} : memref<16x2049xf32, #tpu.memory_space<vmem>>, vector<16xf32>,
        tpu.vector_store %arg16[%swap3A_239, %swap3A_240], %broadcast_in_dim3A_174 {strides = array<i32>} : memref<16x2049xf32, #tpu.memory_space<vmem>>, vector<16xf32>,
      }
      %scan3A_180 = arith.constant 128 : i32
      %slice3A_181 = vector.extract_strided_slice %get3A_53 {offsets = [10], sizes = [1], strides = [1]} : vector<16xf32> to vector<1xf32>
      %squeeze3A_182 = vector.extract %slice3A_181[0] : f32 from vector<1xf32>
      %broadcast_in_dim3A_183 = vector.broadcast %squeeze3A_182 : f32 to vector<16xf32>
      %scan3A_184 = arith.constant 0 : i32
      %scan3A_185 = arith.constant 0 : i32
      %scan3A_186 = arith.constant 128 : i32
      %scan3A_187 = arith.addi %scan3A_185, %scan3A_186 : i32
      %scan3A_188 = arith.constant 1 : i32
      scf.for %scan3A_235 = %scan3A_185 to %scan3A_187 step %scan3A_188  : i32 {
        %mul3A_236 = arith.constant 16 : i32
        %mul3A_237 = arith.muli %scan3A_235, %mul3A_236 : i32
        %swap3A_238 = arith.constant 10 : i32
        %swap3A_239 = arith.index_cast %swap3A_238 : i32 to index
        %swap3A_240 = arith.index_cast %mul3A_237 : i32 to index
        %swap3A_241 = tpu.vector_load %arg16[%swap3A_239, %swap3A_240] {strides = array<i32>} : memref<16x2049xf32, #tpu.memory_space<vmem>>, vector<16xf32>,
        tpu.vector_store %arg16[%swap3A_239, %swap3A_240], %broadcast_in_dim3A_183 {strides = array<i32>} : memref<16x2049xf32, #tpu.memory_space<vmem>>, vector<16xf32>,
      }
      %scan3A_189 = arith.constant 128 : i32
      %slice3A_190 = vector.extract_strided_slice %get3A_53 {offsets = [11], sizes = [1], strides = [1]} : vector<16xf32> to vector<1xf32>
      %squeeze3A_191 = vector.extract %slice3A_190[0] : f32 from vector<1xf32>
      %broadcast_in_dim3A_192 = vector.broadcast %squeeze3A_191 : f32 to vector<16xf32>
      %scan3A_193 = arith.constant 0 : i32
      %scan3A_194 = arith.constant 0 : i32
      %scan3A_195 = arith.constant 128 : i32
      %scan3A_196 = arith.addi %scan3A_194, %scan3A_195 : i32
      %scan3A_197 = arith.constant 1 : i32
      scf.for %scan3A_235 = %scan3A_194 to %scan3A_196 step %scan3A_197  : i32 {
        %mul3A_236 = arith.constant 16 : i32
        %mul3A_237 = arith.muli %scan3A_235, %mul3A_236 : i32
        %swap3A_238 = arith.constant 11 : i32
        %swap3A_239 = arith.index_cast %swap3A_238 : i32 to index
        %swap3A_240 = arith.index_cast %mul3A_237 : i32 to index
        %swap3A_241 = tpu.vector_load %arg16[%swap3A_239, %swap3A_240] {strides = array<i32>} : memref<16x2049xf32, #tpu.memory_space<vmem>>, vector<16xf32>,
        tpu.vector_store %arg16[%swap3A_239, %swap3A_240], %broadcast_in_dim3A_192 {strides = array<i32>} : memref<16x2049xf32, #tpu.memory_space<vmem>>, vector<16xf32>,
      }
      %scan3A_198 = arith.constant 128 : i32
      %slice3A_199 = vector.extract_strided_slice %get3A_53 {offsets = [12], sizes = [1], strides = [1]} : vector<16xf32> to vector<1xf32>
      %squeeze3A_200 = vector.extract %slice3A_199[0] : f32 from vector<1xf32>
      %broadcast_in_dim3A_201 = vector.broadcast %squeeze3A_200 : f32 to vector<16xf32>
      %scan3A_202 = arith.constant 0 : i32
      %scan3A_203 = arith.constant 0 : i32
      %scan3A_204 = arith.constant 128 : i32
      %scan3A_205 = arith.addi %scan3A_203, %scan3A_204 : i32
      %scan3A_206 = arith.constant 1 : i32
      scf.for %scan3A_235 = %scan3A_203 to %scan3A_205 step %scan3A_206  : i32 {
        %mul3A_236 = arith.constant 16 : i32
        %mul3A_237 = arith.muli %scan3A_235, %mul3A_236 : i32
        %swap3A_238 = arith.constant 12 : i32
        %swap3A_239 = arith.index_cast %swap3A_238 : i32 to index
        %swap3A_240 = arith.index_cast %mul3A_237 : i32 to index
        %swap3A_241 = tpu.vector_load %arg16[%swap3A_239, %swap3A_240] {strides = array<i32>} : memref<16x2049xf32, #tpu.memory_space<vmem>>, vector<16xf32>,
        tpu.vector_store %arg16[%swap3A_239, %swap3A_240], %broadcast_in_dim3A_201 {strides = array<i32>} : memref<16x2049xf32, #tpu.memory_space<vmem>>, vector<16xf32>,
      }
      %scan3A_207 = arith.constant 128 : i32
      %slice3A_208 = vector.extract_strided_slice %get3A_53 {offsets = [13], sizes = [1], strides = [1]} : vector<16xf32> to vector<1xf32>
      %squeeze3A_209 = vector.extract %slice3A_208[0] : f32 from vector<1xf32>
      %broadcast_in_dim3A_210 = vector.broadcast %squeeze3A_209 : f32 to vector<16xf32>
      %scan3A_211 = arith.constant 0 : i32
      %scan3A_212 = arith.constant 0 : i32
      %scan3A_213 = arith.constant 128 : i32
      %scan3A_214 = arith.addi %scan3A_212, %scan3A_213 : i32
      %scan3A_215 = arith.constant 1 : i32
      scf.for %scan3A_235 = %scan3A_212 to %scan3A_214 step %scan3A_215  : i32 {
        %mul3A_236 = arith.constant 16 : i32
        %mul3A_237 = arith.muli %scan3A_235, %mul3A_236 : i32
        %swap3A_238 = arith.constant 13 : i32
        %swap3A_239 = arith.index_cast %swap3A_238 : i32 to index
        %swap3A_240 = arith.index_cast %mul3A_237 : i32 to index
        %swap3A_241 = tpu.vector_load %arg16[%swap3A_239, %swap3A_240] {strides = array<i32>} : memref<16x2049xf32, #tpu.memory_space<vmem>>, vector<16xf32>,
        tpu.vector_store %arg16[%swap3A_239, %swap3A_240], %broadcast_in_dim3A_210 {strides = array<i32>} : memref<16x2049xf32, #tpu.memory_space<vmem>>, vector<16xf32>,
      }
      %scan3A_216 = arith.constant 128 : i32
      %slice3A_217 = vector.extract_strided_slice %get3A_53 {offsets = [14], sizes = [1], strides = [1]} : vector<16xf32> to vector<1xf32>
      %squeeze3A_218 = vector.extract %slice3A_217[0] : f32 from vector<1xf32>
      %broadcast_in_dim3A_219 = vector.broadcast %squeeze3A_218 : f32 to vector<16xf32>
      %scan3A_220 = arith.constant 0 : i32
      %scan3A_221 = arith.constant 0 : i32
      %scan3A_222 = arith.constant 128 : i32
      %scan3A_223 = arith.addi %scan3A_221, %scan3A_222 : i32
      %scan3A_224 = arith.constant 1 : i32
      scf.for %scan3A_235 = %scan3A_221 to %scan3A_223 step %scan3A_224  : i32 {
        %mul3A_236 = arith.constant 16 : i32
        %mul3A_237 = arith.muli %scan3A_235, %mul3A_236 : i32
        %swap3A_238 = arith.constant 14 : i32
        %swap3A_239 = arith.index_cast %swap3A_238 : i32 to index
        %swap3A_240 = arith.index_cast %mul3A_237 : i32 to index
        %swap3A_241 = tpu.vector_load %arg16[%swap3A_239, %swap3A_240] {strides = array<i32>} : memref<16x2049xf32, #tpu.memory_space<vmem>>, vector<16xf32>,
        tpu.vector_store %arg16[%swap3A_239, %swap3A_240], %broadcast_in_dim3A_219 {strides = array<i32>} : memref<16x2049xf32, #tpu.memory_space<vmem>>, vector<16xf32>,
      }
      %scan3A_225 = arith.constant 128 : i32
      %slice3A_226 = vector.extract_strided_slice %get3A_53 {offsets = [15], sizes = [1], strides = [1]} : vector<16xf32> to vector<1xf32>
      %squeeze3A_227 = vector.extract %slice3A_226[0] : f32 from vector<1xf32>
      %broadcast_in_dim3A_228 = vector.broadcast %squeeze3A_227 : f32 to vector<16xf32>
      %scan3A_229 = arith.constant 0 : i32
      %scan3A_230 = arith.constant 0 : i32
      %scan3A_231 = arith.constant 128 : i32
      %scan3A_232 = arith.addi %scan3A_230, %scan3A_231 : i32
      %scan3A_233 = arith.constant 1 : i32
      scf.for %scan3A_235 = %scan3A_230 to %scan3A_232 step %scan3A_233  : i32 {
        %mul3A_236 = arith.constant 16 : i32
        %mul3A_237 = arith.muli %scan3A_235, %mul3A_236 : i32
        %swap3A_238 = arith.constant 15 : i32
        %swap3A_239 = arith.index_cast %swap3A_238 : i32 to index
        %swap3A_240 = arith.index_cast %mul3A_237 : i32 to index
        %swap3A_241 = tpu.vector_load %arg16[%swap3A_239, %swap3A_240] {strides = array<i32>} : memref<16x2049xf32, #tpu.memory_space<vmem>>, vector<16xf32>,
        tpu.vector_store %arg16[%swap3A_239, %swap3A_240], %broadcast_in_dim3A_228 {strides = array<i32>} : memref<16x2049xf32, #tpu.memory_space<vmem>>, vector<16xf32>,
      }
      %scan3A_234 = arith.constant 128 : i32
      tpu.vector_store_idx %arg16[%iota3A, %broadcast_in_dim3A_55], %get3A_53 : memref<16x2049xf32, #tpu.memory_space<vmem>>[vector<16xi32>, vector<16xi32>], vector<16xf32>,
      %run_scoped3A = arith.constant 0 : i32
      "tpu.region"() ({
        %run_scoped3A_235 = tpu.sem_alloc : memref<!tpu.dma_semaphore, #tpu.memory_space<semaphore_mem>>
        %dma_start3A = arith.constant 0 : i32
        %dma_start3A_236 = arith.constant 0 : i32
        %dma_start3A_237 = tpu.memref_slice %arg7[%dma_start3A, %run_scoped3A, %dma_start3A_236] : memref<16x2049x2049xf32, #tpu.memory_space<hbm>> -> memref<16x1x2049xf32, #tpu.memory_space<hbm>>
        %dma_start3A_238 = tpu.memref_squeeze %dma_start3A_237 : memref<16x1x2049xf32, #tpu.memory_space<hbm>> -> memref<16x2049xf32, #tpu.memory_space<hbm>>
        %dma_start3A_239 = arith.constant 0 : i32
        %dma_start3A_240 = arith.constant 0 : i32
        %dma_start3A_241 = tpu.memref_slice %arg7[%dma_start3A_239, %run_scoped3A, %dma_start3A_240] : memref<16x2049x2049xf32, #tpu.memory_space<hbm>> -> memref<16x1x2049xf32, #tpu.memory_space<hbm>>
        %dma_start3A_242 = tpu.memref_squeeze %dma_start3A_241 : memref<16x1x2049xf32, #tpu.memory_space<hbm>> -> memref<16x2049xf32, #tpu.memory_space<hbm>>
        tpu.enqueue_dma source(%arg16 : memref<16x2049xf32, #tpu.memory_space<vmem>>) target(%dma_start3A_242 : memref<16x2049xf32, #tpu.memory_space<hbm>>) target_semaphore(%run_scoped3A_235 : memref<!tpu.dma_semaphore, #tpu.memory_space<semaphore_mem>>)
        %dma_wait3A_243 = arith.constant 0 : i32
        %dma_wait3A_244 = arith.constant 0 : i32
        %dma_wait3A_245 = tpu.memref_slice %arg7[%dma_wait3A_243, %run_scoped3A, %dma_wait3A_244] : memref<16x2049x2049xf32, #tpu.memory_space<hbm>> -> memref<16x1x2049xf32, #tpu.memory_space<hbm>>
        %dma_wait3A_246 = tpu.memref_squeeze %dma_wait3A_245 : memref<16x1x2049xf32, #tpu.memory_space<hbm>> -> memref<16x2049xf32, #tpu.memory_space<hbm>>
        %dma_wait3A_247 = arith.constant 0 : i32
        %dma_wait3A_248 = arith.constant 0 : i32
        %dma_wait3A_249 = tpu.memref_slice %arg7[%dma_wait3A_247, %run_scoped3A, %dma_wait3A_248] : memref<16x2049x2049xf32, #tpu.memory_space<hbm>> -> memref<16x1x2049xf32, #tpu.memory_space<hbm>>
        %dma_wait3A_250 = tpu.memref_squeeze %dma_wait3A_249 : memref<16x1x2049xf32, #tpu.memory_space<hbm>> -> memref<16x2049xf32, #tpu.memory_space<hbm>>
        tpu.wait_dma2 semaphore(%run_scoped3A_235 : memref<!tpu.dma_semaphore, #tpu.memory_space<semaphore_mem>>) src(%arg16 : memref<16x2049xf32, #tpu.memory_space<vmem>>) dst(%dma_wait3A_250 : memref<16x2049xf32, #tpu.memory_space<hbm>>)
        tpu.yield
      }) : () -> ()
    } else {
    }
    return
  }
}

</mosaic_0001>

<sc_bundles>
// kernel: kernel.3.cloned.1.call-start
scs
__scs_entry_jumppad:
0x0: {  	(pc) =	sbr.rel $0x88, $3  }
0x1: {  	(tag) =	ssettag $0x0;
	lr =	simm.s32 $0x1  }
0x2: {  	[smem:$0x3F9D] =	sst lr;
	_ =	strace $0xD0000000  }
0x3: {  	_ = 	snop  }
0x4: {  	_ = 	snop  }
0x5: {  	_ = 	snop  }
0x6: {  	_ = 	snop  }
0x7: {  	_ = 	snop  }
__scs_overlays_trampoline_lowered:
0x8: {  	[smem:$0x3FAC] =	sst s0  }
0x9: {  	[smem:$0x3FAD] =	sst s1  }
0xa: {  	[smem:$0x3FAE] =	sst s2  }
0xb: {  	[smem:$0x3FAF] =	sst s3  }
0xc: {  	[smem:$0x3FB0] =	sst s4  }
0xd: {  	[smem:$0x3FB1] =	sst s5  }
0xe: {  	[smem:$0x3FB2] =	sst s6  }
0xf: {  	[smem:$0x3FB3] =	sst s7  }
0x10: {  	[smem:$0x3FB4] =	sst s8  }
0x11: {  	[smem:$0x3FB5] =	sst s9;
	s0 =	simm.s32 @!p0 $0x0  }
0x12: {  	s1 =	sld [smem:$0x3F9B];
	s0 =	simm.s32 @p0 $0x1  }
0x13: {  	[smem:$0x3FB6] =	sst s0;
	s0 =	simm.s32 @!p1 $0x0  }
0x14: {  	s2 =	sld [smem:$0x3F9A];
	s0 =	simm.s32 @p1 $0x1  }
0x15: {  	[smem:$0x3FB7] =	sst s0;
	s0 =	simm.s32 @!p2 $0x0  }
0x16: {  	s3 =	sld [smem:$0x3FDB];
	s0 =	simm.s32 @p2 $0x1  }
0x17: {  	s4 =	simm.s32 $0x1BF5;
	[smem:$0x3FB9] =	sst s0  }
0x18: {  	s0 =	sld [smem:$0x3F9C];
	_ =	swait.ge [sflag:s4], $0x0  }
0x19: {  	s7 =	sld [smem:$0x3F9D]  }
0x1a: {  	s8 =	sadd.s32 $0xFFFFE003, lr  }
0x1b: {  	s9 =	sadd.s32 $0xFFFFFEF7, lr;
	s5 =	simm.s32 $0xFFFFFFFF;
	p2 =	slt.u32 s8, $0xFFFFF086  }
0x1c: {  	p1 =	slt.u32 s9, $0xF7A;
	s5 =	simm.s32 @!p2 $0x0  }
0x1d: {  	s5 =	simm.s32 @p1 $0x1;
	p0 =	seq.s32 s7, s2  }
0x1e: {  	s7 =	smul.u32 @!p0 $0xF7A, s2;
	p2 =	seq.s32 @!p0 s5, $0x0  }
0x1f: {  	s9 =	smul.u32 $0xF7A, s1;
	s8 =	simm.s32 @!p0 $0x1BF5;
	p2 =	por !p2, p0  }
0x20: {  	[sflag:s8] =	ssyncset.s32 @!p0 $0xFFFFF086;
	s6 =	sadd.s32 @!p0 s3, s7;
	s7 =	simm.s32 @!p0 $0x108  }
0x21: {  	s3 =	sadd.s32 s3, s9;
	s6 =	sadd.s32 @!p0 $0x88, s6;
	s7 =	simm.s32 @p2 $0x1082  }
0x22: {  	[simem:s7], [sflag:s8] =	dma.local @!p0 [hbm:s6], $0xF7A  }
0x23: {  	s9 =	sor.u32 $0xD0000000, s2;
	s6 =	simm.s32 $0x108;
	_ =	swait.ge @!p0 [sflag:s8], $0x0  }
0x24: {  	s3 =	sadd.s32 $0x88, s3;
	s6 =	simm.s32 @!p1 $0x1082;
	[sflag:s4] =	ssyncset.s32 $0xFFFFF086  }
0x25: {  	[simem:s6], [sflag:s4] =	dma.local [hbm:s3], $0xF7A  }
0x26: {  	[smem:$0x3F9D] =	sst s1;
	(tag) =	ssettag s2;
	_ =	strace s9  }
0x27: {  	s1 =	sld [smem:$0x3FAD]  }
0x28: {  	s2 =	sld [smem:$0x3FAE]  }
0x29: {  	s4 =	sld [smem:$0x3FB0]  }
0x2a: {  	p0 =	seq.s32 s5, $0x0;
	s5 =	sld [smem:$0x3FB1]  }
0x2b: {  	s6 =	sld [smem:$0x3FB2]  }
0x2c: {  	s7 =	sld [smem:$0x3FB3]  }
0x2d: {  	s3 =	simm.s32 $0x108;
	s8 =	sld [smem:$0x3FB4]  }
0x2e: {  	s3 =	simm.s32 @!p0 $0x1082;
	s9 =	sld [smem:$0x3FB5]  }
0x2f: {  	lr =	sadd.s32 s0, s3;
	s0 =	sld [smem:$0x3FAC]  }
0x30: {  	s3 =	sld [smem:$0x3FAF]  }
0x31: {  	[smem:$0x3FB8] =	sst s10  }
0x32: {  	s10 =	sld [smem:$0x3FB6];
	_ =	sdelay $0x3  }
0x33: {  	p0 =	seq.s32 s10, $0x1;
	s10 =	sld [smem:$0x3FB8];
	_ =	sdelay $0x3  }
0x34: {  	[smem:$0x3FB8] =	sst s10  }
0x35: {  	s10 =	sld [smem:$0x3FB7];
	_ =	sdelay $0x3  }
0x36: {  	p1 =	seq.s32 s10, $0x1;
	s10 =	sld [smem:$0x3FB8];
	_ =	sdelay $0x3  }
0x37: {  	[smem:$0x3FB8] =	sst s10  }
0x38: {  	s10 =	sld [smem:$0x3FB9]  }
0x39: {  	_ = 	snop;
	(pc) =	sbr.ind lr, $3  }
0x3a: {  	_ = 	snop  }
0x3b: {  	_ = 	snop  }
0x3c: {  	p2 =	seq.s32 s10, $0x1;
	s10 =	sld [smem:$0x3FB8]  }
0x3d: {  	_ =	shalt  }
0x3e: {  	_ =	shalt  }
0x3f: {  	_ =	shalt  }
0x40: {  	_ =	shalt  }
0x41: {  	_ =	shalt  }
0x42: {  	_ =	shalt  }
0x43: {  	_ =	shalt  }
0x44: {  	_ =	shalt  }
0x45: {  	_ =	shalt  }
0x46: {  	_ =	shalt  }
0x47: {  	_ =	shalt  }
0x48: {  	_ =	shalt  }
0x49: {  	_ =	shalt  }
0x4a: {  	_ =	shalt  }
0x4b: {  	_ =	shalt  }
0x4c: {  	_ =	shalt  }
0x4d: {  	_ =	shalt  }
0x4e: {  	_ =	shalt  }
0x4f: {  	_ =	shalt  }
0x50: {  	_ =	shalt  }
0x51: {  	_ =	shalt  }
0x52: {  	_ =	shalt  }
0x53: {  	_ =	shalt  }
0x54: {  	_ =	shalt  }
0x55: {  	_ =	shalt  }
0x56: {  	_ =	shalt  }
0x57: {  	_ =	shalt  }
0x58: {  	_ =	shalt  }
0x59: {  	_ =	shalt  }
0x5a: {  	_ =	shalt  }
0x5b: {  	_ =	shalt  }
0x5c: {  	_ =	shalt  }
0x5d: {  	_ =	shalt  }
0x5e: {  	_ =	shalt  }
0x5f: {  	_ =	shalt  }
0x60: {  	_ =	shalt  }
0x61: {  	_ =	shalt  }
0x62: {  	_ =	shalt  }
0x63: {  	_ =	shalt  }
0x64: {  	_ =	shalt  }
0x65: {  	_ =	shalt  }
0x66: {  	_ =	shalt  }
0x67: {  	_ =	shalt  }
0x68: {  	_ =	shalt  }
0x69: {  	_ =	shalt  }
0x6a: {  	_ =	shalt  }
0x6b: {  	_ =	shalt  }
0x6c: {  	_ =	shalt  }
0x6d: {  	_ =	shalt  }
0x6e: {  	_ =	shalt  }
0x6f: {  	_ =	shalt  }
0x70: {  	_ =	shalt  }
0x71: {  	_ =	shalt  }
0x72: {  	_ =	shalt  }
0x73: {  	_ =	shalt  }
0x74: {  	_ =	shalt  }
0x75: {  	_ =	shalt  }
0x76: {  	_ =	shalt  }
0x77: {  	_ =	shalt  }
0x78: {  	_ =	shalt  }
0x79: {  	_ =	shalt  }
0x7a: {  	_ =	shalt  }
0x7b: {  	_ =	shalt  }
0x7c: {  	_ =	shalt  }
0x7d: {  	_ =	shalt  }
0x7e: {  	_ =	shalt  }
0x7f: {  	_ =	shalt  }
0x80: {  	_ =	shalt  }
0x81: {  	_ =	shalt  }
0x82: {  	_ =	shalt  }
0x83: {  	_ =	shalt  }
0x84: {  	_ =	shalt  }
0x85: {  	_ =	shalt  }
0x86: {  	_ =	shalt  }
0x87: {  	_ =	shalt  }
.Lfunc_end0:
.L_simem_size_0:
called_computation.1_lowered:
.L_overlay_start_0:
0x88: {  	s2 =	sld [smem:$0x3FD9]  }
0x89: {  	s3 =	sld [smem:$0x3FFE];
	_ =	sdelay $0x1  }
0x8a: {  	s1 =	srdreg.scid  }
0x8b: {  	s0 =	sand.u32 $0x1, s1  }
0x8c: {  	s17 =	sshll.u32 s0, $0xA;
	s2 =	sadd.s32 s3, s2  }
0x8d: {  	s2 =	sadd.s32 s2, s17  }
0x8e: {  	[smem:$0x3FC4] =	sst s2  }
0x8f: {  	_ = 	snop  }
0x90: {  	s2 =	sld [smem:$0x3FC9]  }
0x91: {  	s18 =	sld [smem:$0x3FC6]  }
0x92: {  	s4 =	sld [smem:$0x3FD0];
	(tm) =	ssettm $0x1  }
0x93: {  	s5 =	sld [smem:$0x3FFB];
	_ =	sdelay $0x3  }
0x94: {  	_ =	strace s5  }
0x95: {  	s5 =	sld [smem:$0x3FFC];
	_ =	sdelay $0x3  }
0x96: {  	_ =	strace s5  }
0x97: {  	s5 =	sld [smem:$0x3FFD];
	_ =	sdelay $0x3  }
0x98: {  	_ =	strace s5  }
0x99: {  	_ =	strace $0x8FFFFFFF  }
0x9a: {  	s19 =	sld [smem:$0x3FDB];
	_ =	sdelay $0x1  }
0x9b: {  	s6 =	simm.s32 $_scs_section_size  }
0x9c: {  	s7 =	simm.s32 $_size__tile_overlayer_lowered;
	s8 =	simm.s32 $_tile_overlayer_lowered  }
0x9d: {  	s22 =	simm.s32 $0x1BFF;
	s21 =	sshll.u32 s8, $0x1;
	s5 =	sadd.s32 s6, s19  }
0x9e: {  	s9 =	simm.s32 $0x0;
	s20 =	sshll.u32 s7, $0x1;
	s7 =	sadd.s32 s21, s5  }
0x9f: {  	[timem:s9], [sflag:s22] =	dma.local [hbm:s7], s20  }
0xa0: {  	_ =	swait.ge [sflag:s22], s20  }
0xa1: {  	s6 =	ssub.s32 $0x0, s20;
	[sflag:s22] =	ssyncset.done $0x0  }
0xa2: {  	[sflag:s22] =	ssyncadd.s32 s6;
	_ =	sdelay $0x1  }
0xa3: {  	s23 =	simm.s32 $0x1B8B  }
0xa4: {  	_ =	swait.ge [sflag:s23], $0x1  }
0xa5: {  	[sflag:s23] =	ssyncset.done $0x0  }
0xa6: {  	s25 =	simm.s32 $0x1B8E;
	s24 =	sld [smem:$0x3FFE];
	[sflag:s23] =	ssyncadd.s32 $0xFFFFFFFF  }
0xa7: {  	s26 =	simm.s32 $execute0_lowered;
	[smem:$0x3FD2] =	sst s25  }
0xa8: {  	s7 =	sshll.u32 s26, $0x1;
	_ =	strace $0x80000046;
	[dreg:$0x1] =	wrdreg $0xFFFFFFFF  }
0xa9: {  	s28 =	simm.s32 $_size_execute0_lowered;
	s5 =	sadd.s32 s5, s7;
	[dreg:$0x0] =	wrdreg $0x0  }
0xaa: {  	s7 =	sshll.u32 s28, $0x1;
	[dreg:$0x2] =	wrdreg s5  }
0xab: {  	[dreg:$0x3] =	wrdreg s7  }
0xac: {  	[dreg:$0x4] =	wrdreg $0xC0  }
0xad: {  	_ =	task [dreg:s9], $0x5FFFF  }
0xae: {  	[dreg:$0x1] =	wrdreg $0xFFFFFFFF  }
0xaf: {  	[dreg:$0x0] =	wrdreg $0x60  }
0xb0: {  	[dreg:$0x2] =	wrdreg s24  }
0xb1: {  	[dreg:$0x3] =	wrdreg s2  }
0xb2: {  	[dreg:$0x4] =	wrdreg s18  }
0xb3: {  	[dreg:$0x5] =	wrdreg s4  }
0xb4: {  	[dreg:$0x6] =	wrdreg $0x9  }
0xb5: {  	_ =	task.clear_ibuf [dreg:s9], $0x7FFFF;
	_ =	strace $0x90000046  }
0xb6: {  	s29 =	simm.s32 $0x9;
	_ =	strace $0x80000048  }
0xb7: {  	_ =	swait.ge [sflag:s29], $0x1  }
0xb8: {  	[sflag:s29] =	ssyncadd.s32 $0xFFFFFFFF  }
0xb9: {  	_ =	strace $0x90000048  }
0xba: {  	_ =	sfence  }
0xbb: {  	s30 =	sld [smem:$0x0];
	_ =	sdelay $0x2  }
0xbc: {  	s31 =	sshll.u32 s1, $0xD;
	s1 =	sshrl.u32 s1, $0x2  }
0xbd: {  	s3 =	sand.u32 $0x4000, s31;
	s1 =	sadd.s32 s1, s30  }
0xbe: {  	s0 =	sor.u32 s3, s0;
	s1 =	sshll.u32 s1, $0x11  }
0xbf: {  	s0 =	sor.u32 s1, s0  }
0xc0: {  	s0 =	sadd.s32 $0x8F2B, s0  }
0xc1: {  	[sflag:s0] =	ssyncadd.remote.s32 $0x1  }
0xc2: {  	_ =	sfence.sel $0xFFFF  }
0xc3: {  	[dreg:$0x0] =	wrdreg $0xFFFFFFFF;
	(pc) =	sbr.abs _section_cstart, $3  }
0xc4: {  	[dreg:$0x1] =	wrdreg $0xFFFFFFFF  }
0xc5: {  	_ =	task.clear_ibuf [dreg:s9], $0x2FFFF;
	_ =	strace $0x9FFFFFFF  }
0xc6: {  	(tm) =	ssettm $0x7FFFFFFF  }
0xc7: {  	_ =	shalt  }
tec
execute0_lowered:
.L_overlay_start_1:
0x0: {  	(tag) =	ssettag $0x1  }
0x1: {  	s0 =	rddreg [dreg:$0x0]  }
0x2: {  	s4 =	rddreg [dreg:$0x1]  }
0x3: {  	s1 =	srdreg.scid;
	s2 =	stileid.u32  }
0x4: {  	s3 =	simm.s32 $0x0;
	s12 =	simm.s32 $0x6000;
	s8 =	simm.s32 $0x2000  }
0x5: {  	v2 =	vimm.s32 $0x65432100;
	s9 =	simm.s32 $0x4000;
	s10 =	simm.s32 $0x6430;
	s11 =	simm.s32 $0xAC30  }
0x6: {  	v3 =	vimm.s32 $0xFFEDCBA9;
	s13 =	simm.s32 $0x8430;
	s20 =	simm.s32 $0xAC70;
	s21 =	simm.s32 $0x12CF0  }
0x7: {  	v1 =	vimm.f32 $0.0e+00;
	v6 =	vimm.s32 $0x87654321;
	vm0 =	vcmask $0x3F3C;
	s1 =	sand.u32 $0x1, s1;
	s2 =	sshll.u32 s2, $0x1;
	[smem:$0x7FF] =	sst s3  }
0x8: {  	s6 =	sadd.s32 $0x5000, s0;
	v4 =	vunpack.c.l.s4.s8 v2;
	v2 =	vimm.s32 $0xEDCBA987;
	s7 =	sadd.s32 $0x1000, s0;
	s0 =	sadd.s32 $0xE00, s0;
	v7 =	vunpack.c.l.s4.s8 v3  }
0x9: {  	v6 =	vunpack.c.l.s4.s8 v6;
	v3 =	vimm.s32 $0x20800;
	s2 =	sor.u32 s1, s2;
	_ =	strace $0x80000047;
	[dreg:$0x8] =	wrdreg s0;
	v5 =	vunpack.c.l.s4.s8 v2  }
.Ltmp0:
0xa: {  	s1 =	ssub.s32 $0x2, s1;
	v2 =	vimm.s32 $0x7F000000;
	[dreg:$0x6] =	wrdreg s6;
	v8 =	vunpack.c.0.s8.s32 v4;
	v4 =	vlaneseq.u32;
	(pc) =	sbr.rel .LBB2_1-.Ltmp0, $4  }
0xb: {  	[dreg:$0x7] =	wrdreg s7;
	s5 =	sshll.u32 s2, $0x6;
	s29 =	sshrl.u32 s1, $0x1;
	v10 =	vunpack.c.0.s8.s32 v7;
	v11 =	vunpack.c.0.s8.s32 v6;
	v9 =	vunpack.c.0.s8.s32 v5  }
0xc: {  	v0 =	vmov s5;
	s30 =	ssub.s32 s1, s29;
	[dreg:$0x5] =	wrdreg s5;
	s31 =	sor.u32 $0x2, s5;
	v5 =	vimm.s32 $0x0;
	v6 =	vmul.u32 $0x808, v4  }
0xd: {  	s3 =	simm.s32 $0x0;
	[dreg:$0x9] =	wrdreg s31;
	s0 =	smax.u32 s30, $0x1;
	v7 =	vand.u32 $0xF, v9;
	v9 =	vcombine.low v11, v10;
	v10 =	vadd.s32 $0x1, v4  }
0xe: {  	p0 =	sne.s32 s2, $0x0;
	s5 =	simm.s32 $0x3;
	[dreg:$0xa] =	wrdreg s0;
	v11 =	vadd.s32 $0x800, v6;
	v7 =	vcombine.low v8, v7;
	v8 =	vor.u32 $0x80000000, v4  }
.LBB2_63:
0xf: {  	s3 =	sadd.s32 $0x1, s3;
	s0 =	rddreg [dreg:$0xa]  }
0x10: {  	p1 =	sne.s32 s3, s0  }
.Ltmp1:
0x11: {  	_ = 	snop;
	(pc) =	sbr.rel @!p1 .LBB2_64-.Ltmp1, $1  }
0x12: {  	_ =	sdelay $0x3  }
.LBB2_1:
0x13: {  	s1 =	simm.s32 $0x0;
	s0 =	rddreg [dreg:$0x8]  }
0x14: {  	[tilespmem:s12], [sflag:$0x3] =	stream.linear.gather [hbm4b:s0+s1], $0x410, $0x38;
	[tilespmem:$0x1AD70] =	vst v63  }
0x15: {  	_ =	swait.ge [sflag:s5], $0x410  }
0x16: {  	[sflag:s5] =	ssyncset.done $0x0  }
0x17: {  	[sflag:s5] =	ssyncadd.s32 $0xFFFFFBF0  }
0x18: {  	s2 =	simm.s32 $0x6420;
	[tilespmem:$0x6410] =	vst v1;
	s31 =	rddreg [dreg:$0x2]  }
0x19: {  	[tilespmem:s2], [sflag:$0x3] =	stream.linear.gather [hbm4b:s31+s1], $0x10, $0x38;
	[tilespmem:$0x1AD70] =	vst v63  }
0x1a: {  	_ =	swait.ge [sflag:s5], $0x10  }
0x1b: {  	[sflag:s5] =	ssyncset.done $0x0  }
0x1c: {  	s0 =	simm.s32 $0x0;
	[sflag:s5] =	ssyncadd.s32 $0xFFFFFFF0  }
.LBB2_2:
0x1d: {  	p1 =	sne.s32 s0, $0x7FC0  }
.Ltmp2:
0x1e: {  	_ = 	snop;
	(pc) =	sbr.rel @p1 .LBB2_2-.Ltmp2, $3  }
0x1f: {  	_ =	sdelay $0x1  }
0x20: {  	s1 =	sshra.s32 s0, $0x2  }
0x21: {  	s0 =	sadd.s32 $0x40, s0;
	[tilespmem:s1+$0x6430] =	vst v2  }
0x22: {  	[dreg:$0xb] =	wrdreg s3;
	s0 =	simm.s32 $0x40;
	s1 =	simm.s32 $0x0  }
.LBB2_4:
0x23: {  	p1 =	sne.s32 s0, $0x9FC0;
	[tilespmem:s1+$0x8430] =	vst v3;
	s1 =	smov.u32 s0;
	s0 =	sadd.s32 $0x40, s0  }
.Ltmp3:
0x24: {  	(pc) =	sbr.rel @p1 .LBB2_4-.Ltmp3, $2  }
0x25: {  	_ =	sdelay $0x2  }
0x26: {  	s1 =	sshra.s32 s1, $0x2  }
0x27: {  	[tilespmem:s1+$0x8430] =	vst v3;
	v12 =	vimm.s32 $0x0  }
0x28: {  	[tilespmem:$0xAC30] =	vst v12  }
0x29: {  	[tilespmem:$0xAC40] =	vst v12  }
0x2a: {  	[tilespmem:$0xAC50] =	vst v12  }
0x2b: {  	s0 =	simm.s32 $0x0;
	s1 =	simm.s32 $0x0;
	[tilespmem:$0xAC60] =	vst v12  }
.LBB2_6:
0x2c: {  	s2 =	sshll.u32 s1, $0xA  }
0x2d: {  	s3 =	sadd.s32 s6, s2  }
0x2e: {  	[tilespmem:s0], [sflag:$0x3] =	stream.linear.gather [hbm4b:s3+s0], $0x2000, $0x38;
	[tilespmem:$0x1AD70] =	vst v63  }
0x2f: {  	_ =	swait.ge [sflag:s5], $0x2000  }
0x30: {  	[sflag:s5] =	ssyncset.done $0x0  }
0x31: {  	s31 =	sadd.s32 s7, s2;
	[sflag:s5] =	ssyncadd.s32 $0xFFFFE000  }
0x32: {  	[tilespmem:s8], [sflag:$0x3] =	stream.linear.gather [hbm4b:s31+s0], $0x2000, $0x38;
	[tilespmem:$0x1AD70] =	vst v63  }
0x33: {  	_ =	swait.ge [sflag:s5], $0x2000  }
0x34: {  	[sflag:s5] =	ssyncset.done $0x0  }
0x35: {  	s2 =	sadd.s32 s4, s2;
	[sflag:s5] =	ssyncadd.s32 $0xFFFFE000  }
0x36: {  	[tilespmem:s9], [sflag:$0x3] =	stream.linear.gather [hbm4b:s2+s0], $0x2000, $0x38;
	[tilespmem:$0x1AD70] =	vst v63  }
0x37: {  	_ =	swait.ge [sflag:s5], $0x2000  }
0x38: {  	[sflag:s5] =	ssyncset.done $0x0  }
0x39: {  	s3 =	simm.s32 $0x0;
	s2 =	simm.s32 $0x40;
	[sflag:s5] =	ssyncadd.s32 $0xFFFFE000  }
.LBB2_7:
0x3a: {  	p1 =	sne.s32 s2, $0x7FC0;
	v13 =	vld [tilespmem:s3+$0x0];
	_ =	sdelay $0x4  }
0x3b: {  	v13 =	vsub.s32 v13, v0  }
0x3c: {  	vm1 =	vlt.u32 v13, $0x40  }
0x3d: {  	v14 =	vsel vm1, $0x1, v5  }
0x3e: {  	(xrf0) =	vadd.scan.msk.s32 $0xffff, v14;
	_ =	sdelay $0x5  }
0x3f: {  	v14, _, _ =	vpop (xrf0)  }
0x40: {  	v14 =	vadd.s32 v14, v12  }
0x41: {  	v15 =	vld [tilespmem:s3+$0x4000];
	v14 =	vadd.s32 $0xFFFFFFFF, v14  }
0x42: {  	v16 =	vld [tilespmem:s3+$0x2000];
	vm2 =	vlt.s32 v14, $0x2000  }
0x43: {  	vm1 =	vmand vm1, vm2  }
0x44: {  	v17 =	vmpcnt.ones.xlane vm1  }
.Ltmp4:
0x45: {  	(pc) =	sbr.rel @p1 .LBB2_7-.Ltmp4, $4  }
0x46: {  	v13 =	vshll.u32 v13, $0x12;
	v12 =	vadd.s32 v12, v17  }
0x47: {  	v15 =	vshll.u32 v15, $0xB;
	v13 =	vor.u32 v16, v13  }
0x48: {  	v13 =	vor.u32 v15, v13  }
0x49: {  	s3 =	sshra.s32 s2, $0x2;
	s2 =	sadd.s32 $0x40, s2;
	[tilespmem:v14+s10+$0x0] =	vst.idx.msk vm1, v13  }
0x4a: {  	v13 =	vld [tilespmem:s3+$0x0];
	_ =	sdelay $0x4  }
0x4b: {  	v13 =	vsub.s32 v13, v0  }
0x4c: {  	vm1 =	vlt.u32 v13, $0x40  }
0x4d: {  	v14 =	vsel vm1, $0x1, v5  }
0x4e: {  	(xrf0) =	vadd.scan.msk.s32 $0xffff, v14;
	_ =	sdelay $0x5  }
0x4f: {  	v14, _, _ =	vpop (xrf0)  }
0x50: {  	v14 =	vadd.s32 v14, v12  }
0x51: {  	v15 =	vld [tilespmem:s3+$0x4000];
	v14 =	vadd.s32 $0xFFFFFFFF, v14  }
0x52: {  	v16 =	vld [tilespmem:s3+$0x2000];
	vm2 =	vlt.s32 v14, $0x2000  }
0x53: {  	s1 =	sadd.s32 $0x1, s1;
	vm1 =	vmand vm1, vm2  }
0x54: {  	p1 =	sne.s32 s1, $0x10  }
.Ltmp5:
0x55: {  	_ = 	snop;
	(pc) =	sbr.rel @p1 .LBB2_6-.Ltmp5, $4  }
0x56: {  	v13 =	vshll.u32 v13, $0x12  }
0x57: {  	v15 =	vshll.u32 v15, $0xB;
	v13 =	vor.u32 v16, v13;
	v17 =	vmpcnt.ones.xlane vm1  }
0x58: {  	v13 =	vor.u32 v15, v13  }
0x59: {  	v12 =	vadd.s32 v12, v17;
	[tilespmem:v14+s10+$0x0] =	vst.idx.msk vm1, v13  }
0x5a: {  	s1 =	simm.s32 $0x0;
	s0 =	simm.s32 $0x40  }
.LBB2_10:
0x5b: {  	p1 =	sne.s32 s0, $0x7FC0;
	v12 =	vld [tilespmem:s1+$0x6430];
	_ =	sdelay $0x4  }
0x5c: {  	v13 =	vshra.s32 v12, $0x12  }
0x5d: {  	v12 =	vand.u32 $0x3FFFF, v12;
	v13 =	vxor.u32 $0x80000000, v13  }
0x5e: {  	(xrf1) =	vsort.ascd.msk.u32 $0xffff, v13, v12;
	_ =	sdelay $0xd  }
0x5f: {  	v12, v13, _ =	vpop (xrf1)  }
0x60: {  	v12 =	vxor.u32 $0x80000000, v12  }
0x61: {  	vm1 =	vlt.s32 v12, $0x3F;
	v14 =	vperm.xlane v12, v7  }
0x62: {  	v15 =	vnsel vm1, $0x3F, v12  }
0x63: {  	vm1 =	veq.s32 v12, v14  }
0x64: {  	v14 =	vsel vm1, $0x80000000, v8  }
0x65: {  	(xrf0) =	vmax.scan.msk.u32 $0xffff, v14;
	_ =	sdelay $0x1  }
0x66: {  	v14 =	vld.idx.msk [tilespmem:v15+s11+$0x0], $0xffff;
	_ =	sdelay $0x3  }
0x67: {  	v16, _, _ =	vpop (xrf0)  }
0x68: {  	v16 =	vxor.u32 $0x80000000, v16  }
0x69: {  	v14 =	vsub.s32 v14, v16;
	v16 =	vperm.xlane v12, v9  }
0x6a: {  	vm1 =	vlt.s32 v12, $0x40;
	v17 =	vadd.s32 v4, v14  }
0x6b: {  	v18 =	vmul.u32 $0xA0, v15;
	vm2 =	vlt.s32 v17, $0xA0;
	vm3 =	vne.s32 v12, v16  }
0x6c: {  	vm1 =	vmand vm1, vm2;
	vm2 =	vmor vm3, vm0  }
0x6d: {  	v12 =	vadd.s32 v18, v17;
	vm2 =	vmand vm2, vm1;
	_ =	sdelay $0x1  }
.Ltmp6:
0x6e: {  	(pc) =	sbr.rel @p1 .LBB2_10-.Ltmp6, $3  }
0x6f: {  	_ =	sdelay $0x1  }
0x70: {  	[tilespmem:v12+s13+$0x0] =	vst.idx.msk vm1, v13;
	v12 =	vadd.s32 v10, v14  }
0x71: {  	s1 =	sshra.s32 s0, $0x2;
	s0 =	sadd.s32 $0x40, s0;
	[tilespmem:v15+s11+$0x0] =	vst.idx.msk vm2, v12  }
0x72: {  	v12 =	vld [tilespmem:s1+$0x6430];
	_ =	sdelay $0x4  }
0x73: {  	v13 =	vshra.s32 v12, $0x12  }
0x74: {  	v12 =	vand.u32 $0x3FFFF, v12;
	v13 =	vxor.u32 $0x80000000, v13  }
0x75: {  	(xrf1) =	vsort.ascd.msk.u32 $0xffff, v13, v12;
	_ =	sdelay $0xd  }
0x76: {  	v12, v13, _ =	vpop (xrf1)  }
0x77: {  	v12 =	vxor.u32 $0x80000000, v12  }
0x78: {  	v14 =	vperm.xlane v12, v7  }
0x79: {  	vm1 =	vlt.s32 v12, $0x3F  }
0x7a: {  	v15 =	vnsel vm1, $0x3F, v12;
	vm1 =	veq.s32 v12, v14  }
0x7b: {  	v14 =	vsel vm1, $0x80000000, v8  }
0x7c: {  	(xrf0) =	vmax.scan.msk.u32 $0xffff, v14;
	_ =	sdelay $0x2  }
0x7d: {  	v14 =	vld.idx.msk [tilespmem:v15+s11+$0x0], $0xffff;
	_ =	sdelay $0x2  }
0x7e: {  	v16, _, _ =	vpop (xrf0)  }
0x7f: {  	v16 =	vxor.u32 $0x80000000, v16  }
0x80: {  	v63 =	vperm.xlane v12, v9;
	v14 =	vsub.s32 v14, v16  }
0x81: {  	v18 =	vmul.u32 $0xA0, v15;
	v17 =	vadd.s32 v4, v14  }
0x82: {  	vm3 =	vne.s32 v12, v63;
	vm1 =	vlt.s32 v12, $0x40;
	vm2 =	vlt.s32 v17, $0xA0  }
0x83: {  	vm1 =	vmand vm1, vm2;
	vm2 =	vmor vm3, vm0  }
0x84: {  	v12 =	vadd.s32 v18, v17;
	vm2 =	vmand vm2, vm1;
	_ =	sdelay $0x4  }
0x85: {  	[tilespmem:v12+s13+$0x0] =	vst.idx.msk vm1, v13;
	v12 =	vadd.s32 v10, v14  }
0x86: {  	[tilespmem:v15+s11+$0x0] =	vst.idx.msk vm2, v12  }
0x87: {  	s0 =	simm.s32 $0x0;
	s1 =	simm.s32 $0x40;
	v12 =	vld [tilespmem:$0x6420]  }
.LBB2_12:
0x88: {  	p1 =	sne.s32 s1, $0x1FC0;
	[tilespmem:s0+$0x124E8] =	vst v1  }
0x89: {  	[tilespmem:s0+$0xAC70] =	vst v1  }
0x8a: {  	[tilespmem:s0+$0xB478] =	vst v1  }
0x8b: {  	[tilespmem:s0+$0xBC80] =	vst v1  }
0x8c: {  	[tilespmem:s0+$0xC488] =	vst v1  }
0x8d: {  	[tilespmem:s0+$0xCC90] =	vst v1  }
0x8e: {  	[tilespmem:s0+$0xD498] =	vst v1  }
0x8f: {  	[tilespmem:s0+$0xDCA0] =	vst v1  }
0x90: {  	[tilespmem:s0+$0xE4A8] =	vst v1  }
0x91: {  	[tilespmem:s0+$0xECB0] =	vst v1  }
0x92: {  	[tilespmem:s0+$0xF4B8] =	vst v1  }
.Ltmp7:
0x93: {  	[tilespmem:s0+$0xFCC0] =	vst v1;
	(pc) =	sbr.rel @p1 .LBB2_12-.Ltmp7, $4  }
0x94: {  	[tilespmem:s0+$0x104C8] =	vst v1  }
0x95: {  	[tilespmem:s0+$0x10CD0] =	vst v1  }
0x96: {  	[tilespmem:s0+$0x114D8] =	vst v1  }
0x97: {  	[tilespmem:s0+$0x11CE0] =	vst v1;
	s0 =	sshra.s32 s1, $0x2;
	s1 =	sadd.s32 $0x40, s1  }
0x98: {  	[tilespmem:s0+$0x124E8] =	vst v1  }
0x99: {  	[tilespmem:s0+$0xAC70] =	vst v1  }
0x9a: {  	[tilespmem:s0+$0xB478] =	vst v1  }
0x9b: {  	[tilespmem:s0+$0xBC80] =	vst v1  }
0x9c: {  	[tilespmem:s0+$0xC488] =	vst v1  }
0x9d: {  	[tilespmem:s0+$0xCC90] =	vst v1  }
0x9e: {  	[tilespmem:s0+$0xD498] =	vst v1  }
0x9f: {  	[tilespmem:s0+$0xDCA0] =	vst v1  }
0xa0: {  	[tilespmem:s0+$0xE4A8] =	vst v1  }
0xa1: {  	[tilespmem:s0+$0xECB0] =	vst v1  }
0xa2: {  	[tilespmem:s0+$0xF4B8] =	vst v1  }
0xa3: {  	[tilespmem:s0+$0xFCC0] =	vst v1  }
0xa4: {  	[tilespmem:s0+$0x104C8] =	vst v1  }
0xa5: {  	[tilespmem:s0+$0x10CD0] =	vst v1  }
0xa6: {  	[tilespmem:s0+$0x114D8] =	vst v1  }
0xa7: {  	[tilespmem:s0+$0x11CE0] =	vst v1  }
0xa8: {  	[tilespmem:v11+s20+$0x0] =	vst.idx.msk $0xffff, v1  }
0xa9: {  	s0 =	simm.s32 $0x0;
	s1 =	simm.s32 $0x40;
	[tilespmem:v6+s20+$0x0] =	vst.idx.msk $0xffff, v12  }
.LBB2_14:
0xaa: {  	p1 =	sne.s32 s1, $0x1FC0;
	[tilespmem:s0+$0x1A568] =	vst v1  }
0xab: {  	[tilespmem:s0+$0x12CF0] =	vst v1  }
0xac: {  	[tilespmem:s0+$0x134F8] =	vst v1  }
0xad: {  	[tilespmem:s0+$0x13D00] =	vst v1  }
0xae: {  	[tilespmem:s0+$0x14508] =	vst v1  }
0xaf: {  	[tilespmem:s0+$0x14D10] =	vst v1  }
0xb0: {  	[tilespmem:s0+$0x15518] =	vst v1  }
0xb1: {  	[tilespmem:s0+$0x15D20] =	vst v1  }
0xb2: {  	[tilespmem:s0+$0x16528] =	vst v1  }
0xb3: {  	[tilespmem:s0+$0x16D30] =	vst v1  }
0xb4: {  	[tilespmem:s0+$0x17538] =	vst v1  }
.Ltmp8:
0xb5: {  	[tilespmem:s0+$0x17D40] =	vst v1;
	(pc) =	sbr.rel @p1 .LBB2_14-.Ltmp8, $4  }
0xb6: {  	[tilespmem:s0+$0x18548] =	vst v1  }
0xb7: {  	[tilespmem:s0+$0x18D50] =	vst v1  }
0xb8: {  	[tilespmem:s0+$0x19558] =	vst v1  }
0xb9: {  	[tilespmem:s0+$0x19D60] =	vst v1;
	s0 =	sshra.s32 s1, $0x2;
	s1 =	sadd.s32 $0x40, s1  }
0xba: {  	[tilespmem:s0+$0x1A568] =	vst v1  }
0xbb: {  	[tilespmem:s0+$0x12CF0] =	vst v1  }
0xbc: {  	[tilespmem:s0+$0x134F8] =	vst v1  }
0xbd: {  	[tilespmem:s0+$0x13D00] =	vst v1  }
0xbe: {  	[tilespmem:s0+$0x14508] =	vst v1  }
0xbf: {  	[tilespmem:s0+$0x14D10] =	vst v1  }
0xc0: {  	[tilespmem:s0+$0x15518] =	vst v1  }
0xc1: {  	[tilespmem:s0+$0x15D20] =	vst v1  }
0xc2: {  	[tilespmem:s0+$0x16528] =	vst v1  }
0xc3: {  	[tilespmem:s0+$0x16D30] =	vst v1  }
0xc4: {  	[tilespmem:s0+$0x17538] =	vst v1  }
0xc5: {  	[tilespmem:s0+$0x17D40] =	vst v1  }
0xc6: {  	[tilespmem:s0+$0x18548] =	vst v1  }
0xc7: {  	[tilespmem:s0+$0x18D50] =	vst v1  }
0xc8: {  	[tilespmem:s0+$0x19558] =	vst v1  }
0xc9: {  	[tilespmem:s0+$0x19D60] =	vst v1  }
0xca: {  	[tilespmem:v11+s21+$0x0] =	vst.idx.msk $0xffff, v1  }
0xcb: {  	s4 =	simm.s32 $0x0;
	s5 =	simm.s32 $0x8430;
	[tilespmem:v6+s21+$0x0] =	vst.idx.msk $0xffff, v12  }
.LBB2_16:
0xcc: {  	p1 =	seq.s32 s4, $0x0  }
.Ltmp9:
0xcd: {  	_ = 	snop;
	(pc) =	sbr.rel @p1 .LBB2_20-.Ltmp9, $2  }
0xce: {  	_ =	sdelay $0x2  }
0xcf: {  	s2 =	simm.s32 $0x0  }
0xd0: {  	v13 =	vmov s5  }
0xd1: {  	s0 =	simm.s32 $0x1  }
0xd2: {  	_ =	swait.ge [sflag:s0], $0x8080  }
0xd3: {  	[sflag:s0] =	ssyncset.done $0x0  }
0xd4: {  	s6 =	simm.s32 $0xFFFFFEC0;
	[sflag:s0] =	ssyncadd.s32 $0xFFFF7F80  }
0xd5: {  	v14 =	vld.idx.msk [tilespmem:v13+s6+$0x0 ss:$0x1], $0xffff;
	_ =	sdelay $0x4  }
0xd6: {  	(v2sf) =	vpush v14, $0x0  }
0xd7: {  	(v2sf) =	vpush v14, $0x1  }
0xd8: {  	(v2sf) =	vpush v14, $0x2  }
0xd9: {  	(v2sf) =	vpush v14, $0x3  }
0xda: {  	(v2sf) =	vpush v14, $0x4  }
0xdb: {  	(v2sf) =	vpush v14, $0x5  }
0xdc: {  	(v2sf) =	vpush v14, $0x6  }
0xdd: {  	(v2sf) =	vpush v14, $0x7  }
0xde: {  	(v2sf) =	vpush v14, $0x8  }
0xdf: {  	(v2sf) =	vpush v14, $0x9  }
0xe0: {  	(v2sf) =	vpush v14, $0xA  }
0xe1: {  	(v2sf) =	vpush v14, $0xB  }
0xe2: {  	(v2sf) =	vpush v14, $0xC  }
0xe3: {  	(v2sf) =	vpush v14, $0xD  }
0xe4: {  	(v2sf) =	vpush v14, $0xE  }
0xe5: {  	s7 =	spop (v2sf)  }
0xe6: {  	(v2sf) =	vpush v14, $0xF;
	s0 =	sand.u32 $0x7FF, s7;
	s1 =	spop (v2sf)  }
0xe7: {  	s0 =	sadd.s32 $0x1, s0;
	s1 =	sand.u32 $0x7FF, s1;
	s2 =	spop (v2sf)  }
0xe8: {  	v15 =	vadd.s32 s0, v6;
	s8 =	sadd.s32 $0x1, s1;
	s9 =	sand.u32 $0x7FF, s2;
	s10 =	spop (v2sf)  }
0xe9: {  	v14 =	vadd.s32 s8, v6;
	s11 =	sadd.s32 $0x1, s9;
	s13 =	sand.u32 $0x7FF, s10;
	s14 =	spop (v2sf)  }
0xea: {  	v16 =	vadd.s32 s11, v6;
	s15 =	sadd.s32 $0x1, s13;
	s16 =	sand.u32 $0x7FF, s14;
	s17 =	spop (v2sf)  }
0xeb: {  	v17 =	vadd.s32 s15, v6;
	s18 =	sadd.s32 $0x1, s16;
	s19 =	sand.u32 $0x7FF, s17;
	s22 =	spop (v2sf)  }
0xec: {  	v18 =	vadd.s32 s18, v6;
	s23 =	sadd.s32 $0x1, s19;
	s24 =	sand.u32 $0x7FF, s22;
	s25 =	spop (v2sf)  }
0xed: {  	[tilespmem:v15+s20+$0x0] =	vst.idx.msk $0xffff, v1;
	v15 =	vadd.s32 s23, v6;
	s26 =	sadd.s32 $0x1, s24;
	s28 =	sand.u32 $0x7FF, s25;
	s29 =	spop (v2sf)  }
0xee: {  	[tilespmem:v14+s20+$0x0] =	vst.idx.msk $0xffff, v1;
	v14 =	vadd.s32 s26, v6;
	s1 =	sadd.s32 $0x1, s28;
	s3 =	sand.u32 $0x7FF, s29;
	s6 =	spop (v2sf)  }
0xef: {  	[tilespmem:v16+s20+$0x0] =	vst.idx.msk $0xffff, v1;
	v58 =	vadd.s32 s1, v6;
	s7 =	sadd.s32 $0x1, s3;
	s8 =	sand.u32 $0x7FF, s6;
	s9 =	spop (v2sf)  }
0xf0: {  	[tilespmem:v17+s20+$0x0] =	vst.idx.msk $0xffff, v1;
	v59 =	vadd.s32 s7, v6;
	s10 =	sadd.s32 $0x1, s8;
	s11 =	sand.u32 $0x7FF, s9;
	s13 =	spop (v2sf)  }
0xf1: {  	[tilespmem:v18+s20+$0x0] =	vst.idx.msk $0xffff, v1;
	v60 =	vadd.s32 s10, v6;
	s14 =	sadd.s32 $0x1, s11;
	s15 =	sand.u32 $0x7FF, s13;
	s16 =	spop (v2sf)  }
0xf2: {  	[tilespmem:v15+s20+$0x0] =	vst.idx.msk $0xffff, v1;
	v15 =	vadd.s32 s14, v6;
	s17 =	sadd.s32 $0x1, s15;
	s18 =	sand.u32 $0x7FF, s16;
	s19 =	spop (v2sf)  }
0xf3: {  	[tilespmem:v14+s20+$0x0] =	vst.idx.msk $0xffff, v1;
	v14 =	vadd.s32 s17, v6;
	s22 =	sadd.s32 $0x1, s18;
	s23 =	sand.u32 $0x7FF, s19;
	s24 =	spop (v2sf)  }
0xf4: {  	[tilespmem:v58+s20+$0x0] =	vst.idx.msk $0xffff, v1;
	v61 =	vadd.s32 s22, v6;
	s25 =	sadd.s32 $0x1, s23;
	s26 =	sand.u32 $0x7FF, s24  }
0xf5: {  	s29 =	spop (v2sf);
	[tilespmem:v59+s20+$0x0] =	vst.idx.msk $0xffff, v1;
	v62 =	vadd.s32 s25, v6;
	s28 =	sadd.s32 $0x1, s26  }
0xf6: {  	s0 =	sand.u32 $0x7FF, s29;
	[tilespmem:v60+s20+$0x0] =	vst.idx.msk $0xffff, v1;
	v63 =	vadd.s32 s28, v6  }
0xf7: {  	s0 =	sadd.s32 $0x1, s0;
	[tilespmem:v15+s20+$0x0] =	vst.idx.msk $0xffff, v1  }
0xf8: {  	[tilespmem:v14+s20+$0x0] =	vst.idx.msk $0xffff, v1;
	v14 =	vadd.s32 s0, v6  }
0xf9: {  	[tilespmem:v61+s20+$0x0] =	vst.idx.msk $0xffff, v1  }
0xfa: {  	[tilespmem:v62+s20+$0x0] =	vst.idx.msk $0xffff, v1  }
0xfb: {  	s30 =	simm.s32 $0xFFFFFB40;
	s31 =	simm.s32 $0xFFFFFB80;
	s2 =	smul.u32 $0x500, s4;
	[tilespmem:v63+s20+$0x0] =	vst.idx.msk $0xffff, v1  }
.LBB2_18:
0xfc: {  	p2 =	sne.s32 s31, $0xFFFFFD40  }
0xfd: {  	s0 =	sshra.s32 s30, $0x2;
	[tilespmem:v14+s20+$0x0] =	vst.idx.msk $0xffff, v1;
	s30 =	smov.u32 s31;
	s31 =	sadd.s32 $0x40, s31  }
0xfe: {  	v14 =	vld.idx.msk [tilespmem:v13+s0+$0x0 ss:$0x1], $0xffff;
	_ =	sdelay $0x5  }
0xff: {  	(v2sf) =	vpush v14, $0x0  }
0x100: {  	(v2sf) =	vpush v14, $0x1  }
0x101: {  	(v2sf) =	vpush v14, $0x2  }
0x102: {  	(v2sf) =	vpush v14, $0x3  }
0x103: {  	(v2sf) =	vpush v14, $0x4  }
0x104: {  	(v2sf) =	vpush v14, $0x5  }
0x105: {  	(v2sf) =	vpush v14, $0x6  }
0x106: {  	(v2sf) =	vpush v14, $0x7  }
0x107: {  	(v2sf) =	vpush v14, $0x8  }
0x108: {  	(v2sf) =	vpush v14, $0x9  }
0x109: {  	(v2sf) =	vpush v14, $0xA  }
0x10a: {  	(v2sf) =	vpush v14, $0xB  }
0x10b: {  	(v2sf) =	vpush v14, $0xC  }
0x10c: {  	(v2sf) =	vpush v14, $0xD  }
0x10d: {  	(v2sf) =	vpush v14, $0xE  }
0x10e: {  	s0 =	spop (v2sf);
	(v2sf) =	vpush v14, $0xF  }
0x10f: {  	s0 =	sand.u32 $0x7FF, s0;
	s1 =	spop (v2sf)  }
0x110: {  	s0 =	sadd.s32 $0x1, s0;
	s1 =	sand.u32 $0x7FF, s1;
	s3 =	spop (v2sf)  }
0x111: {  	v14 =	vadd.s32 s0, v6;
	s0 =	sadd.s32 $0x1, s1;
	s1 =	sand.u32 $0x7FF, s3;
	s3 =	spop (v2sf)  }
0x112: {  	v15 =	vadd.s32 s0, v6;
	s0 =	sadd.s32 $0x1, s1;
	s1 =	sand.u32 $0x7FF, s3;
	s3 =	spop (v2sf)  }
0x113: {  	v16 =	vadd.s32 s0, v6;
	s0 =	sadd.s32 $0x1, s1;
	s1 =	sand.u32 $0x7FF, s3;
	s3 =	spop (v2sf)  }
0x114: {  	v17 =	vadd.s32 s0, v6;
	s0 =	sadd.s32 $0x1, s1;
	s1 =	sand.u32 $0x7FF, s3;
	s3 =	spop (v2sf)  }
0x115: {  	v18 =	vadd.s32 s0, v6;
	s0 =	sadd.s32 $0x1, s1;
	s1 =	sand.u32 $0x7FF, s3;
	s3 =	spop (v2sf)  }
0x116: {  	[tilespmem:v14+s20+$0x0] =	vst.idx.msk $0xffff, v1;
	v14 =	vadd.s32 s0, v6;
	s0 =	sadd.s32 $0x1, s1;
	s1 =	sand.u32 $0x7FF, s3;
	s3 =	spop (v2sf)  }
0x117: {  	[tilespmem:v15+s20+$0x0] =	vst.idx.msk $0xffff, v1;
	v15 =	vadd.s32 s0, v6;
	s0 =	sadd.s32 $0x1, s1;
	s1 =	sand.u32 $0x7FF, s3;
	s3 =	spop (v2sf)  }
0x118: {  	[tilespmem:v16+s20+$0x0] =	vst.idx.msk $0xffff, v1;
	v16 =	vadd.s32 s0, v6;
	s0 =	sadd.s32 $0x1, s1;
	s1 =	sand.u32 $0x7FF, s3;
	s3 =	spop (v2sf)  }
0x119: {  	[tilespmem:v17+s20+$0x0] =	vst.idx.msk $0xffff, v1;
	v17 =	vadd.s32 s0, v6;
	s0 =	sadd.s32 $0x1, s1;
	s1 =	sand.u32 $0x7FF, s3;
	s3 =	spop (v2sf)  }
0x11a: {  	[tilespmem:v18+s20+$0x0] =	vst.idx.msk $0xffff, v1;
	v18 =	vadd.s32 s0, v6;
	s0 =	sadd.s32 $0x1, s1;
	s1 =	sand.u32 $0x7FF, s3;
	s3 =	spop (v2sf)  }
0x11b: {  	[tilespmem:v14+s20+$0x0] =	vst.idx.msk $0xffff, v1;
	v14 =	vadd.s32 s0, v6;
	s0 =	sadd.s32 $0x1, s1;
	s1 =	sand.u32 $0x7FF, s3;
	s3 =	spop (v2sf)  }
0x11c: {  	[tilespmem:v15+s20+$0x0] =	vst.idx.msk $0xffff, v1;
	v15 =	vadd.s32 s0, v6;
	s0 =	sadd.s32 $0x1, s1;
	s1 =	sand.u32 $0x7FF, s3;
	s3 =	spop (v2sf)  }
0x11d: {  	[tilespmem:v16+s20+$0x0] =	vst.idx.msk $0xffff, v1;
	v16 =	vadd.s32 s0, v6;
	s0 =	sadd.s32 $0x1, s1;
	s1 =	sand.u32 $0x7FF, s3;
	s3 =	spop (v2sf)  }
0x11e: {  	[tilespmem:v17+s20+$0x0] =	vst.idx.msk $0xffff, v1;
	v17 =	vadd.s32 s0, v6;
	s0 =	sadd.s32 $0x1, s1;
	s1 =	sand.u32 $0x7FF, s3  }
0x11f: {  	[tilespmem:v18+s20+$0x0] =	vst.idx.msk $0xffff, v1;
	v18 =	vadd.s32 s0, v6;
	s0 =	sadd.s32 $0x1, s1  }
.Ltmp10:
0x120: {  	[tilespmem:v14+s20+$0x0] =	vst.idx.msk $0xffff, v1;
	v14 =	vadd.s32 s0, v6;
	(pc) =	sbr.rel @p2 .LBB2_18-.Ltmp10, $4  }
0x121: {  	[tilespmem:v15+s20+$0x0] =	vst.idx.msk $0xffff, v1  }
0x122: {  	[tilespmem:v16+s20+$0x0] =	vst.idx.msk $0xffff, v1  }
0x123: {  	[tilespmem:v17+s20+$0x0] =	vst.idx.msk $0xffff, v1  }
0x124: {  	[tilespmem:v18+s20+$0x0] =	vst.idx.msk $0xffff, v1  }
0x125: {  	_ =	sdelay $0x3  }
0x126: {  	s0 =	sshra.s32 s30, $0x2;
	[tilespmem:v14+s20+$0x0] =	vst.idx.msk $0xffff, v1  }
0x127: {  	v13 =	vld.idx.msk [tilespmem:v13+s0+$0x0 ss:$0x1], $0xffff;
	_ =	sdelay $0x4  }
0x128: {  	(v2sf) =	vpush v13, $0x0  }
0x129: {  	(v2sf) =	vpush v13, $0x1  }
0x12a: {  	(v2sf) =	vpush v13, $0x2  }
0x12b: {  	(v2sf) =	vpush v13, $0x3  }
0x12c: {  	(v2sf) =	vpush v13, $0x4  }
0x12d: {  	(v2sf) =	vpush v13, $0x5  }
0x12e: {  	(v2sf) =	vpush v13, $0x6  }
0x12f: {  	(v2sf) =	vpush v13, $0x7  }
0x130: {  	(v2sf) =	vpush v13, $0x8  }
0x131: {  	(v2sf) =	vpush v13, $0x9  }
0x132: {  	(v2sf) =	vpush v13, $0xA  }
0x133: {  	(v2sf) =	vpush v13, $0xB  }
0x134: {  	(v2sf) =	vpush v13, $0xC  }
0x135: {  	(v2sf) =	vpush v13, $0xD  }
0x136: {  	(v2sf) =	vpush v13, $0xE  }
0x137: {  	s9 =	spop (v2sf);
	(v2sf) =	vpush v13, $0xF  }
0x138: {  	s0 =	sand.u32 $0x7FF, s9;
	s1 =	spop (v2sf)  }
0x139: {  	s0 =	sadd.s32 $0x1, s0;
	s1 =	sand.u32 $0x7FF, s1;
	s3 =	spop (v2sf)  }
0x13a: {  	v13 =	vadd.s32 s0, v6;
	s10 =	sadd.s32 $0x1, s1;
	s11 =	sand.u32 $0x7FF, s3;
	s13 =	spop (v2sf)  }
0x13b: {  	v14 =	vadd.s32 s10, v6;
	s14 =	sadd.s32 $0x1, s11;
	s15 =	sand.u32 $0x7FF, s13;
	s16 =	spop (v2sf)  }
0x13c: {  	v15 =	vadd.s32 s14, v6;
	s17 =	sadd.s32 $0x1, s15;
	s18 =	sand.u32 $0x7FF, s16;
	s19 =	spop (v2sf)  }
0x13d: {  	v16 =	vadd.s32 s17, v6;
	s22 =	sadd.s32 $0x1, s18;
	s23 =	sand.u32 $0x7FF, s19;
	s24 =	spop (v2sf)  }
0x13e: {  	v17 =	vadd.s32 s22, v6;
	s25 =	sadd.s32 $0x1, s23;
	s26 =	sand.u32 $0x7FF, s24;
	s28 =	spop (v2sf)  }
0x13f: {  	[tilespmem:v13+s20+$0x0] =	vst.idx.msk $0xffff, v1;
	v13 =	vadd.s32 s25, v6;
	s29 =	sadd.s32 $0x1, s26;
	s30 =	sand.u32 $0x7FF, s28;
	s31 =	spop (v2sf)  }
0x140: {  	[tilespmem:v14+s20+$0x0] =	vst.idx.msk $0xffff, v1;
	v14 =	vadd.s32 s29, v6;
	s1 =	sadd.s32 $0x1, s30;
	s3 =	sand.u32 $0x7FF, s31;
	s6 =	spop (v2sf)  }
0x141: {  	[tilespmem:v15+s20+$0x0] =	vst.idx.msk $0xffff, v1;
	v15 =	vadd.s32 s1, v6;
	s7 =	sadd.s32 $0x1, s3;
	s8 =	sand.u32 $0x7FF, s6;
	s9 =	spop (v2sf)  }
0x142: {  	[tilespmem:v16+s20+$0x0] =	vst.idx.msk $0xffff, v1;
	v60 =	vadd.s32 s7, v6;
	s10 =	sadd.s32 $0x1, s8;
	s11 =	sand.u32 $0x7FF, s9;
	s13 =	spop (v2sf)  }
0x143: {  	[tilespmem:v17+s20+$0x0] =	vst.idx.msk $0xffff, v1;
	v61 =	vadd.s32 s10, v6;
	s14 =	sadd.s32 $0x1, s11;
	s15 =	sand.u32 $0x7FF, s13;
	s16 =	spop (v2sf)  }
0x144: {  	[tilespmem:v13+s20+$0x0] =	vst.idx.msk $0xffff, v1;
	v13 =	vadd.s32 s14, v6;
	s17 =	sadd.s32 $0x1, s15;
	s18 =	sand.u32 $0x7FF, s16;
	s19 =	spop (v2sf)  }
0x145: {  	[tilespmem:v14+s20+$0x0] =	vst.idx.msk $0xffff, v1;
	v14 =	vadd.s32 s17, v6;
	s22 =	sadd.s32 $0x1, s18;
	s23 =	sand.u32 $0x7FF, s19;
	s24 =	spop (v2sf)  }
0x146: {  	[tilespmem:v15+s20+$0x0] =	vst.idx.msk $0xffff, v1;
	v15 =	vadd.s32 s22, v6;
	s25 =	sadd.s32 $0x1, s23;
	s26 =	sand.u32 $0x7FF, s24;
	s28 =	spop (v2sf)  }
0x147: {  	[tilespmem:v60+s20+$0x0] =	vst.idx.msk $0xffff, v1;
	v62 =	vadd.s32 s25, v6;
	s29 =	sadd.s32 $0x1, s26;
	s30 =	sand.u32 $0x7FF, s28  }
0x148: {  	[tilespmem:v61+s20+$0x0] =	vst.idx.msk $0xffff, v1;
	v63 =	vadd.s32 s29, v6;
	s31 =	sadd.s32 $0x1, s30  }
0x149: {  	[tilespmem:v13+s20+$0x0] =	vst.idx.msk $0xffff, v1;
	v13 =	vadd.s32 s31, v6  }
0x14a: {  	[tilespmem:v14+s20+$0x0] =	vst.idx.msk $0xffff, v1  }
0x14b: {  	[tilespmem:v15+s20+$0x0] =	vst.idx.msk $0xffff, v1  }
0x14c: {  	[tilespmem:v62+s20+$0x0] =	vst.idx.msk $0xffff, v1  }
0x14d: {  	[tilespmem:v63+s20+$0x0] =	vst.idx.msk $0xffff, v1  }
0x14e: {  	[tilespmem:v13+s20+$0x0] =	vst.idx.msk $0xffff, v1  }
.LBB2_20:
0x14f: {  	s0 =	sshra.s32 s2, $0x2  }
0x150: {  	[dreg:$0xf] =	wrdreg s0;
	s0 =	sadd.s32 $0x8430, s0  }
0x151: {  	v13 =	vmov s0;
	_ =	sdelay $0x3  }
0x152: {  	s3 =	simm.s32 $0x0  }
0x153: {  	v14 =	vld.idx.msk [tilespmem:v13+s3+$0x0 ss:$0x1], $0xffff;
	_ =	sdelay $0x4  }
0x154: {  	(v2sf) =	vpush v14, $0x0;
	_ =	sdelay $0x5  }
0x155: {  	(v2sf) =	vpush v14, $0x1;
	_ =	sdelay $0x5  }
0x156: {  	(v2sf) =	vpush v14, $0x2;
	_ =	sdelay $0x2  }
0x157: {  	[dreg:$0xc] =	wrdreg s4;
	s4 =	spop (v2sf)  }
0x158: {  	s1 =	sshra.s32 s4, $0x7  }
0x159: {  	s1 =	sand.u32 $0xFFFFFFF0, s1  }
0x15a: {  	(v2sf) =	vpush v14, $0x3;
	v15 =	vor.u32 s1, v4;
	_ =	sdelay $0x2  }
0x15b: {  	[dreg:$0xd] =	wrdreg s5;
	s0 =	sand.u32 $0x7FF, s4;
	s5 =	spop (v2sf)  }
0x15c: {  	s0 =	sadd.s32 $0x1, s0;
	s6 =	sshra.s32 s5, $0x7  }
0x15d: {  	s2 =	sand.u32 $0xFFFFFFF0, s6;
	v16 =	vadd.s32 s0, v6;
	v15 =	vld.idx.msk [tilespmem:v15+s12+$0x0], $0xffff  }
0x15e: {  	(v2sf) =	vpush v14, $0x4;
	v17 =	vor.u32 s2, v4;
	_ =	sdelay $0x2  }
0x15f: {  	s7 =	sand.u32 $0x7FF, s5;
	s8 =	spop (v2sf)  }
0x160: {  	s0 =	sadd.s32 $0x1, s7;
	s9 =	sshra.s32 s8, $0x7;
	[tilespmem:v16+s20+$0x0] =	vst.idx.add.f32.msk $0xffff, v15  }
0x161: {  	s2 =	sand.u32 $0xFFFFFFF0, s9;
	v16 =	vadd.s32 s0, v6;
	v15 =	vld.idx.msk [tilespmem:v17+s12+$0x0], $0xffff  }
0x162: {  	(v2sf) =	vpush v14, $0x5;
	v17 =	vor.u32 s2, v4;
	_ =	sdelay $0x2  }
0x163: {  	s10 =	sand.u32 $0x7FF, s8;
	s11 =	spop (v2sf)  }
0x164: {  	s0 =	sadd.s32 $0x1, s10;
	s13 =	sshra.s32 s11, $0x7;
	[tilespmem:v16+s20+$0x0] =	vst.idx.add.f32.msk $0xffff, v15  }
0x165: {  	s2 =	sand.u32 $0xFFFFFFF0, s13;
	v16 =	vadd.s32 s0, v6;
	v15 =	vld.idx.msk [tilespmem:v17+s12+$0x0], $0xffff  }
0x166: {  	(v2sf) =	vpush v14, $0x6;
	v17 =	vor.u32 s2, v4;
	_ =	sdelay $0x2  }
0x167: {  	s14 =	sand.u32 $0x7FF, s11;
	s15 =	spop (v2sf)  }
0x168: {  	s16 =	sshra.s32 s15, $0x7;
	s0 =	sadd.s32 $0x1, s14;
	[tilespmem:v16+s20+$0x0] =	vst.idx.add.f32.msk $0xffff, v15  }
0x169: {  	s2 =	sand.u32 $0xFFFFFFF0, s16;
	v16 =	vadd.s32 s0, v6;
	v15 =	vld.idx.msk [tilespmem:v17+s12+$0x0], $0xffff  }
0x16a: {  	(v2sf) =	vpush v14, $0x7;
	v17 =	vor.u32 s2, v4;
	_ =	sdelay $0x2  }
0x16b: {  	s17 =	sand.u32 $0x7FF, s15;
	s18 =	spop (v2sf)  }
0x16c: {  	s19 =	sshra.s32 s18, $0x7;
	s0 =	sadd.s32 $0x1, s17;
	[tilespmem:v16+s20+$0x0] =	vst.idx.add.f32.msk $0xffff, v15  }
0x16d: {  	s2 =	sand.u32 $0xFFFFFFF0, s19;
	v16 =	vadd.s32 s0, v6;
	v15 =	vld.idx.msk [tilespmem:v17+s12+$0x0], $0xffff  }
0x16e: {  	(v2sf) =	vpush v14, $0x8;
	v17 =	vor.u32 s2, v4;
	_ =	sdelay $0x2  }
0x16f: {  	s22 =	sand.u32 $0x7FF, s18;
	s23 =	spop (v2sf)  }
0x170: {  	s0 =	sadd.s32 $0x1, s22;
	s24 =	sshra.s32 s23, $0x7;
	[tilespmem:v16+s20+$0x0] =	vst.idx.add.f32.msk $0xffff, v15  }
0x171: {  	s2 =	sand.u32 $0xFFFFFFF0, s24;
	v16 =	vadd.s32 s0, v6;
	v15 =	vld.idx.msk [tilespmem:v17+s12+$0x0], $0xffff  }
0x172: {  	(v2sf) =	vpush v14, $0x9;
	v17 =	vor.u32 s2, v4;
	_ =	sdelay $0x2  }
0x173: {  	s25 =	sand.u32 $0x7FF, s23;
	s26 =	spop (v2sf)  }
0x174: {  	s28 =	sshra.s32 s26, $0x7;
	s0 =	sadd.s32 $0x1, s25;
	[tilespmem:v16+s20+$0x0] =	vst.idx.add.f32.msk $0xffff, v15  }
0x175: {  	s2 =	sand.u32 $0xFFFFFFF0, s28;
	v16 =	vadd.s32 s0, v6;
	v15 =	vld.idx.msk [tilespmem:v17+s12+$0x0], $0xffff  }
0x176: {  	(v2sf) =	vpush v14, $0xA;
	v17 =	vor.u32 s2, v4;
	_ =	sdelay $0x2  }
0x177: {  	s29 =	sand.u32 $0x7FF, s26;
	s31 =	spop (v2sf)  }
0x178: {  	s3 =	sshra.s32 s31, $0x7;
	s0 =	sadd.s32 $0x1, s29;
	[tilespmem:v16+s20+$0x0] =	vst.idx.add.f32.msk $0xffff, v15  }
0x179: {  	s2 =	sand.u32 $0xFFFFFFF0, s3;
	v16 =	vadd.s32 s0, v6;
	v15 =	vld.idx.msk [tilespmem:v17+s12+$0x0], $0xffff  }
0x17a: {  	(v2sf) =	vpush v14, $0xB;
	v17 =	vor.u32 s2, v4;
	_ =	sdelay $0x2  }
0x17b: {  	s4 =	sand.u32 $0x7FF, s31;
	s5 =	spop (v2sf)  }
0x17c: {  	s6 =	sshra.s32 s5, $0x7;
	s0 =	sadd.s32 $0x1, s4;
	[tilespmem:v16+s20+$0x0] =	vst.idx.add.f32.msk $0xffff, v15  }
0x17d: {  	s2 =	sand.u32 $0xFFFFFFF0, s6;
	v16 =	vadd.s32 s0, v6;
	v15 =	vld.idx.msk [tilespmem:v17+s12+$0x0], $0xffff  }
0x17e: {  	(v2sf) =	vpush v14, $0xC;
	v17 =	vor.u32 s2, v4;
	_ =	sdelay $0x2  }
0x17f: {  	s7 =	sand.u32 $0x7FF, s5;
	s8 =	spop (v2sf)  }
0x180: {  	s9 =	sshra.s32 s8, $0x7;
	s0 =	sadd.s32 $0x1, s7;
	[tilespmem:v16+s20+$0x0] =	vst.idx.add.f32.msk $0xffff, v15  }
0x181: {  	s2 =	sand.u32 $0xFFFFFFF0, s9;
	v16 =	vadd.s32 s0, v6;
	v15 =	vld.idx.msk [tilespmem:v17+s12+$0x0], $0xffff  }
0x182: {  	(v2sf) =	vpush v14, $0xD;
	v17 =	vor.u32 s2, v4;
	_ =	sdelay $0x2  }
0x183: {  	s10 =	sand.u32 $0x7FF, s8;
	s11 =	spop (v2sf)  }
0x184: {  	s13 =	sshra.s32 s11, $0x7;
	s0 =	sadd.s32 $0x1, s10;
	[tilespmem:v16+s20+$0x0] =	vst.idx.add.f32.msk $0xffff, v15  }
0x185: {  	s2 =	sand.u32 $0xFFFFFFF0, s13;
	v16 =	vadd.s32 s0, v6;
	v15 =	vld.idx.msk [tilespmem:v17+s12+$0x0], $0xffff  }
0x186: {  	(v2sf) =	vpush v14, $0xE;
	v17 =	vor.u32 s2, v4;
	_ =	sdelay $0x2  }
0x187: {  	s14 =	sand.u32 $0x7FF, s11;
	s15 =	spop (v2sf)  }
0x188: {  	s16 =	sshra.s32 s15, $0x7;
	s0 =	sadd.s32 $0x1, s14;
	[tilespmem:v16+s20+$0x0] =	vst.idx.add.f32.msk $0xffff, v15  }
0x189: {  	s2 =	sand.u32 $0xFFFFFFF0, s16;
	v16 =	vadd.s32 s0, v6;
	v15 =	vld.idx.msk [tilespmem:v17+s12+$0x0], $0xffff  }
0x18a: {  	(v2sf) =	vpush v14, $0xF;
	v14 =	vor.u32 s2, v4;
	_ =	sdelay $0x2  }
0x18b: {  	s17 =	sand.u32 $0x7FF, s15;
	s18 =	spop (v2sf)  }
0x18c: {  	s19 =	sshra.s32 s18, $0x7;
	s0 =	sadd.s32 $0x1, s17;
	[tilespmem:v16+s20+$0x0] =	vst.idx.add.f32.msk $0xffff, v15  }
0x18d: {  	s2 =	sand.u32 $0xFFFFFFF0, s19;
	v15 =	vadd.s32 s0, v6;
	v14 =	vld.idx.msk [tilespmem:v14+s12+$0x0], $0xffff  }
0x18e: {  	v16 =	vor.u32 s2, v4;
	_ =	sdelay $0x2  }
0x18f: {  	s22 =	sand.u32 $0x7FF, s18;
	s23 =	spop (v2sf)  }
0x190: {  	s24 =	sshra.s32 s23, $0x7;
	s0 =	sadd.s32 $0x1, s22;
	[tilespmem:v15+s20+$0x0] =	vst.idx.add.f32.msk $0xffff, v14  }
0x191: {  	s2 =	sand.u32 $0xFFFFFFF0, s24;
	v15 =	vadd.s32 s0, v6;
	v14 =	vld.idx.msk [tilespmem:v16+s12+$0x0], $0xffff  }
0x192: {  	v16 =	vor.u32 s2, v4;
	_ =	sdelay $0x2  }
0x193: {  	s25 =	sand.u32 $0x7FF, s23;
	s26 =	spop (v2sf)  }
0x194: {  	s28 =	sshra.s32 s26, $0x7;
	s0 =	sadd.s32 $0x1, s25;
	[tilespmem:v15+s20+$0x0] =	vst.idx.add.f32.msk $0xffff, v14  }
0x195: {  	s29 =	sand.u32 $0xFFFFFFF0, s28;
	v14 =	vadd.s32 s0, v6;
	v15 =	vld.idx.msk [tilespmem:v16+s12+$0x0], $0xffff  }
0x196: {  	v16 =	vor.u32 s29, v4;
	_ =	sdelay $0x2  }
0x197: {  	s31 =	sand.u32 $0x7FF, s26  }
0x198: {  	s0 =	sadd.s32 $0x1, s31;
	[tilespmem:v14+s20+$0x0] =	vst.idx.add.f32.msk $0xffff, v15  }
0x199: {  	s30 =	simm.s32 $0x40;
	s2 =	simm.s32 $0x80;
	v15 =	vadd.s32 s0, v6;
	v14 =	vld.idx.msk [tilespmem:v16+s12+$0x0], $0xffff  }
.LBB2_21:
0x19a: {  	_ =	sdelay $0x2  }
0x19b: {  	p2 =	sne.s32 s2, $0x240  }
0x19c: {  	s0 =	sshra.s32 s30, $0x2;
	s30 =	smov.u32 s2;
	s2 =	sadd.s32 $0x40, s2;
	[tilespmem:v15+s20+$0x0] =	vst.idx.add.f32.msk $0xffff, v14  }
0x19d: {  	v14 =	vld.idx.msk [tilespmem:v13+s0+$0x0 ss:$0x1], $0xffff;
	_ =	sdelay $0x5  }
0x19e: {  	(v2sf) =	vpush v14, $0x0  }
0x19f: {  	(v2sf) =	vpush v14, $0x1;
	_ =	sdelay $0x1  }
0x1a0: {  	(v2sf) =	vpush v14, $0x2;
	_ =	sdelay $0x1  }
0x1a1: {  	(v2sf) =	vpush v14, $0x3  }
0x1a2: {  	(v2sf) =	vpush v14, $0x4;
	_ =	sdelay $0x1  }
0x1a3: {  	(v2sf) =	vpush v14, $0x5;
	_ =	sdelay $0x1  }
0x1a4: {  	(v2sf) =	vpush v14, $0x6  }
0x1a5: {  	(v2sf) =	vpush v14, $0x7;
	_ =	sdelay $0x1  }
0x1a6: {  	(v2sf) =	vpush v14, $0x8;
	_ =	sdelay $0x1  }
0x1a7: {  	s0 =	spop (v2sf);
	(v2sf) =	vpush v14, $0x9  }
0x1a8: {  	s1 =	sand.u32 $0x7FF, s0;
	s0 =	sshra.s32 s0, $0x7;
	s3 =	spop (v2sf);
	(v2sf) =	vpush v14, $0xA  }
0x1a9: {  	s0 =	sand.u32 $0xFFFFFFF0, s0;
	s1 =	sadd.s32 $0x1, s1;
	s4 =	sshra.s32 s3, $0x7  }
0x1aa: {  	v15 =	vor.u32 s0, v4;
	s0 =	sand.u32 $0x7FF, s3;
	s4 =	sand.u32 $0xFFFFFFF0, s4;
	s3 =	spop (v2sf);
	(v2sf) =	vpush v14, $0xB  }
0x1ab: {  	s5 =	sadd.s32 $0x1, s0;
	s0 =	sand.u32 $0x7FF, s3;
	s3 =	sshra.s32 s3, $0x7  }
0x1ac: {  	s6 =	sand.u32 $0xFFFFFFF0, s3;
	s0 =	sadd.s32 $0x1, s0;
	s3 =	spop (v2sf);
	(v2sf) =	vpush v14, $0xC  }
0x1ad: {  	s7 =	sand.u32 $0x7FF, s3;
	s3 =	sshra.s32 s3, $0x7;
	s8 =	spop (v2sf);
	(v2sf) =	vpush v14, $0xD  }
0x1ae: {  	s3 =	sand.u32 $0xFFFFFFF0, s3;
	s29 =	sadd.s32 $0x1, s7;
	s7 =	sshra.s32 s8, $0x7  }
0x1af: {  	s8 =	sand.u32 $0x7FF, s8;
	v15 =	vld.idx.msk [tilespmem:v15+s12+$0x0], $0xffff;
	s18 =	sand.u32 $0xFFFFFFF0, s7;
	s7 =	spop (v2sf);
	(v2sf) =	vpush v14, $0xE  }
0x1b0: {  	v16 =	vadd.s32 s1, v6;
	s31 =	sadd.s32 $0x1, s8;
	s1 =	sand.u32 $0x7FF, s7;
	s7 =	sshra.s32 s7, $0x7  }
0x1b1: {  	v17 =	vor.u32 s4, v4;
	s19 =	sand.u32 $0xFFFFFFF0, s7;
	s23 =	sadd.s32 $0x1, s1;
	s1 =	spop (v2sf);
	(v2sf) =	vpush v14, $0xF  }
0x1b2: {  	s4 =	sand.u32 $0x7FF, s1;
	s1 =	sshra.s32 s1, $0x7;
	s7 =	spop (v2sf)  }
0x1b3: {  	s28 =	sand.u32 $0xFFFFFFF0, s1;
	s10 =	sadd.s32 $0x1, s4;
	s1 =	sshra.s32 s7, $0x7  }
0x1b4: {  	s4 =	sand.u32 $0x7FF, s7;
	s13 =	sand.u32 $0xFFFFFFF0, s1;
	s1 =	spop (v2sf)  }
0x1b5: {  	s4 =	sadd.s32 $0x1, s4;
	[tilespmem:v16+s20+$0x0] =	vst.idx.add.f32.msk $0xffff, v15;
	s7 =	sand.u32 $0x7FF, s1;
	s1 =	sshra.s32 s1, $0x7  }
0x1b6: {  	v14 =	vld.idx.msk [tilespmem:v17+s12+$0x0], $0xffff;
	s22 =	sand.u32 $0xFFFFFFF0, s1;
	s7 =	sadd.s32 $0x1, s7;
	s1 =	spop (v2sf)  }
0x1b7: {  	v15 =	vadd.s32 s5, v6;
	s5 =	sand.u32 $0x7FF, s1;
	s1 =	sshra.s32 s1, $0x7;
	s9 =	spop (v2sf)  }
0x1b8: {  	v16 =	vor.u32 s6, v4;
	s8 =	sand.u32 $0xFFFFFFF0, s1;
	s6 =	sadd.s32 $0x1, s5;
	s1 =	sshra.s32 s9, $0x7  }
0x1b9: {  	s5 =	sand.u32 $0x7FF, s9;
	s25 =	sand.u32 $0xFFFFFFF0, s1;
	s1 =	spop (v2sf)  }
0x1ba: {  	s15 =	sadd.s32 $0x1, s5;
	s5 =	sand.u32 $0x7FF, s1;
	s1 =	sshra.s32 s1, $0x7  }
0x1bb: {  	s24 =	sand.u32 $0xFFFFFFF0, s1;
	s26 =	sadd.s32 $0x1, s5;
	s1 =	spop (v2sf)  }
0x1bc: {  	[tilespmem:v15+s20+$0x0] =	vst.idx.add.f32.msk $0xffff, v14;
	s5 =	sand.u32 $0x7FF, s1;
	s1 =	sshra.s32 s1, $0x7;
	s11 =	spop (v2sf)  }
0x1bd: {  	v14 =	vld.idx.msk [tilespmem:v16+s12+$0x0], $0xffff;
	s16 =	sand.u32 $0xFFFFFFF0, s1;
	s9 =	sadd.s32 $0x1, s5;
	s1 =	sshra.s32 s11, $0x7  }
0x1be: {  	v15 =	vadd.s32 s0, v6;
	s0 =	sand.u32 $0x7FF, s11;
	s1 =	sand.u32 $0xFFFFFFF0, s1;
	s11 =	spop (v2sf)  }
0x1bf: {  	v16 =	vor.u32 s3, v4;
	s5 =	sadd.s32 $0x1, s0;
	s0 =	sand.u32 $0x7FF, s11;
	s3 =	sshra.s32 s11, $0x7  }
0x1c0: {  	s11 =	sand.u32 $0xFFFFFFF0, s3;
	s3 =	sadd.s32 $0x1, s0;
	s0 =	spop (v2sf)  }
0x1c1: {  	s17 =	sand.u32 $0x7FF, s0;
	s0 =	sshra.s32 s0, $0x7  }
0x1c2: {  	s14 =	sand.u32 $0xFFFFFFF0, s0;
	s0 =	sadd.s32 $0x1, s17  }
0x1c3: {  	[tilespmem:v15+s20+$0x0] =	vst.idx.add.f32.msk $0xffff, v14  }
0x1c4: {  	v14 =	vld.idx.msk [tilespmem:v16+s12+$0x0], $0xffff  }
0x1c5: {  	v15 =	vadd.s32 s29, v6  }
0x1c6: {  	v16 =	vor.u32 s18, v4;
	_ =	sdelay $0x3  }
0x1c7: {  	[tilespmem:v15+s20+$0x0] =	vst.idx.add.f32.msk $0xffff, v14  }
0x1c8: {  	v14 =	vld.idx.msk [tilespmem:v16+s12+$0x0], $0xffff  }
0x1c9: {  	v15 =	vadd.s32 s31, v6  }
0x1ca: {  	v16 =	vor.u32 s19, v4;
	_ =	sdelay $0x3  }
0x1cb: {  	[tilespmem:v15+s20+$0x0] =	vst.idx.add.f32.msk $0xffff, v14  }
0x1cc: {  	v14 =	vld.idx.msk [tilespmem:v16+s12+$0x0], $0xffff  }
0x1cd: {  	v15 =	vadd.s32 s23, v6  }
0x1ce: {  	v16 =	vor.u32 s28, v4;
	_ =	sdelay $0x3  }
0x1cf: {  	[tilespmem:v15+s20+$0x0] =	vst.idx.add.f32.msk $0xffff, v14  }
0x1d0: {  	v14 =	vld.idx.msk [tilespmem:v16+s12+$0x0], $0xffff  }
0x1d1: {  	v15 =	vadd.s32 s10, v6  }
0x1d2: {  	v16 =	vor.u32 s13, v4;
	_ =	sdelay $0x3  }
0x1d3: {  	[tilespmem:v15+s20+$0x0] =	vst.idx.add.f32.msk $0xffff, v14  }
0x1d4: {  	v14 =	vld.idx.msk [tilespmem:v16+s12+$0x0], $0xffff  }
0x1d5: {  	v15 =	vadd.s32 s4, v6  }
0x1d6: {  	v16 =	vor.u32 s22, v4;
	_ =	sdelay $0x3  }
0x1d7: {  	[tilespmem:v15+s20+$0x0] =	vst.idx.add.f32.msk $0xffff, v14  }
0x1d8: {  	v14 =	vld.idx.msk [tilespmem:v16+s12+$0x0], $0xffff  }
0x1d9: {  	v15 =	vadd.s32 s7, v6  }
0x1da: {  	v16 =	vor.u32 s8, v4;
	_ =	sdelay $0x3  }
0x1db: {  	[tilespmem:v15+s20+$0x0] =	vst.idx.add.f32.msk $0xffff, v14  }
0x1dc: {  	v14 =	vld.idx.msk [tilespmem:v16+s12+$0x0], $0xffff  }
0x1dd: {  	v15 =	vadd.s32 s6, v6  }
0x1de: {  	v16 =	vor.u32 s25, v4;
	_ =	sdelay $0x3  }
0x1df: {  	[tilespmem:v15+s20+$0x0] =	vst.idx.add.f32.msk $0xffff, v14  }
0x1e0: {  	v14 =	vld.idx.msk [tilespmem:v16+s12+$0x0], $0xffff  }
0x1e1: {  	v15 =	vadd.s32 s15, v6  }
0x1e2: {  	v16 =	vor.u32 s24, v4;
	_ =	sdelay $0x3  }
0x1e3: {  	[tilespmem:v15+s20+$0x0] =	vst.idx.add.f32.msk $0xffff, v14  }
0x1e4: {  	v14 =	vld.idx.msk [tilespmem:v16+s12+$0x0], $0xffff  }
0x1e5: {  	v15 =	vadd.s32 s26, v6  }
0x1e6: {  	v16 =	vor.u32 s16, v4;
	_ =	sdelay $0x3  }
0x1e7: {  	[tilespmem:v15+s20+$0x0] =	vst.idx.add.f32.msk $0xffff, v14  }
0x1e8: {  	v14 =	vld.idx.msk [tilespmem:v16+s12+$0x0], $0xffff  }
0x1e9: {  	v15 =	vadd.s32 s9, v6  }
0x1ea: {  	v16 =	vor.u32 s1, v4;
	_ =	sdelay $0x3  }
0x1eb: {  	[tilespmem:v15+s20+$0x0] =	vst.idx.add.f32.msk $0xffff, v14  }
0x1ec: {  	v14 =	vld.idx.msk [tilespmem:v16+s12+$0x0], $0xffff  }
0x1ed: {  	v15 =	vadd.s32 s5, v6  }
0x1ee: {  	v16 =	vor.u32 s11, v4;
	_ =	sdelay $0x3  }
0x1ef: {  	[tilespmem:v15+s20+$0x0] =	vst.idx.add.f32.msk $0xffff, v14  }
0x1f0: {  	v14 =	vld.idx.msk [tilespmem:v16+s12+$0x0], $0xffff  }
0x1f1: {  	v15 =	vadd.s32 s3, v6  }
0x1f2: {  	v16 =	vor.u32 s14, v4;
	_ =	sdelay $0x1  }
.Ltmp11:
0x1f3: {  	(pc) =	sbr.rel @p2 .LBB2_21-.Ltmp11, $4  }
0x1f4: {  	_ = 	snop  }
0x1f5: {  	[tilespmem:v15+s20+$0x0] =	vst.idx.add.f32.msk $0xffff, v14  }
0x1f6: {  	v14 =	vld.idx.msk [tilespmem:v16+s12+$0x0], $0xffff  }
0x1f7: {  	v15 =	vadd.s32 s0, v6  }
0x1f8: {  	_ =	sdelay $0x3  }
0x1f9: {  	s0 =	sshra.s32 s30, $0x2;
	[tilespmem:v15+s20+$0x0] =	vst.idx.add.f32.msk $0xffff, v14  }
0x1fa: {  	v14 =	vld.idx.msk [tilespmem:v13+s0+$0x0 ss:$0x1], $0xffff;
	_ =	sdelay $0x4  }
0x1fb: {  	(v2sf) =	vpush v14, $0x0;
	_ =	sdelay $0x5  }
0x1fc: {  	(v2sf) =	vpush v14, $0x1;
	_ =	sdelay $0x5  }
0x1fd: {  	(v2sf) =	vpush v14, $0x2;
	_ =	sdelay $0x2  }
0x1fe: {  	s2 =	spop (v2sf)  }
0x1ff: {  	s1 =	sshra.s32 s2, $0x7  }
0x200: {  	s1 =	sand.u32 $0xFFFFFFF0, s1  }
0x201: {  	(v2sf) =	vpush v14, $0x3;
	v15 =	vor.u32 s1, v4;
	_ =	sdelay $0x2  }
0x202: {  	s0 =	sand.u32 $0x7FF, s2;
	s3 =	spop (v2sf)  }
0x203: {  	s0 =	sadd.s32 $0x1, s0;
	s2 =	sshra.s32 s3, $0x7  }
0x204: {  	s2 =	sand.u32 $0xFFFFFFF0, s2;
	v16 =	vadd.s32 s0, v6;
	v15 =	vld.idx.msk [tilespmem:v15+s12+$0x0], $0xffff  }
0x205: {  	(v2sf) =	vpush v14, $0x4;
	v17 =	vor.u32 s2, v4;
	_ =	sdelay $0x2  }
0x206: {  	s4 =	sand.u32 $0x7FF, s3;
	s5 =	spop (v2sf)  }
0x207: {  	s0 =	sadd.s32 $0x1, s4;
	s6 =	sshra.s32 s5, $0x7;
	[tilespmem:v16+s20+$0x0] =	vst.idx.add.f32.msk $0xffff, v15  }
0x208: {  	s2 =	sand.u32 $0xFFFFFFF0, s6;
	v40 =	vadd.s32 s0, v6;
	v15 =	vld.idx.msk [tilespmem:v17+s12+$0x0], $0xffff  }
0x209: {  	(v2sf) =	vpush v14, $0x5;
	v41 =	vor.u32 s2, v4;
	_ =	sdelay $0x2  }
0x20a: {  	s7 =	sand.u32 $0x7FF, s5;
	s8 =	spop (v2sf)  }
0x20b: {  	s0 =	sadd.s32 $0x1, s7;
	s9 =	sshra.s32 s8, $0x7;
	[tilespmem:v40+s20+$0x0] =	vst.idx.add.f32.msk $0xffff, v15  }
0x20c: {  	v42 =	vadd.s32 s0, v6;
	s2 =	sand.u32 $0xFFFFFFF0, s9;
	v15 =	vld.idx.msk [tilespmem:v41+s12+$0x0], $0xffff  }
0x20d: {  	(v2sf) =	vpush v14, $0x6;
	v43 =	vor.u32 s2, v4;
	_ =	sdelay $0x2  }
0x20e: {  	s10 =	sand.u32 $0x7FF, s8;
	s11 =	spop (v2sf)  }
0x20f: {  	s0 =	sadd.s32 $0x1, s10;
	s13 =	sshra.s32 s11, $0x7;
	[tilespmem:v42+s20+$0x0] =	vst.idx.add.f32.msk $0xffff, v15  }
0x210: {  	s2 =	sand.u32 $0xFFFFFFF0, s13;
	v44 =	vadd.s32 s0, v6;
	v15 =	vld.idx.msk [tilespmem:v43+s12+$0x0], $0xffff  }
0x211: {  	(v2sf) =	vpush v14, $0x7;
	v45 =	vor.u32 s2, v4;
	_ =	sdelay $0x2  }
0x212: {  	s14 =	sand.u32 $0x7FF, s11;
	s15 =	spop (v2sf)  }
0x213: {  	s0 =	sadd.s32 $0x1, s14;
	s16 =	sshra.s32 s15, $0x7;
	[tilespmem:v44+s20+$0x0] =	vst.idx.add.f32.msk $0xffff, v15  }
0x214: {  	s2 =	sand.u32 $0xFFFFFFF0, s16;
	v46 =	vadd.s32 s0, v6;
	v15 =	vld.idx.msk [tilespmem:v45+s12+$0x0], $0xffff  }
0x215: {  	(v2sf) =	vpush v14, $0x8;
	v47 =	vor.u32 s2, v4;
	_ =	sdelay $0x2  }
0x216: {  	s17 =	sand.u32 $0x7FF, s15;
	s18 =	spop (v2sf)  }
0x217: {  	s0 =	sadd.s32 $0x1, s17;
	s19 =	sshra.s32 s18, $0x7;
	[tilespmem:v46+s20+$0x0] =	vst.idx.add.f32.msk $0xffff, v15  }
0x218: {  	v48 =	vadd.s32 s0, v6;
	s2 =	sand.u32 $0xFFFFFFF0, s19;
	v15 =	vld.idx.msk [tilespmem:v47+s12+$0x0], $0xffff  }
0x219: {  	(v2sf) =	vpush v14, $0x9;
	v49 =	vor.u32 s2, v4;
	_ =	sdelay $0x2  }
0x21a: {  	s22 =	sand.u32 $0x7FF, s18;
	s23 =	spop (v2sf)  }
0x21b: {  	s0 =	sadd.s32 $0x1, s22;
	s24 =	sshra.s32 s23, $0x7;
	[tilespmem:v48+s20+$0x0] =	vst.idx.add.f32.msk $0xffff, v15  }
0x21c: {  	s2 =	sand.u32 $0xFFFFFFF0, s24;
	v50 =	vadd.s32 s0, v6;
	v15 =	vld.idx.msk [tilespmem:v49+s12+$0x0], $0xffff  }
0x21d: {  	(v2sf) =	vpush v14, $0xA;
	v51 =	vor.u32 s2, v4;
	_ =	sdelay $0x2  }
0x21e: {  	s25 =	sand.u32 $0x7FF, s23;
	s26 =	spop (v2sf)  }
0x21f: {  	s0 =	sadd.s32 $0x1, s25;
	s28 =	sshra.s32 s26, $0x7;
	[tilespmem:v50+s20+$0x0] =	vst.idx.add.f32.msk $0xffff, v15  }
0x220: {  	s2 =	sand.u32 $0xFFFFFFF0, s28;
	v52 =	vadd.s32 s0, v6;
	v15 =	vld.idx.msk [tilespmem:v51+s12+$0x0], $0xffff  }
0x221: {  	(v2sf) =	vpush v14, $0xB;
	v53 =	vor.u32 s2, v4;
	_ =	sdelay $0x2  }
0x222: {  	s29 =	sand.u32 $0x7FF, s26;
	s30 =	spop (v2sf)  }
0x223: {  	s0 =	sadd.s32 $0x1, s29;
	s31 =	sshra.s32 s30, $0x7;
	[tilespmem:v52+s20+$0x0] =	vst.idx.add.f32.msk $0xffff, v15  }
0x224: {  	v54 =	vadd.s32 s0, v6;
	s2 =	sand.u32 $0xFFFFFFF0, s31;
	v15 =	vld.idx.msk [tilespmem:v53+s12+$0x0], $0xffff  }
0x225: {  	(v2sf) =	vpush v14, $0xC;
	v55 =	vor.u32 s2, v4;
	_ =	sdelay $0x2  }
0x226: {  	s3 =	sand.u32 $0x7FF, s30;
	s4 =	spop (v2sf)  }
0x227: {  	s0 =	sadd.s32 $0x1, s3;
	s5 =	sshra.s32 s4, $0x7;
	[tilespmem:v54+s20+$0x0] =	vst.idx.add.f32.msk $0xffff, v15  }
0x228: {  	s2 =	sand.u32 $0xFFFFFFF0, s5;
	v56 =	vadd.s32 s0, v6;
	v15 =	vld.idx.msk [tilespmem:v55+s12+$0x0], $0xffff  }
0x229: {  	(v2sf) =	vpush v14, $0xD;
	v57 =	vor.u32 s2, v4;
	_ =	sdelay $0x2  }
0x22a: {  	s6 =	sand.u32 $0x7FF, s4;
	s7 =	spop (v2sf)  }
0x22b: {  	s0 =	sadd.s32 $0x1, s6;
	s8 =	sshra.s32 s7, $0x7;
	[tilespmem:v56+s20+$0x0] =	vst.idx.add.f32.msk $0xffff, v15  }
0x22c: {  	s2 =	sand.u32 $0xFFFFFFF0, s8;
	v58 =	vadd.s32 s0, v6;
	v15 =	vld.idx.msk [tilespmem:v57+s12+$0x0], $0xffff  }
0x22d: {  	(v2sf) =	vpush v14, $0xE;
	v59 =	vor.u32 s2, v4;
	_ =	sdelay $0x2  }
0x22e: {  	s9 =	sand.u32 $0x7FF, s7;
	s10 =	spop (v2sf)  }
0x22f: {  	s0 =	sadd.s32 $0x1, s9;
	s11 =	sshra.s32 s10, $0x7;
	[tilespmem:v58+s20+$0x0] =	vst.idx.add.f32.msk $0xffff, v15  }
0x230: {  	v60 =	vadd.s32 s0, v6;
	s2 =	sand.u32 $0xFFFFFFF0, s11;
	v15 =	vld.idx.msk [tilespmem:v59+s12+$0x0], $0xffff  }
0x231: {  	(v2sf) =	vpush v14, $0xF;
	v14 =	vor.u32 s2, v4;
	_ =	sdelay $0x2  }
0x232: {  	s13 =	sand.u32 $0x7FF, s10;
	s14 =	spop (v2sf)  }
0x233: {  	s0 =	sadd.s32 $0x1, s13;
	s15 =	sshra.s32 s14, $0x7;
	[tilespmem:v60+s20+$0x0] =	vst.idx.add.f32.msk $0xffff, v15  }
0x234: {  	s2 =	sand.u32 $0xFFFFFFF0, s15;
	v15 =	vadd.s32 s0, v6;
	v14 =	vld.idx.msk [tilespmem:v14+s12+$0x0], $0xffff  }
0x235: {  	v61 =	vor.u32 s2, v4;
	_ =	sdelay $0x2  }
0x236: {  	s16 =	sand.u32 $0x7FF, s14;
	s17 =	spop (v2sf)  }
0x237: {  	s18 =	sshra.s32 s17, $0x7;
	s0 =	sadd.s32 $0x1, s16;
	[tilespmem:v15+s20+$0x0] =	vst.idx.add.f32.msk $0xffff, v14  }
0x238: {  	s2 =	sand.u32 $0xFFFFFFF0, s18;
	v15 =	vadd.s32 s0, v6;
	v14 =	vld.idx.msk [tilespmem:v61+s12+$0x0], $0xffff  }
0x239: {  	v62 =	vor.u32 s2, v4;
	_ =	sdelay $0x2  }
0x23a: {  	s19 =	sand.u32 $0x7FF, s17;
	s22 =	spop (v2sf)  }
0x23b: {  	s23 =	sshra.s32 s22, $0x7;
	s0 =	sadd.s32 $0x1, s19;
	[tilespmem:v15+s20+$0x0] =	vst.idx.add.f32.msk $0xffff, v14  }
0x23c: {  	s24 =	sand.u32 $0xFFFFFFF0, s23;
	v14 =	vadd.s32 s0, v6;
	v15 =	vld.idx.msk [tilespmem:v62+s12+$0x0], $0xffff  }
0x23d: {  	v63 =	vor.u32 s24, v4;
	_ =	sdelay $0x2  }
0x23e: {  	s26 =	rddreg [dreg:$0xc];
	s25 =	sand.u32 $0x7FF, s22  }
0x23f: {  	s1 =	sshll.u32 s26, $0x1;
	s28 =	rddreg [dreg:$0x5];
	s0 =	sadd.s32 $0x1, s25;
	[tilespmem:v14+s20+$0x0] =	vst.idx.add.f32.msk $0xffff, v15  }
0x240: {  	v15 =	vadd.s32 s0, v6;
	s0 =	sadd.s32 s28, s1;
	v14 =	vld.idx.msk [tilespmem:v63+s12+$0x0], $0xffff  }
0x241: {  	s0 =	smul.u32 $0x808, s0  }
.Ltmp12:
0x242: {  	_ = 	snop;
	(pc) =	sbr.rel @p1 .LBB2_26-.Ltmp12, $4  }
0x243: {  	s29 =	rddreg [dreg:$0x3];
	s0 =	sadd.s32 $0x808, s0  }
0x244: {  	[dreg:$0xe] =	wrdreg s1;
	s0 =	sshrl.u32 s0, $0x3  }
0x245: {  	s30 =	simm.s32 $0x808;
	s31 =	simm.s32 $0x404808;
	s0 =	sadd.s32 s29, s0;
	[tilespmem:v15+s20+$0x0] =	vst.idx.add.f32.msk $0xffff, v14  }
0x246: {  	[hbm4b:s0+s30] =	stream.strided.scatter [tilespmem:s20], [sflag:$0x1], $0x8080, s31, s30, $0x38;
	[tilespmem:$0x1AD70] =	vst v63  }
0x247: {  	s0 =	simm.s32 $0x2  }
0x248: {  	_ =	swait.ge [sflag:s0], $0x8080  }
0x249: {  	[sflag:s0] =	ssyncset.done $0x0  }
0x24a: {  	s11 =	simm.s32 $0xFFFFFF60;
	[sflag:s0] =	ssyncadd.s32 $0xFFFF7F80  }
0x24b: {  	v14 =	vld.idx.msk [tilespmem:v13+s11+$0x0 ss:$0x1], $0xffff;
	_ =	sdelay $0x4  }
0x24c: {  	(v2sf) =	vpush v14, $0x0  }
0x24d: {  	(v2sf) =	vpush v14, $0x1  }
0x24e: {  	(v2sf) =	vpush v14, $0x2  }
0x24f: {  	(v2sf) =	vpush v14, $0x3  }
0x250: {  	(v2sf) =	vpush v14, $0x4  }
0x251: {  	(v2sf) =	vpush v14, $0x5  }
0x252: {  	(v2sf) =	vpush v14, $0x6  }
0x253: {  	(v2sf) =	vpush v14, $0x7  }
0x254: {  	(v2sf) =	vpush v14, $0x8  }
0x255: {  	(v2sf) =	vpush v14, $0x9  }
0x256: {  	(v2sf) =	vpush v14, $0xA  }
0x257: {  	(v2sf) =	vpush v14, $0xB  }
0x258: {  	(v2sf) =	vpush v14, $0xC  }
0x259: {  	(v2sf) =	vpush v14, $0xD  }
0x25a: {  	(v2sf) =	vpush v14, $0xE  }
0x25b: {  	s13 =	spop (v2sf)  }
0x25c: {  	(v2sf) =	vpush v14, $0xF;
	s0 =	sand.u32 $0x7FF, s13;
	s1 =	spop (v2sf)  }
0x25d: {  	s0 =	sadd.s32 $0x1, s0;
	s1 =	sand.u32 $0x7FF, s1;
	s2 =	spop (v2sf)  }
0x25e: {  	v15 =	vadd.s32 s0, v6;
	s14 =	sadd.s32 $0x1, s1;
	s15 =	sand.u32 $0x7FF, s2;
	s16 =	spop (v2sf)  }
0x25f: {  	v14 =	vadd.s32 s14, v6;
	s17 =	sadd.s32 $0x1, s15;
	s18 =	sand.u32 $0x7FF, s16;
	s19 =	spop (v2sf)  }
0x260: {  	v16 =	vadd.s32 s17, v6;
	s22 =	sadd.s32 $0x1, s18;
	s23 =	sand.u32 $0x7FF, s19;
	s24 =	spop (v2sf)  }
0x261: {  	v17 =	vadd.s32 s22, v6;
	s25 =	sadd.s32 $0x1, s23;
	s26 =	sand.u32 $0x7FF, s24;
	s28 =	spop (v2sf)  }
0x262: {  	v18 =	vadd.s32 s25, v6;
	s29 =	sadd.s32 $0x1, s26;
	s30 =	sand.u32 $0x7FF, s28;
	s31 =	spop (v2sf)  }
0x263: {  	[tilespmem:v15+s21+$0x0] =	vst.idx.msk $0xffff, v1;
	v15 =	vadd.s32 s29, v6;
	s1 =	sadd.s32 $0x1, s30;
	s3 =	sand.u32 $0x7FF, s31;
	s4 =	spop (v2sf)  }
0x264: {  	[tilespmem:v14+s21+$0x0] =	vst.idx.msk $0xffff, v1;
	v14 =	vadd.s32 s1, v6;
	s5 =	sadd.s32 $0x1, s3;
	s6 =	sand.u32 $0x7FF, s4;
	s7 =	spop (v2sf)  }
0x265: {  	[tilespmem:v16+s21+$0x0] =	vst.idx.msk $0xffff, v1;
	v58 =	vadd.s32 s5, v6;
	s8 =	sadd.s32 $0x1, s6;
	s9 =	sand.u32 $0x7FF, s7;
	s10 =	spop (v2sf)  }
0x266: {  	[tilespmem:v17+s21+$0x0] =	vst.idx.msk $0xffff, v1;
	v59 =	vadd.s32 s8, v6;
	s11 =	sadd.s32 $0x1, s9;
	s13 =	sand.u32 $0x7FF, s10;
	s14 =	spop (v2sf)  }
0x267: {  	[tilespmem:v18+s21+$0x0] =	vst.idx.msk $0xffff, v1;
	v60 =	vadd.s32 s11, v6;
	s15 =	sadd.s32 $0x1, s13;
	s16 =	sand.u32 $0x7FF, s14;
	s17 =	spop (v2sf)  }
0x268: {  	[tilespmem:v15+s21+$0x0] =	vst.idx.msk $0xffff, v1;
	v15 =	vadd.s32 s15, v6;
	s18 =	sadd.s32 $0x1, s16;
	s19 =	sand.u32 $0x7FF, s17;
	s22 =	spop (v2sf)  }
0x269: {  	[tilespmem:v14+s21+$0x0] =	vst.idx.msk $0xffff, v1;
	v14 =	vadd.s32 s18, v6;
	s23 =	sadd.s32 $0x1, s19;
	s24 =	sand.u32 $0x7FF, s22;
	s25 =	spop (v2sf)  }
0x26a: {  	[tilespmem:v58+s21+$0x0] =	vst.idx.msk $0xffff, v1;
	v61 =	vadd.s32 s23, v6;
	s26 =	sadd.s32 $0x1, s24;
	s28 =	sand.u32 $0x7FF, s25  }
0x26b: {  	s30 =	spop (v2sf);
	[tilespmem:v59+s21+$0x0] =	vst.idx.msk $0xffff, v1;
	v62 =	vadd.s32 s26, v6;
	s29 =	sadd.s32 $0x1, s28  }
0x26c: {  	s0 =	sand.u32 $0x7FF, s30;
	[tilespmem:v60+s21+$0x0] =	vst.idx.msk $0xffff, v1;
	v63 =	vadd.s32 s29, v6  }
0x26d: {  	s31 =	sadd.s32 $0x1, s0;
	[tilespmem:v15+s21+$0x0] =	vst.idx.msk $0xffff, v1  }
0x26e: {  	[tilespmem:v14+s21+$0x0] =	vst.idx.msk $0xffff, v1;
	v14 =	vadd.s32 s31, v6  }
0x26f: {  	[tilespmem:v61+s21+$0x0] =	vst.idx.msk $0xffff, v1  }
0x270: {  	[tilespmem:v62+s21+$0x0] =	vst.idx.msk $0xffff, v1  }
0x271: {  	s2 =	simm.s32 $0xFFFFFDC0;
	s0 =	simm.s32 $0xFFFFFE00;
	[tilespmem:v63+s21+$0x0] =	vst.idx.msk $0xffff, v1  }
.LBB2_24:
0x272: {  	p1 =	sne.s32 s0, $0xFFFFFFC0  }
0x273: {  	s1 =	sshra.s32 s2, $0x2;
	[tilespmem:v14+s21+$0x0] =	vst.idx.msk $0xffff, v1;
	s2 =	smov.u32 s0;
	s0 =	sadd.s32 $0x40, s0  }
0x274: {  	v14 =	vld.idx.msk [tilespmem:v13+s1+$0x0 ss:$0x1], $0xffff;
	_ =	sdelay $0x5  }
0x275: {  	(v2sf) =	vpush v14, $0x0  }
0x276: {  	(v2sf) =	vpush v14, $0x1  }
0x277: {  	(v2sf) =	vpush v14, $0x2  }
0x278: {  	(v2sf) =	vpush v14, $0x3  }
0x279: {  	(v2sf) =	vpush v14, $0x4  }
0x27a: {  	(v2sf) =	vpush v14, $0x5  }
0x27b: {  	(v2sf) =	vpush v14, $0x6  }
0x27c: {  	(v2sf) =	vpush v14, $0x7  }
0x27d: {  	(v2sf) =	vpush v14, $0x8  }
0x27e: {  	(v2sf) =	vpush v14, $0x9  }
0x27f: {  	(v2sf) =	vpush v14, $0xA  }
0x280: {  	(v2sf) =	vpush v14, $0xB  }
0x281: {  	(v2sf) =	vpush v14, $0xC  }
0x282: {  	(v2sf) =	vpush v14, $0xD  }
0x283: {  	(v2sf) =	vpush v14, $0xE  }
0x284: {  	s1 =	spop (v2sf);
	(v2sf) =	vpush v14, $0xF  }
0x285: {  	s1 =	sand.u32 $0x7FF, s1;
	s3 =	spop (v2sf)  }
0x286: {  	s1 =	sadd.s32 $0x1, s1;
	s3 =	sand.u32 $0x7FF, s3;
	s4 =	spop (v2sf)  }
0x287: {  	v14 =	vadd.s32 s1, v6;
	s1 =	sadd.s32 $0x1, s3;
	s3 =	sand.u32 $0x7FF, s4;
	s4 =	spop (v2sf)  }
0x288: {  	v15 =	vadd.s32 s1, v6;
	s1 =	sadd.s32 $0x1, s3;
	s3 =	sand.u32 $0x7FF, s4;
	s4 =	spop (v2sf)  }
0x289: {  	v16 =	vadd.s32 s1, v6;
	s1 =	sadd.s32 $0x1, s3;
	s3 =	sand.u32 $0x7FF, s4;
	s4 =	spop (v2sf)  }
0x28a: {  	v17 =	vadd.s32 s1, v6;
	s1 =	sadd.s32 $0x1, s3;
	s3 =	sand.u32 $0x7FF, s4;
	s4 =	spop (v2sf)  }
0x28b: {  	v18 =	vadd.s32 s1, v6;
	s1 =	sadd.s32 $0x1, s3;
	s3 =	sand.u32 $0x7FF, s4;
	s4 =	spop (v2sf)  }
0x28c: {  	[tilespmem:v14+s21+$0x0] =	vst.idx.msk $0xffff, v1;
	v14 =	vadd.s32 s1, v6;
	s1 =	sadd.s32 $0x1, s3;
	s3 =	sand.u32 $0x7FF, s4;
	s4 =	spop (v2sf)  }
0x28d: {  	[tilespmem:v15+s21+$0x0] =	vst.idx.msk $0xffff, v1;
	v15 =	vadd.s32 s1, v6;
	s1 =	sadd.s32 $0x1, s3;
	s3 =	sand.u32 $0x7FF, s4;
	s4 =	spop (v2sf)  }
0x28e: {  	[tilespmem:v16+s21+$0x0] =	vst.idx.msk $0xffff, v1;
	v16 =	vadd.s32 s1, v6;
	s1 =	sadd.s32 $0x1, s3;
	s3 =	sand.u32 $0x7FF, s4;
	s4 =	spop (v2sf)  }
0x28f: {  	[tilespmem:v17+s21+$0x0] =	vst.idx.msk $0xffff, v1;
	v17 =	vadd.s32 s1, v6;
	s1 =	sadd.s32 $0x1, s3;
	s3 =	sand.u32 $0x7FF, s4;
	s4 =	spop (v2sf)  }
0x290: {  	[tilespmem:v18+s21+$0x0] =	vst.idx.msk $0xffff, v1;
	v18 =	vadd.s32 s1, v6;
	s1 =	sadd.s32 $0x1, s3;
	s3 =	sand.u32 $0x7FF, s4;
	s4 =	spop (v2sf)  }
0x291: {  	[tilespmem:v14+s21+$0x0] =	vst.idx.msk $0xffff, v1;
	v14 =	vadd.s32 s1, v6;
	s1 =	sadd.s32 $0x1, s3;
	s3 =	sand.u32 $0x7FF, s4;
	s4 =	spop (v2sf)  }
0x292: {  	[tilespmem:v15+s21+$0x0] =	vst.idx.msk $0xffff, v1;
	v15 =	vadd.s32 s1, v6;
	s1 =	sadd.s32 $0x1, s3;
	s3 =	sand.u32 $0x7FF, s4;
	s4 =	spop (v2sf)  }
0x293: {  	[tilespmem:v16+s21+$0x0] =	vst.idx.msk $0xffff, v1;
	v16 =	vadd.s32 s1, v6;
	s1 =	sadd.s32 $0x1, s3;
	s3 =	sand.u32 $0x7FF, s4;
	s4 =	spop (v2sf)  }
0x294: {  	[tilespmem:v17+s21+$0x0] =	vst.idx.msk $0xffff, v1;
	v17 =	vadd.s32 s1, v6;
	s1 =	sadd.s32 $0x1, s3;
	s3 =	sand.u32 $0x7FF, s4  }
0x295: {  	[tilespmem:v18+s21+$0x0] =	vst.idx.msk $0xffff, v1;
	v18 =	vadd.s32 s1, v6;
	s1 =	sadd.s32 $0x1, s3  }
.Ltmp13:
0x296: {  	[tilespmem:v14+s21+$0x0] =	vst.idx.msk $0xffff, v1;
	v14 =	vadd.s32 s1, v6;
	(pc) =	sbr.rel @p1 .LBB2_24-.Ltmp13, $4  }
0x297: {  	[tilespmem:v15+s21+$0x0] =	vst.idx.msk $0xffff, v1  }
0x298: {  	[tilespmem:v16+s21+$0x0] =	vst.idx.msk $0xffff, v1  }
0x299: {  	[tilespmem:v17+s21+$0x0] =	vst.idx.msk $0xffff, v1  }
0x29a: {  	[tilespmem:v18+s21+$0x0] =	vst.idx.msk $0xffff, v1  }
0x29b: {  	_ =	sdelay $0x3  }
0x29c: {  	s0 =	sshra.s32 s2, $0x2;
	[tilespmem:v14+s21+$0x0] =	vst.idx.msk $0xffff, v1  }
0x29d: {  	v13 =	vld.idx.msk [tilespmem:v13+s0+$0x0 ss:$0x1], $0xffff;
	_ =	sdelay $0x4  }
0x29e: {  	(v2sf) =	vpush v13, $0x0  }
0x29f: {  	(v2sf) =	vpush v13, $0x1  }
0x2a0: {  	(v2sf) =	vpush v13, $0x2  }
0x2a1: {  	(v2sf) =	vpush v13, $0x3  }
0x2a2: {  	(v2sf) =	vpush v13, $0x4  }
0x2a3: {  	(v2sf) =	vpush v13, $0x5  }
0x2a4: {  	(v2sf) =	vpush v13, $0x6  }
0x2a5: {  	(v2sf) =	vpush v13, $0x7  }
0x2a6: {  	(v2sf) =	vpush v13, $0x8  }
0x2a7: {  	(v2sf) =	vpush v13, $0x9  }
0x2a8: {  	(v2sf) =	vpush v13, $0xA  }
0x2a9: {  	(v2sf) =	vpush v13, $0xB  }
0x2aa: {  	(v2sf) =	vpush v13, $0xC  }
0x2ab: {  	(v2sf) =	vpush v13, $0xD  }
0x2ac: {  	(v2sf) =	vpush v13, $0xE  }
0x2ad: {  	s11 =	spop (v2sf);
	(v2sf) =	vpush v13, $0xF  }
0x2ae: {  	s0 =	sand.u32 $0x7FF, s11;
	s1 =	spop (v2sf)  }
0x2af: {  	s0 =	sadd.s32 $0x1, s0;
	s1 =	sand.u32 $0x7FF, s1;
	s13 =	spop (v2sf)  }
0x2b0: {  	v13 =	vadd.s32 s0, v6;
	s14 =	sadd.s32 $0x1, s1;
	s15 =	sand.u32 $0x7FF, s13;
	s16 =	spop (v2sf)  }
0x2b1: {  	v14 =	vadd.s32 s14, v6;
	s17 =	sadd.s32 $0x1, s15;
	s18 =	sand.u32 $0x7FF, s16;
	s19 =	spop (v2sf)  }
0x2b2: {  	v15 =	vadd.s32 s17, v6;
	s22 =	sadd.s32 $0x1, s18;
	s23 =	sand.u32 $0x7FF, s19;
	s24 =	spop (v2sf)  }
0x2b3: {  	v16 =	vadd.s32 s22, v6;
	s25 =	sadd.s32 $0x1, s23;
	s26 =	sand.u32 $0x7FF, s24;
	s28 =	spop (v2sf)  }
0x2b4: {  	v17 =	vadd.s32 s25, v6;
	s29 =	sadd.s32 $0x1, s26;
	s30 =	sand.u32 $0x7FF, s28;
	s31 =	spop (v2sf)  }
0x2b5: {  	[tilespmem:v13+s21+$0x0] =	vst.idx.msk $0xffff, v1;
	v13 =	vadd.s32 s29, v6;
	s1 =	sadd.s32 $0x1, s30;
	s2 =	sand.u32 $0x7FF, s31;
	s3 =	spop (v2sf)  }
0x2b6: {  	[tilespmem:v14+s21+$0x0] =	vst.idx.msk $0xffff, v1;
	v14 =	vadd.s32 s1, v6;
	s4 =	sadd.s32 $0x1, s2;
	s5 =	sand.u32 $0x7FF, s3;
	s6 =	spop (v2sf)  }
0x2b7: {  	[tilespmem:v15+s21+$0x0] =	vst.idx.msk $0xffff, v1;
	v15 =	vadd.s32 s4, v6;
	s7 =	sadd.s32 $0x1, s5;
	s8 =	sand.u32 $0x7FF, s6;
	s9 =	spop (v2sf)  }
0x2b8: {  	[tilespmem:v16+s21+$0x0] =	vst.idx.msk $0xffff, v1;
	v60 =	vadd.s32 s7, v6;
	s10 =	sadd.s32 $0x1, s8;
	s11 =	sand.u32 $0x7FF, s9;
	s13 =	spop (v2sf)  }
0x2b9: {  	[tilespmem:v17+s21+$0x0] =	vst.idx.msk $0xffff, v1;
	v61 =	vadd.s32 s10, v6;
	s14 =	sadd.s32 $0x1, s11;
	s15 =	sand.u32 $0x7FF, s13;
	s16 =	spop (v2sf)  }
0x2ba: {  	[tilespmem:v13+s21+$0x0] =	vst.idx.msk $0xffff, v1;
	v13 =	vadd.s32 s14, v6;
	s17 =	sadd.s32 $0x1, s15;
	s18 =	sand.u32 $0x7FF, s16;
	s19 =	spop (v2sf)  }
0x2bb: {  	[tilespmem:v14+s21+$0x0] =	vst.idx.msk $0xffff, v1;
	v14 =	vadd.s32 s17, v6;
	s22 =	sadd.s32 $0x1, s18;
	s23 =	sand.u32 $0x7FF, s19;
	s24 =	spop (v2sf)  }
0x2bc: {  	[tilespmem:v15+s21+$0x0] =	vst.idx.msk $0xffff, v1;
	v15 =	vadd.s32 s22, v6;
	s25 =	sadd.s32 $0x1, s23;
	s26 =	sand.u32 $0x7FF, s24;
	s28 =	spop (v2sf)  }
0x2bd: {  	[tilespmem:v60+s21+$0x0] =	vst.idx.msk $0xffff, v1;
	v62 =	vadd.s32 s25, v6;
	s29 =	sadd.s32 $0x1, s26;
	s30 =	sand.u32 $0x7FF, s28  }
0x2be: {  	[tilespmem:v61+s21+$0x0] =	vst.idx.msk $0xffff, v1;
	v63 =	vadd.s32 s29, v6;
	s31 =	sadd.s32 $0x1, s30  }
0x2bf: {  	[tilespmem:v13+s21+$0x0] =	vst.idx.msk $0xffff, v1;
	v13 =	vadd.s32 s31, v6  }
0x2c0: {  	[tilespmem:v14+s21+$0x0] =	vst.idx.msk $0xffff, v1  }
0x2c1: {  	[tilespmem:v15+s21+$0x0] =	vst.idx.msk $0xffff, v1  }
0x2c2: {  	[tilespmem:v62+s21+$0x0] =	vst.idx.msk $0xffff, v1  }
0x2c3: {  	[tilespmem:v63+s21+$0x0] =	vst.idx.msk $0xffff, v1  }
0x2c4: {  	[tilespmem:v13+s21+$0x0] =	vst.idx.msk $0xffff, v1  }
.LBB2_26:
0x2c5: {  	s0 =	rddreg [dreg:$0xf]  }
0x2c6: {  	s0 =	sadd.s32 $0x84D0, s0  }
0x2c7: {  	v13 =	vmov s0;
	_ =	sdelay $0x3  }
0x2c8: {  	s4 =	simm.s32 $0x0  }
0x2c9: {  	v14 =	vld.idx.msk [tilespmem:v13+s4+$0x0 ss:$0x1], $0xffff;
	_ =	sdelay $0x4  }
0x2ca: {  	(v2sf) =	vpush v14, $0x0;
	_ =	sdelay $0x5  }
0x2cb: {  	(v2sf) =	vpush v14, $0x1;
	_ =	sdelay $0x5  }
0x2cc: {  	(v2sf) =	vpush v14, $0x2;
	_ =	sdelay $0x2  }
0x2cd: {  	s5 =	spop (v2sf)  }
0x2ce: {  	s1 =	sshra.s32 s5, $0x7  }
0x2cf: {  	s1 =	sand.u32 $0xFFFFFFF0, s1  }
0x2d0: {  	(v2sf) =	vpush v14, $0x3;
	v15 =	vor.u32 s1, v4;
	_ =	sdelay $0x2  }
0x2d1: {  	s0 =	sand.u32 $0x7FF, s5;
	s6 =	spop (v2sf)  }
0x2d2: {  	s0 =	sadd.s32 $0x1, s0;
	s2 =	sshra.s32 s6, $0x7  }
0x2d3: {  	s2 =	sand.u32 $0xFFFFFFF0, s2;
	v16 =	vadd.s32 s0, v6;
	v15 =	vld.idx.msk [tilespmem:v15+s12+$0x0], $0xffff  }
0x2d4: {  	(v2sf) =	vpush v14, $0x4;
	v17 =	vor.u32 s2, v4;
	_ =	sdelay $0x2  }
0x2d5: {  	s7 =	sand.u32 $0x7FF, s6;
	s8 =	spop (v2sf)  }
0x2d6: {  	s0 =	sadd.s32 $0x1, s7;
	s9 =	sshra.s32 s8, $0x7;
	[tilespmem:v16+s21+$0x0] =	vst.idx.add.f32.msk $0xffff, v15  }
0x2d7: {  	s2 =	sand.u32 $0xFFFFFFF0, s9;
	v16 =	vadd.s32 s0, v6;
	v15 =	vld.idx.msk [tilespmem:v17+s12+$0x0], $0xffff  }
0x2d8: {  	(v2sf) =	vpush v14, $0x5;
	v17 =	vor.u32 s2, v4;
	_ =	sdelay $0x2  }
0x2d9: {  	s10 =	sand.u32 $0x7FF, s8;
	s11 =	spop (v2sf)  }
0x2da: {  	s0 =	sadd.s32 $0x1, s10;
	s13 =	sshra.s32 s11, $0x7;
	[tilespmem:v16+s21+$0x0] =	vst.idx.add.f32.msk $0xffff, v15  }
0x2db: {  	s2 =	sand.u32 $0xFFFFFFF0, s13;
	v16 =	vadd.s32 s0, v6;
	v15 =	vld.idx.msk [tilespmem:v17+s12+$0x0], $0xffff  }
0x2dc: {  	(v2sf) =	vpush v14, $0x6;
	v17 =	vor.u32 s2, v4;
	_ =	sdelay $0x2  }
0x2dd: {  	s14 =	sand.u32 $0x7FF, s11;
	s15 =	spop (v2sf)  }
0x2de: {  	s16 =	sshra.s32 s15, $0x7;
	s0 =	sadd.s32 $0x1, s14;
	[tilespmem:v16+s21+$0x0] =	vst.idx.add.f32.msk $0xffff, v15  }
0x2df: {  	s2 =	sand.u32 $0xFFFFFFF0, s16;
	v16 =	vadd.s32 s0, v6;
	v15 =	vld.idx.msk [tilespmem:v17+s12+$0x0], $0xffff  }
0x2e0: {  	(v2sf) =	vpush v14, $0x7;
	v17 =	vor.u32 s2, v4;
	_ =	sdelay $0x2  }
0x2e1: {  	s17 =	sand.u32 $0x7FF, s15;
	s18 =	spop (v2sf)  }
0x2e2: {  	s19 =	sshra.s32 s18, $0x7;
	s0 =	sadd.s32 $0x1, s17;
	[tilespmem:v16+s21+$0x0] =	vst.idx.add.f32.msk $0xffff, v15  }
0x2e3: {  	s2 =	sand.u32 $0xFFFFFFF0, s19;
	v16 =	vadd.s32 s0, v6;
	v15 =	vld.idx.msk [tilespmem:v17+s12+$0x0], $0xffff  }
0x2e4: {  	(v2sf) =	vpush v14, $0x8;
	v17 =	vor.u32 s2, v4;
	_ =	sdelay $0x2  }
0x2e5: {  	s22 =	sand.u32 $0x7FF, s18;
	s23 =	spop (v2sf)  }
0x2e6: {  	s0 =	sadd.s32 $0x1, s22;
	s24 =	sshra.s32 s23, $0x7;
	[tilespmem:v16+s21+$0x0] =	vst.idx.add.f32.msk $0xffff, v15  }
0x2e7: {  	s2 =	sand.u32 $0xFFFFFFF0, s24;
	v16 =	vadd.s32 s0, v6;
	v15 =	vld.idx.msk [tilespmem:v17+s12+$0x0], $0xffff  }
0x2e8: {  	(v2sf) =	vpush v14, $0x9;
	v17 =	vor.u32 s2, v4;
	_ =	sdelay $0x2  }
0x2e9: {  	s25 =	sand.u32 $0x7FF, s23;
	s26 =	spop (v2sf)  }
0x2ea: {  	s28 =	sshra.s32 s26, $0x7;
	s0 =	sadd.s32 $0x1, s25;
	[tilespmem:v16+s21+$0x0] =	vst.idx.add.f32.msk $0xffff, v15  }
0x2eb: {  	s2 =	sand.u32 $0xFFFFFFF0, s28;
	v16 =	vadd.s32 s0, v6;
	v15 =	vld.idx.msk [tilespmem:v17+s12+$0x0], $0xffff  }
0x2ec: {  	(v2sf) =	vpush v14, $0xA;
	v17 =	vor.u32 s2, v4;
	_ =	sdelay $0x2  }
0x2ed: {  	s29 =	sand.u32 $0x7FF, s26;
	s30 =	spop (v2sf)  }
0x2ee: {  	s3 =	sshra.s32 s30, $0x7;
	s0 =	sadd.s32 $0x1, s29;
	[tilespmem:v16+s21+$0x0] =	vst.idx.add.f32.msk $0xffff, v15  }
0x2ef: {  	s2 =	sand.u32 $0xFFFFFFF0, s3;
	v16 =	vadd.s32 s0, v6;
	v15 =	vld.idx.msk [tilespmem:v17+s12+$0x0], $0xffff  }
0x2f0: {  	(v2sf) =	vpush v14, $0xB;
	v17 =	vor.u32 s2, v4;
	_ =	sdelay $0x2  }
0x2f1: {  	s4 =	sand.u32 $0x7FF, s30;
	s5 =	spop (v2sf)  }
0x2f2: {  	s6 =	sshra.s32 s5, $0x7;
	s0 =	sadd.s32 $0x1, s4;
	[tilespmem:v16+s21+$0x0] =	vst.idx.add.f32.msk $0xffff, v15  }
0x2f3: {  	s2 =	sand.u32 $0xFFFFFFF0, s6;
	v16 =	vadd.s32 s0, v6;
	v15 =	vld.idx.msk [tilespmem:v17+s12+$0x0], $0xffff  }
0x2f4: {  	(v2sf) =	vpush v14, $0xC;
	v17 =	vor.u32 s2, v4;
	_ =	sdelay $0x2  }
0x2f5: {  	s7 =	sand.u32 $0x7FF, s5;
	s8 =	spop (v2sf)  }
0x2f6: {  	s9 =	sshra.s32 s8, $0x7;
	s0 =	sadd.s32 $0x1, s7;
	[tilespmem:v16+s21+$0x0] =	vst.idx.add.f32.msk $0xffff, v15  }
0x2f7: {  	s2 =	sand.u32 $0xFFFFFFF0, s9;
	v16 =	vadd.s32 s0, v6;
	v15 =	vld.idx.msk [tilespmem:v17+s12+$0x0], $0xffff  }
0x2f8: {  	(v2sf) =	vpush v14, $0xD;
	v17 =	vor.u32 s2, v4;
	_ =	sdelay $0x2  }
0x2f9: {  	s10 =	sand.u32 $0x7FF, s8;
	s11 =	spop (v2sf)  }
0x2fa: {  	s13 =	sshra.s32 s11, $0x7;
	s0 =	sadd.s32 $0x1, s10;
	[tilespmem:v16+s21+$0x0] =	vst.idx.add.f32.msk $0xffff, v15  }
0x2fb: {  	s2 =	sand.u32 $0xFFFFFFF0, s13;
	v16 =	vadd.s32 s0, v6;
	v15 =	vld.idx.msk [tilespmem:v17+s12+$0x0], $0xffff  }
0x2fc: {  	(v2sf) =	vpush v14, $0xE;
	v17 =	vor.u32 s2, v4;
	_ =	sdelay $0x2  }
0x2fd: {  	s14 =	sand.u32 $0x7FF, s11;
	s15 =	spop (v2sf)  }
0x2fe: {  	s16 =	sshra.s32 s15, $0x7;
	s0 =	sadd.s32 $0x1, s14;
	[tilespmem:v16+s21+$0x0] =	vst.idx.add.f32.msk $0xffff, v15  }
0x2ff: {  	s2 =	sand.u32 $0xFFFFFFF0, s16;
	v16 =	vadd.s32 s0, v6;
	v15 =	vld.idx.msk [tilespmem:v17+s12+$0x0], $0xffff  }
0x300: {  	(v2sf) =	vpush v14, $0xF;
	v14 =	vor.u32 s2, v4;
	_ =	sdelay $0x2  }
0x301: {  	s17 =	sand.u32 $0x7FF, s15;
	s18 =	spop (v2sf)  }
0x302: {  	s19 =	sshra.s32 s18, $0x7;
	s0 =	sadd.s32 $0x1, s17;
	[tilespmem:v16+s21+$0x0] =	vst.idx.add.f32.msk $0xffff, v15  }
0x303: {  	s2 =	sand.u32 $0xFFFFFFF0, s19;
	v15 =	vadd.s32 s0, v6;
	v14 =	vld.idx.msk [tilespmem:v14+s12+$0x0], $0xffff  }
0x304: {  	v16 =	vor.u32 s2, v4;
	_ =	sdelay $0x2  }
0x305: {  	s22 =	sand.u32 $0x7FF, s18;
	s23 =	spop (v2sf)  }
0x306: {  	s24 =	sshra.s32 s23, $0x7;
	s0 =	sadd.s32 $0x1, s22;
	[tilespmem:v15+s21+$0x0] =	vst.idx.add.f32.msk $0xffff, v14  }
0x307: {  	s2 =	sand.u32 $0xFFFFFFF0, s24;
	v15 =	vadd.s32 s0, v6;
	v14 =	vld.idx.msk [tilespmem:v16+s12+$0x0], $0xffff  }
0x308: {  	v16 =	vor.u32 s2, v4;
	_ =	sdelay $0x2  }
0x309: {  	s25 =	sand.u32 $0x7FF, s23;
	s26 =	spop (v2sf)  }
0x30a: {  	s28 =	sshra.s32 s26, $0x7;
	s0 =	sadd.s32 $0x1, s25;
	[tilespmem:v15+s21+$0x0] =	vst.idx.add.f32.msk $0xffff, v14  }
0x30b: {  	s29 =	sand.u32 $0xFFFFFFF0, s28;
	v14 =	vadd.s32 s0, v6;
	v15 =	vld.idx.msk [tilespmem:v16+s12+$0x0], $0xffff  }
0x30c: {  	v16 =	vor.u32 s29, v4;
	_ =	sdelay $0x2  }
0x30d: {  	s30 =	sand.u32 $0x7FF, s26  }
0x30e: {  	s0 =	sadd.s32 $0x1, s30;
	[tilespmem:v14+s21+$0x0] =	vst.idx.add.f32.msk $0xffff, v15  }
0x30f: {  	s31 =	simm.s32 $0x40;
	s2 =	simm.s32 $0x80;
	v15 =	vadd.s32 s0, v6;
	v14 =	vld.idx.msk [tilespmem:v16+s12+$0x0], $0xffff  }
.LBB2_27:
0x310: {  	_ =	sdelay $0x2  }
0x311: {  	p1 =	sne.s32 s2, $0x240  }
0x312: {  	s0 =	sshra.s32 s31, $0x2;
	s31 =	smov.u32 s2;
	s2 =	sadd.s32 $0x40, s2;
	[tilespmem:v15+s21+$0x0] =	vst.idx.add.f32.msk $0xffff, v14  }
0x313: {  	v14 =	vld.idx.msk [tilespmem:v13+s0+$0x0 ss:$0x1], $0xffff;
	_ =	sdelay $0x5  }
0x314: {  	(v2sf) =	vpush v14, $0x0  }
0x315: {  	(v2sf) =	vpush v14, $0x1;
	_ =	sdelay $0x1  }
0x316: {  	(v2sf) =	vpush v14, $0x2;
	_ =	sdelay $0x1  }
0x317: {  	(v2sf) =	vpush v14, $0x3  }
0x318: {  	(v2sf) =	vpush v14, $0x4;
	_ =	sdelay $0x1  }
0x319: {  	(v2sf) =	vpush v14, $0x5;
	_ =	sdelay $0x1  }
0x31a: {  	(v2sf) =	vpush v14, $0x6  }
0x31b: {  	(v2sf) =	vpush v14, $0x7;
	_ =	sdelay $0x1  }
0x31c: {  	(v2sf) =	vpush v14, $0x8;
	_ =	sdelay $0x1  }
0x31d: {  	s0 =	spop (v2sf);
	(v2sf) =	vpush v14, $0x9  }
0x31e: {  	s1 =	sand.u32 $0x7FF, s0;
	s0 =	sshra.s32 s0, $0x7;
	s3 =	spop (v2sf);
	(v2sf) =	vpush v14, $0xA  }
0x31f: {  	s0 =	sand.u32 $0xFFFFFFF0, s0;
	s1 =	sadd.s32 $0x1, s1;
	s4 =	sshra.s32 s3, $0x7  }
0x320: {  	v15 =	vor.u32 s0, v4;
	s0 =	sand.u32 $0x7FF, s3;
	s4 =	sand.u32 $0xFFFFFFF0, s4;
	s3 =	spop (v2sf);
	(v2sf) =	vpush v14, $0xB  }
0x321: {  	s5 =	sadd.s32 $0x1, s0;
	s0 =	sand.u32 $0x7FF, s3;
	s3 =	sshra.s32 s3, $0x7  }
0x322: {  	s6 =	sand.u32 $0xFFFFFFF0, s3;
	s0 =	sadd.s32 $0x1, s0;
	s3 =	spop (v2sf);
	(v2sf) =	vpush v14, $0xC  }
0x323: {  	s7 =	sand.u32 $0x7FF, s3;
	s3 =	sshra.s32 s3, $0x7;
	s8 =	spop (v2sf);
	(v2sf) =	vpush v14, $0xD  }
0x324: {  	s3 =	sand.u32 $0xFFFFFFF0, s3;
	s28 =	sadd.s32 $0x1, s7;
	s7 =	sshra.s32 s8, $0x7  }
0x325: {  	s8 =	sand.u32 $0x7FF, s8;
	v15 =	vld.idx.msk [tilespmem:v15+s12+$0x0], $0xffff;
	s18 =	sand.u32 $0xFFFFFFF0, s7;
	s7 =	spop (v2sf);
	(v2sf) =	vpush v14, $0xE  }
0x326: {  	v16 =	vadd.s32 s1, v6;
	s30 =	sadd.s32 $0x1, s8;
	s1 =	sand.u32 $0x7FF, s7;
	s7 =	sshra.s32 s7, $0x7  }
0x327: {  	v17 =	vor.u32 s4, v4;
	s19 =	sand.u32 $0xFFFFFFF0, s7;
	s13 =	sadd.s32 $0x1, s1;
	s1 =	spop (v2sf);
	(v2sf) =	vpush v14, $0xF  }
0x328: {  	s4 =	sand.u32 $0x7FF, s1;
	s1 =	sshra.s32 s1, $0x7;
	s7 =	spop (v2sf)  }
0x329: {  	s29 =	sand.u32 $0xFFFFFFF0, s1;
	s10 =	sadd.s32 $0x1, s4;
	s1 =	sshra.s32 s7, $0x7  }
0x32a: {  	s4 =	sand.u32 $0x7FF, s7;
	s23 =	sand.u32 $0xFFFFFFF0, s1;
	s1 =	spop (v2sf)  }
0x32b: {  	s4 =	sadd.s32 $0x1, s4;
	[tilespmem:v16+s21+$0x0] =	vst.idx.add.f32.msk $0xffff, v15;
	s7 =	sand.u32 $0x7FF, s1;
	s1 =	sshra.s32 s1, $0x7  }
0x32c: {  	v14 =	vld.idx.msk [tilespmem:v17+s12+$0x0], $0xffff;
	s22 =	sand.u32 $0xFFFFFFF0, s1;
	s7 =	sadd.s32 $0x1, s7;
	s1 =	spop (v2sf)  }
0x32d: {  	v15 =	vadd.s32 s5, v6;
	s5 =	sand.u32 $0x7FF, s1;
	s1 =	sshra.s32 s1, $0x7;
	s9 =	spop (v2sf)  }
0x32e: {  	v16 =	vor.u32 s6, v4;
	s8 =	sand.u32 $0xFFFFFFF0, s1;
	s6 =	sadd.s32 $0x1, s5;
	s1 =	sshra.s32 s9, $0x7  }
0x32f: {  	s5 =	sand.u32 $0x7FF, s9;
	s25 =	sand.u32 $0xFFFFFFF0, s1;
	s1 =	spop (v2sf)  }
0x330: {  	s15 =	sadd.s32 $0x1, s5;
	s5 =	sand.u32 $0x7FF, s1;
	s1 =	sshra.s32 s1, $0x7  }
0x331: {  	s24 =	sand.u32 $0xFFFFFFF0, s1;
	s26 =	sadd.s32 $0x1, s5;
	s1 =	spop (v2sf)  }
0x332: {  	[tilespmem:v15+s21+$0x0] =	vst.idx.add.f32.msk $0xffff, v14;
	s5 =	sand.u32 $0x7FF, s1;
	s1 =	sshra.s32 s1, $0x7;
	s11 =	spop (v2sf)  }
0x333: {  	v14 =	vld.idx.msk [tilespmem:v16+s12+$0x0], $0xffff;
	s16 =	sand.u32 $0xFFFFFFF0, s1;
	s9 =	sadd.s32 $0x1, s5;
	s1 =	sshra.s32 s11, $0x7  }
0x334: {  	v15 =	vadd.s32 s0, v6;
	s0 =	sand.u32 $0x7FF, s11;
	s1 =	sand.u32 $0xFFFFFFF0, s1;
	s11 =	spop (v2sf)  }
0x335: {  	v16 =	vor.u32 s3, v4;
	s5 =	sadd.s32 $0x1, s0;
	s0 =	sand.u32 $0x7FF, s11;
	s3 =	sshra.s32 s11, $0x7  }
0x336: {  	s11 =	sand.u32 $0xFFFFFFF0, s3;
	s3 =	sadd.s32 $0x1, s0;
	s0 =	spop (v2sf)  }
0x337: {  	s17 =	sand.u32 $0x7FF, s0;
	s0 =	sshra.s32 s0, $0x7  }
0x338: {  	s14 =	sand.u32 $0xFFFFFFF0, s0;
	s0 =	sadd.s32 $0x1, s17  }
0x339: {  	[tilespmem:v15+s21+$0x0] =	vst.idx.add.f32.msk $0xffff, v14  }
0x33a: {  	v14 =	vld.idx.msk [tilespmem:v16+s12+$0x0], $0xffff  }
0x33b: {  	v15 =	vadd.s32 s28, v6  }
0x33c: {  	v16 =	vor.u32 s18, v4;
	_ =	sdelay $0x3  }
0x33d: {  	[tilespmem:v15+s21+$0x0] =	vst.idx.add.f32.msk $0xffff, v14  }
0x33e: {  	v14 =	vld.idx.msk [tilespmem:v16+s12+$0x0], $0xffff  }
0x33f: {  	v15 =	vadd.s32 s30, v6  }
0x340: {  	v16 =	vor.u32 s19, v4;
	_ =	sdelay $0x3  }
0x341: {  	[tilespmem:v15+s21+$0x0] =	vst.idx.add.f32.msk $0xffff, v14  }
0x342: {  	v14 =	vld.idx.msk [tilespmem:v16+s12+$0x0], $0xffff  }
0x343: {  	v15 =	vadd.s32 s13, v6  }
0x344: {  	v16 =	vor.u32 s29, v4;
	_ =	sdelay $0x3  }
0x345: {  	[tilespmem:v15+s21+$0x0] =	vst.idx.add.f32.msk $0xffff, v14  }
0x346: {  	v14 =	vld.idx.msk [tilespmem:v16+s12+$0x0], $0xffff  }
0x347: {  	v15 =	vadd.s32 s10, v6  }
0x348: {  	v16 =	vor.u32 s23, v4;
	_ =	sdelay $0x3  }
0x349: {  	[tilespmem:v15+s21+$0x0] =	vst.idx.add.f32.msk $0xffff, v14  }
0x34a: {  	v14 =	vld.idx.msk [tilespmem:v16+s12+$0x0], $0xffff  }
0x34b: {  	v15 =	vadd.s32 s4, v6  }
0x34c: {  	v16 =	vor.u32 s22, v4;
	_ =	sdelay $0x3  }
0x34d: {  	[tilespmem:v15+s21+$0x0] =	vst.idx.add.f32.msk $0xffff, v14  }
0x34e: {  	v14 =	vld.idx.msk [tilespmem:v16+s12+$0x0], $0xffff  }
0x34f: {  	v15 =	vadd.s32 s7, v6  }
0x350: {  	v16 =	vor.u32 s8, v4;
	_ =	sdelay $0x3  }
0x351: {  	[tilespmem:v15+s21+$0x0] =	vst.idx.add.f32.msk $0xffff, v14  }
0x352: {  	v14 =	vld.idx.msk [tilespmem:v16+s12+$0x0], $0xffff  }
0x353: {  	v15 =	vadd.s32 s6, v6  }
0x354: {  	v16 =	vor.u32 s25, v4;
	_ =	sdelay $0x3  }
0x355: {  	[tilespmem:v15+s21+$0x0] =	vst.idx.add.f32.msk $0xffff, v14  }
0x356: {  	v14 =	vld.idx.msk [tilespmem:v16+s12+$0x0], $0xffff  }
0x357: {  	v15 =	vadd.s32 s15, v6  }
0x358: {  	v16 =	vor.u32 s24, v4;
	_ =	sdelay $0x3  }
0x359: {  	[tilespmem:v15+s21+$0x0] =	vst.idx.add.f32.msk $0xffff, v14  }
0x35a: {  	v14 =	vld.idx.msk [tilespmem:v16+s12+$0x0], $0xffff  }
0x35b: {  	v15 =	vadd.s32 s26, v6  }
0x35c: {  	v16 =	vor.u32 s16, v4;
	_ =	sdelay $0x3  }
0x35d: {  	[tilespmem:v15+s21+$0x0] =	vst.idx.add.f32.msk $0xffff, v14  }
0x35e: {  	v14 =	vld.idx.msk [tilespmem:v16+s12+$0x0], $0xffff  }
0x35f: {  	v15 =	vadd.s32 s9, v6  }
0x360: {  	v16 =	vor.u32 s1, v4;
	_ =	sdelay $0x3  }
0x361: {  	[tilespmem:v15+s21+$0x0] =	vst.idx.add.f32.msk $0xffff, v14  }
0x362: {  	v14 =	vld.idx.msk [tilespmem:v16+s12+$0x0], $0xffff  }
0x363: {  	v15 =	vadd.s32 s5, v6  }
0x364: {  	v16 =	vor.u32 s11, v4;
	_ =	sdelay $0x3  }
0x365: {  	[tilespmem:v15+s21+$0x0] =	vst.idx.add.f32.msk $0xffff, v14  }
0x366: {  	v14 =	vld.idx.msk [tilespmem:v16+s12+$0x0], $0xffff  }
0x367: {  	v15 =	vadd.s32 s3, v6  }
0x368: {  	v16 =	vor.u32 s14, v4;
	_ =	sdelay $0x1  }
.Ltmp14:
0x369: {  	(pc) =	sbr.rel @p1 .LBB2_27-.Ltmp14, $4  }
0x36a: {  	_ = 	snop  }
0x36b: {  	[tilespmem:v15+s21+$0x0] =	vst.idx.add.f32.msk $0xffff, v14  }
0x36c: {  	v14 =	vld.idx.msk [tilespmem:v16+s12+$0x0], $0xffff  }
0x36d: {  	v15 =	vadd.s32 s0, v6  }
0x36e: {  	_ =	sdelay $0x3  }
0x36f: {  	s0 =	sshra.s32 s31, $0x2;
	[tilespmem:v15+s21+$0x0] =	vst.idx.add.f32.msk $0xffff, v14  }
0x370: {  	v13 =	vld.idx.msk [tilespmem:v13+s0+$0x0 ss:$0x1], $0xffff;
	_ =	sdelay $0x4  }
0x371: {  	(v2sf) =	vpush v13, $0x0;
	_ =	sdelay $0x5  }
0x372: {  	(v2sf) =	vpush v13, $0x1;
	_ =	sdelay $0x5  }
0x373: {  	(v2sf) =	vpush v13, $0x2;
	_ =	sdelay $0x2  }
0x374: {  	s2 =	spop (v2sf)  }
0x375: {  	s1 =	sshra.s32 s2, $0x7  }
0x376: {  	s1 =	sand.u32 $0xFFFFFFF0, s1  }
0x377: {  	(v2sf) =	vpush v13, $0x3;
	v14 =	vor.u32 s1, v4;
	_ =	sdelay $0x2  }
0x378: {  	s0 =	sand.u32 $0x7FF, s2;
	s3 =	spop (v2sf)  }
0x379: {  	s0 =	sadd.s32 $0x1, s0;
	s2 =	sshra.s32 s3, $0x7  }
0x37a: {  	s2 =	sand.u32 $0xFFFFFFF0, s2;
	v15 =	vadd.s32 s0, v6;
	v14 =	vld.idx.msk [tilespmem:v14+s12+$0x0], $0xffff  }
0x37b: {  	(v2sf) =	vpush v13, $0x4;
	v16 =	vor.u32 s2, v4;
	_ =	sdelay $0x2  }
0x37c: {  	s4 =	sand.u32 $0x7FF, s3;
	s5 =	spop (v2sf)  }
0x37d: {  	s0 =	sadd.s32 $0x1, s4;
	s6 =	sshra.s32 s5, $0x7;
	[tilespmem:v15+s21+$0x0] =	vst.idx.add.f32.msk $0xffff, v14  }
0x37e: {  	s2 =	sand.u32 $0xFFFFFFF0, s6;
	v15 =	vadd.s32 s0, v6;
	v14 =	vld.idx.msk [tilespmem:v16+s12+$0x0], $0xffff  }
0x37f: {  	(v2sf) =	vpush v13, $0x5;
	v54 =	vor.u32 s2, v4;
	_ =	sdelay $0x2  }
0x380: {  	s7 =	sand.u32 $0x7FF, s5;
	s8 =	spop (v2sf)  }
0x381: {  	s0 =	sadd.s32 $0x1, s7;
	s9 =	sshra.s32 s8, $0x7;
	[tilespmem:v15+s21+$0x0] =	vst.idx.add.f32.msk $0xffff, v14  }
0x382: {  	s2 =	sand.u32 $0xFFFFFFF0, s9;
	v15 =	vadd.s32 s0, v6;
	v14 =	vld.idx.msk [tilespmem:v54+s12+$0x0], $0xffff  }
0x383: {  	(v2sf) =	vpush v13, $0x6;
	v55 =	vor.u32 s2, v4;
	_ =	sdelay $0x2  }
0x384: {  	s10 =	sand.u32 $0x7FF, s8;
	s11 =	spop (v2sf)  }
0x385: {  	s13 =	sshra.s32 s11, $0x7;
	s0 =	sadd.s32 $0x1, s10;
	[tilespmem:v15+s21+$0x0] =	vst.idx.add.f32.msk $0xffff, v14  }
0x386: {  	s2 =	sand.u32 $0xFFFFFFF0, s13;
	v15 =	vadd.s32 s0, v6;
	v14 =	vld.idx.msk [tilespmem:v55+s12+$0x0], $0xffff  }
0x387: {  	(v2sf) =	vpush v13, $0x7;
	v56 =	vor.u32 s2, v4;
	_ =	sdelay $0x2  }
0x388: {  	s14 =	sand.u32 $0x7FF, s11;
	s15 =	spop (v2sf)  }
0x389: {  	s16 =	sshra.s32 s15, $0x7;
	s0 =	sadd.s32 $0x1, s14;
	[tilespmem:v15+s21+$0x0] =	vst.idx.add.f32.msk $0xffff, v14  }
0x38a: {  	s2 =	sand.u32 $0xFFFFFFF0, s16;
	v15 =	vadd.s32 s0, v6;
	v14 =	vld.idx.msk [tilespmem:v56+s12+$0x0], $0xffff  }
0x38b: {  	(v2sf) =	vpush v13, $0x8;
	v57 =	vor.u32 s2, v4;
	_ =	sdelay $0x2  }
0x38c: {  	s17 =	sand.u32 $0x7FF, s15;
	s18 =	spop (v2sf)  }
0x38d: {  	s0 =	sadd.s32 $0x1, s17;
	s19 =	sshra.s32 s18, $0x7;
	[tilespmem:v15+s21+$0x0] =	vst.idx.add.f32.msk $0xffff, v14  }
0x38e: {  	s2 =	sand.u32 $0xFFFFFFF0, s19;
	v15 =	vadd.s32 s0, v6;
	v14 =	vld.idx.msk [tilespmem:v57+s12+$0x0], $0xffff  }
0x38f: {  	(v2sf) =	vpush v13, $0x9;
	v58 =	vor.u32 s2, v4;
	_ =	sdelay $0x2  }
0x390: {  	s22 =	sand.u32 $0x7FF, s18;
	s23 =	spop (v2sf)  }
0x391: {  	s24 =	sshra.s32 s23, $0x7;
	s0 =	sadd.s32 $0x1, s22;
	[tilespmem:v15+s21+$0x0] =	vst.idx.add.f32.msk $0xffff, v14  }
0x392: {  	s2 =	sand.u32 $0xFFFFFFF0, s24;
	v15 =	vadd.s32 s0, v6;
	v14 =	vld.idx.msk [tilespmem:v58+s12+$0x0], $0xffff  }
0x393: {  	(v2sf) =	vpush v13, $0xA;
	v59 =	vor.u32 s2, v4;
	_ =	sdelay $0x2  }
0x394: {  	s25 =	sand.u32 $0x7FF, s23;
	s26 =	spop (v2sf)  }
0x395: {  	s28 =	sshra.s32 s26, $0x7;
	s0 =	sadd.s32 $0x1, s25;
	[tilespmem:v15+s21+$0x0] =	vst.idx.add.f32.msk $0xffff, v14  }
0x396: {  	s2 =	sand.u32 $0xFFFFFFF0, s28;
	v15 =	vadd.s32 s0, v6;
	v14 =	vld.idx.msk [tilespmem:v59+s12+$0x0], $0xffff  }
0x397: {  	(v2sf) =	vpush v13, $0xB;
	v60 =	vor.u32 s2, v4;
	_ =	sdelay $0x2  }
0x398: {  	s29 =	sand.u32 $0x7FF, s26;
	s30 =	spop (v2sf)  }
0x399: {  	s31 =	sshra.s32 s30, $0x7;
	s0 =	sadd.s32 $0x1, s29;
	[tilespmem:v15+s21+$0x0] =	vst.idx.add.f32.msk $0xffff, v14  }
0x39a: {  	s2 =	sand.u32 $0xFFFFFFF0, s31;
	v15 =	vadd.s32 s0, v6;
	v14 =	vld.idx.msk [tilespmem:v60+s12+$0x0], $0xffff  }
0x39b: {  	(v2sf) =	vpush v13, $0xC;
	v61 =	vor.u32 s2, v4;
	_ =	sdelay $0x2  }
0x39c: {  	s3 =	sand.u32 $0x7FF, s30;
	s4 =	spop (v2sf)  }
0x39d: {  	s5 =	sshra.s32 s4, $0x7;
	s0 =	sadd.s32 $0x1, s3;
	[tilespmem:v15+s21+$0x0] =	vst.idx.add.f32.msk $0xffff, v14  }
0x39e: {  	s2 =	sand.u32 $0xFFFFFFF0, s5;
	v15 =	vadd.s32 s0, v6;
	v14 =	vld.idx.msk [tilespmem:v61+s12+$0x0], $0xffff  }
0x39f: {  	(v2sf) =	vpush v13, $0xD;
	v62 =	vor.u32 s2, v4;
	_ =	sdelay $0x2  }
0x3a0: {  	s6 =	sand.u32 $0x7FF, s4;
	s7 =	spop (v2sf)  }
0x3a1: {  	s8 =	sshra.s32 s7, $0x7;
	s0 =	sadd.s32 $0x1, s6;
	[tilespmem:v15+s21+$0x0] =	vst.idx.add.f32.msk $0xffff, v14  }
0x3a2: {  	s2 =	sand.u32 $0xFFFFFFF0, s8;
	v15 =	vadd.s32 s0, v6;
	v14 =	vld.idx.msk [tilespmem:v62+s12+$0x0], $0xffff  }
0x3a3: {  	(v2sf) =	vpush v13, $0xE;
	v63 =	vor.u32 s2, v4;
	_ =	sdelay $0x2  }
0x3a4: {  	s9 =	sand.u32 $0x7FF, s7;
	s10 =	spop (v2sf)  }
0x3a5: {  	s11 =	sshra.s32 s10, $0x7;
	s0 =	sadd.s32 $0x1, s9;
	[tilespmem:v15+s21+$0x0] =	vst.idx.add.f32.msk $0xffff, v14  }
0x3a6: {  	s2 =	sand.u32 $0xFFFFFFF0, s11;
	v15 =	vadd.s32 s0, v6;
	v14 =	vld.idx.msk [tilespmem:v63+s12+$0x0], $0xffff  }
0x3a7: {  	(v2sf) =	vpush v13, $0xF;
	v13 =	vor.u32 s2, v4;
	_ =	sdelay $0x2  }
0x3a8: {  	s13 =	sand.u32 $0x7FF, s10;
	s14 =	spop (v2sf)  }
0x3a9: {  	s15 =	sshra.s32 s14, $0x7;
	s0 =	sadd.s32 $0x1, s13;
	[tilespmem:v15+s21+$0x0] =	vst.idx.add.f32.msk $0xffff, v14  }
0x3aa: {  	s2 =	sand.u32 $0xFFFFFFF0, s15;
	v14 =	vadd.s32 s0, v6;
	v13 =	vld.idx.msk [tilespmem:v13+s12+$0x0], $0xffff  }
0x3ab: {  	v15 =	vor.u32 s2, v4;
	_ =	sdelay $0x2  }
0x3ac: {  	s16 =	sand.u32 $0x7FF, s14;
	s17 =	spop (v2sf)  }
0x3ad: {  	s18 =	sshra.s32 s17, $0x7;
	s0 =	sadd.s32 $0x1, s16;
	[tilespmem:v14+s21+$0x0] =	vst.idx.add.f32.msk $0xffff, v13  }
0x3ae: {  	s2 =	sand.u32 $0xFFFFFFF0, s18;
	v14 =	vadd.s32 s0, v6;
	v13 =	vld.idx.msk [tilespmem:v15+s12+$0x0], $0xffff  }
0x3af: {  	v15 =	vor.u32 s2, v4;
	_ =	sdelay $0x2  }
0x3b0: {  	s19 =	sand.u32 $0x7FF, s17;
	s22 =	spop (v2sf)  }
0x3b1: {  	s23 =	sshra.s32 s22, $0x7;
	s0 =	sadd.s32 $0x1, s19;
	[tilespmem:v14+s21+$0x0] =	vst.idx.add.f32.msk $0xffff, v13  }
0x3b2: {  	s24 =	sand.u32 $0xFFFFFFF0, s23;
	v13 =	vadd.s32 s0, v6;
	v14 =	vld.idx.msk [tilespmem:v15+s12+$0x0], $0xffff  }
0x3b3: {  	v15 =	vor.u32 s24, v4;
	_ =	sdelay $0x2  }
0x3b4: {  	s25 =	sand.u32 $0x7FF, s22  }
0x3b5: {  	s4 =	rddreg [dreg:$0xc];
	s0 =	sadd.s32 $0x1, s25;
	[tilespmem:v13+s21+$0x0] =	vst.idx.add.f32.msk $0xffff, v14  }
0x3b6: {  	s26 =	rddreg [dreg:$0x9];
	s4 =	sadd.s32 $0x1, s4;
	v13 =	vadd.s32 s0, v6;
	v14 =	vld.idx.msk [tilespmem:v15+s12+$0x0], $0xffff  }
0x3b7: {  	s28 =	rddreg [dreg:$0xe];
	p1 =	sne.s32 s4, $0x20  }
.Ltmp15:
0x3b8: {  	s0 =	sadd.s32 s28, s26;
	(pc) =	sbr.rel @p1 .LBB2_16-.Ltmp15, $4  }
0x3b9: {  	s5 =	rddreg [dreg:$0xd];
	s0 =	smul.u32 $0x101, s0  }
0x3ba: {  	s30 =	simm.s32 $0x808;
	s29 =	rddreg [dreg:$0x3]  }
0x3bb: {  	s31 =	simm.s32 $0x404808;
	s5 =	sadd.s32 $0x140, s5;
	s0 =	sadd.s32 s29, s0;
	[tilespmem:v13+s21+$0x0] =	vst.idx.add.f32.msk $0xffff, v14  }
0x3bc: {  	[hbm4b:s0+s30] =	stream.strided.scatter [tilespmem:s21], [sflag:$0x2], $0x8080, s31, s30, $0x38;
	[tilespmem:$0x1AD70] =	vst v63  }
0x3bd: {  	s0 =	simm.s32 $0x1  }
0x3be: {  	_ =	swait.ge [sflag:s0], $0x8080  }
0x3bf: {  	[sflag:s0] =	ssyncset.done $0x0  }
0x3c0: {  	s31 =	simm.s32 $0x2;
	[sflag:s0] =	ssyncadd.s32 $0xFFFF7F80  }
.Ltmp16:
0x3c1: {  	_ =	swait.ge [sflag:s31], $0x8080;
	(pc) =	sbr.rel @p0 .LBB2_63-.Ltmp16, $4  }
0x3c2: {  	s5 =	simm.s32 $0x3;
	s8 =	simm.s32 $0x2000;
	s6 =	rddreg [dreg:$0x6]  }
0x3c3: {  	s9 =	simm.s32 $0x4000;
	[sflag:s31] =	ssyncset.done $0x0;
	s7 =	rddreg [dreg:$0x7]  }
0x3c4: {  	s10 =	simm.s32 $0x6430;
	s3 =	rddreg [dreg:$0xb];
	[sflag:s31] =	ssyncadd.s32 $0xFFFF7F80  }
0x3c5: {  	s11 =	simm.s32 $0xAC30;
	s13 =	simm.s32 $0x8430;
	s4 =	rddreg [dreg:$0x1]  }
0x3c6: {  	v13 =	vbroadcast v12, $0x0  }
0x3c7: {  	s0 =	simm.s32 $0x40;
	s1 =	simm.s32 $0x0  }
.LBB2_31:
0x3c8: {  	p1 =	sne.s32 s0, $0x1FC0;
	[tilespmem:s1+$0xAC70] =	vst v13;
	s1 =	smov.u32 s0;
	s0 =	sadd.s32 $0x40, s0  }
.Ltmp17:
0x3c9: {  	(pc) =	sbr.rel @p1 .LBB2_31-.Ltmp17, $2  }
0x3ca: {  	_ =	sdelay $0x2  }
0x3cb: {  	s1 =	sshra.s32 s1, $0x2  }
0x3cc: {  	[tilespmem:s1+$0xAC70] =	vst v13;
	v13 =	vbroadcast v12, $0x1  }
0x3cd: {  	s0 =	simm.s32 $0x40;
	s1 =	simm.s32 $0x0  }
.LBB2_33:
0x3ce: {  	p1 =	sne.s32 s0, $0x1FC0;
	[tilespmem:s1+$0xB478] =	vst v13;
	s1 =	smov.u32 s0;
	s0 =	sadd.s32 $0x40, s0  }
.Ltmp18:
0x3cf: {  	(pc) =	sbr.rel @p1 .LBB2_33-.Ltmp18, $2  }
0x3d0: {  	_ =	sdelay $0x2  }
0x3d1: {  	s1 =	sshra.s32 s1, $0x2  }
0x3d2: {  	[tilespmem:s1+$0xB478] =	vst v13;
	v13 =	vbroadcast v12, $0x2  }
0x3d3: {  	s0 =	simm.s32 $0x40;
	s1 =	simm.s32 $0x0  }
.LBB2_35:
0x3d4: {  	p1 =	sne.s32 s0, $0x1FC0;
	[tilespmem:s1+$0xBC80] =	vst v13;
	s1 =	smov.u32 s0;
	s0 =	sadd.s32 $0x40, s0  }
.Ltmp19:
0x3d5: {  	(pc) =	sbr.rel @p1 .LBB2_35-.Ltmp19, $2  }
0x3d6: {  	_ =	sdelay $0x2  }
0x3d7: {  	s1 =	sshra.s32 s1, $0x2  }
0x3d8: {  	[tilespmem:s1+$0xBC80] =	vst v13;
	v13 =	vbroadcast v12, $0x3  }
0x3d9: {  	s0 =	simm.s32 $0x40;
	s1 =	simm.s32 $0x0  }
.LBB2_37:
0x3da: {  	p1 =	sne.s32 s0, $0x1FC0;
	[tilespmem:s1+$0xC488] =	vst v13;
	s1 =	smov.u32 s0;
	s0 =	sadd.s32 $0x40, s0  }
.Ltmp20:
0x3db: {  	(pc) =	sbr.rel @p1 .LBB2_37-.Ltmp20, $2  }
0x3dc: {  	_ =	sdelay $0x2  }
0x3dd: {  	s1 =	sshra.s32 s1, $0x2  }
0x3de: {  	[tilespmem:s1+$0xC488] =	vst v13;
	v13 =	vbroadcast v12, $0x4  }
0x3df: {  	s0 =	simm.s32 $0x40;
	s1 =	simm.s32 $0x0  }
.LBB2_39:
0x3e0: {  	p1 =	sne.s32 s0, $0x1FC0;
	[tilespmem:s1+$0xCC90] =	vst v13;
	s1 =	smov.u32 s0;
	s0 =	sadd.s32 $0x40, s0  }
.Ltmp21:
0x3e1: {  	(pc) =	sbr.rel @p1 .LBB2_39-.Ltmp21, $2  }
0x3e2: {  	_ =	sdelay $0x2  }
0x3e3: {  	s1 =	sshra.s32 s1, $0x2  }
0x3e4: {  	[tilespmem:s1+$0xCC90] =	vst v13;
	v13 =	vbroadcast v12, $0x5  }
0x3e5: {  	s0 =	simm.s32 $0x40;
	s1 =	simm.s32 $0x0  }
.LBB2_41:
0x3e6: {  	p1 =	sne.s32 s0, $0x1FC0;
	[tilespmem:s1+$0xD498] =	vst v13;
	s1 =	smov.u32 s0;
	s0 =	sadd.s32 $0x40, s0  }
.Ltmp22:
0x3e7: {  	(pc) =	sbr.rel @p1 .LBB2_41-.Ltmp22, $2  }
0x3e8: {  	_ =	sdelay $0x2  }
0x3e9: {  	s1 =	sshra.s32 s1, $0x2  }
0x3ea: {  	[tilespmem:s1+$0xD498] =	vst v13;
	v13 =	vbroadcast v12, $0x6  }
0x3eb: {  	s0 =	simm.s32 $0x40;
	s1 =	simm.s32 $0x0  }
.LBB2_43:
0x3ec: {  	p1 =	sne.s32 s0, $0x1FC0;
	[tilespmem:s1+$0xDCA0] =	vst v13;
	s1 =	smov.u32 s0;
	s0 =	sadd.s32 $0x40, s0  }
.Ltmp23:
0x3ed: {  	(pc) =	sbr.rel @p1 .LBB2_43-.Ltmp23, $2  }
0x3ee: {  	_ =	sdelay $0x2  }
0x3ef: {  	s1 =	sshra.s32 s1, $0x2  }
0x3f0: {  	[tilespmem:s1+$0xDCA0] =	vst v13;
	v13 =	vbroadcast v12, $0x7  }
0x3f1: {  	s0 =	simm.s32 $0x40;
	s1 =	simm.s32 $0x0  }
.LBB2_45:
0x3f2: {  	p1 =	sne.s32 s0, $0x1FC0;
	[tilespmem:s1+$0xE4A8] =	vst v13;
	s1 =	smov.u32 s0;
	s0 =	sadd.s32 $0x40, s0  }
.Ltmp24:
0x3f3: {  	(pc) =	sbr.rel @p1 .LBB2_45-.Ltmp24, $2  }
0x3f4: {  	_ =	sdelay $0x2  }
0x3f5: {  	s1 =	sshra.s32 s1, $0x2  }
0x3f6: {  	[tilespmem:s1+$0xE4A8] =	vst v13;
	v13 =	vbroadcast v12, $0x8  }
0x3f7: {  	s0 =	simm.s32 $0x40;
	s1 =	simm.s32 $0x0  }
.LBB2_47:
0x3f8: {  	p1 =	sne.s32 s0, $0x1FC0;
	[tilespmem:s1+$0xECB0] =	vst v13;
	s1 =	smov.u32 s0;
	s0 =	sadd.s32 $0x40, s0  }
.Ltmp25:
0x3f9: {  	(pc) =	sbr.rel @p1 .LBB2_47-.Ltmp25, $2  }
0x3fa: {  	_ =	sdelay $0x2  }
0x3fb: {  	s1 =	sshra.s32 s1, $0x2  }
0x3fc: {  	[tilespmem:s1+$0xECB0] =	vst v13;
	v13 =	vbroadcast v12, $0x9  }
0x3fd: {  	s0 =	simm.s32 $0x40;
	s1 =	simm.s32 $0x0  }
.LBB2_49:
0x3fe: {  	p1 =	sne.s32 s0, $0x1FC0;
	[tilespmem:s1+$0xF4B8] =	vst v13;
	s1 =	smov.u32 s0;
	s0 =	sadd.s32 $0x40, s0  }
.Ltmp26:
0x3ff: {  	(pc) =	sbr.rel @p1 .LBB2_49-.Ltmp26, $2  }
0x400: {  	_ =	sdelay $0x2  }
0x401: {  	s1 =	sshra.s32 s1, $0x2  }
0x402: {  	[tilespmem:s1+$0xF4B8] =	vst v13;
	v13 =	vbroadcast v12, $0xA  }
0x403: {  	s0 =	simm.s32 $0x40;
	s1 =	simm.s32 $0x0  }
.LBB2_51:
0x404: {  	p1 =	sne.s32 s0, $0x1FC0;
	[tilespmem:s1+$0xFCC0] =	vst v13;
	s1 =	smov.u32 s0;
	s0 =	sadd.s32 $0x40, s0  }
.Ltmp27:
0x405: {  	(pc) =	sbr.rel @p1 .LBB2_51-.Ltmp27, $2  }
0x406: {  	_ =	sdelay $0x2  }
0x407: {  	s1 =	sshra.s32 s1, $0x2  }
0x408: {  	[tilespmem:s1+$0xFCC0] =	vst v13;
	v13 =	vbroadcast v12, $0xB  }
0x409: {  	s0 =	simm.s32 $0x40;
	s1 =	simm.s32 $0x0  }
.LBB2_53:
0x40a: {  	p1 =	sne.s32 s0, $0x1FC0;
	[tilespmem:s1+$0x104C8] =	vst v13;
	s1 =	smov.u32 s0;
	s0 =	sadd.s32 $0x40, s0  }
.Ltmp28:
0x40b: {  	(pc) =	sbr.rel @p1 .LBB2_53-.Ltmp28, $2  }
0x40c: {  	_ =	sdelay $0x2  }
0x40d: {  	s1 =	sshra.s32 s1, $0x2  }
0x40e: {  	[tilespmem:s1+$0x104C8] =	vst v13;
	v13 =	vbroadcast v12, $0xC  }
0x40f: {  	s0 =	simm.s32 $0x40;
	s1 =	simm.s32 $0x0  }
.LBB2_55:
0x410: {  	p1 =	sne.s32 s0, $0x1FC0;
	[tilespmem:s1+$0x10CD0] =	vst v13;
	s1 =	smov.u32 s0;
	s0 =	sadd.s32 $0x40, s0  }
.Ltmp29:
0x411: {  	(pc) =	sbr.rel @p1 .LBB2_55-.Ltmp29, $2  }
0x412: {  	_ =	sdelay $0x2  }
0x413: {  	s1 =	sshra.s32 s1, $0x2  }
0x414: {  	[tilespmem:s1+$0x10CD0] =	vst v13;
	v13 =	vbroadcast v12, $0xD  }
0x415: {  	s0 =	simm.s32 $0x40;
	s1 =	simm.s32 $0x0  }
.LBB2_57:
0x416: {  	p1 =	sne.s32 s0, $0x1FC0;
	[tilespmem:s1+$0x114D8] =	vst v13;
	s1 =	smov.u32 s0;
	s0 =	sadd.s32 $0x40, s0  }
.Ltmp30:
0x417: {  	(pc) =	sbr.rel @p1 .LBB2_57-.Ltmp30, $2  }
0x418: {  	_ =	sdelay $0x2  }
0x419: {  	s1 =	sshra.s32 s1, $0x2  }
0x41a: {  	[tilespmem:s1+$0x114D8] =	vst v13;
	v13 =	vbroadcast v12, $0xE  }
0x41b: {  	s0 =	simm.s32 $0x40;
	s1 =	simm.s32 $0x0  }
.LBB2_59:
0x41c: {  	p1 =	sne.s32 s0, $0x1FC0;
	[tilespmem:s1+$0x11CE0] =	vst v13;
	s1 =	smov.u32 s0;
	s0 =	sadd.s32 $0x40, s0  }
.Ltmp31:
0x41d: {  	(pc) =	sbr.rel @p1 .LBB2_59-.Ltmp31, $2  }
0x41e: {  	_ =	sdelay $0x2  }
0x41f: {  	s1 =	sshra.s32 s1, $0x2  }
0x420: {  	[tilespmem:s1+$0x11CE0] =	vst v13;
	v13 =	vbroadcast v12, $0xF  }
0x421: {  	s0 =	simm.s32 $0x40;
	s1 =	simm.s32 $0x0  }
.LBB2_61:
0x422: {  	p1 =	sne.s32 s0, $0x1FC0;
	[tilespmem:s1+$0x124E8] =	vst v13;
	s1 =	smov.u32 s0;
	s0 =	sadd.s32 $0x40, s0  }
.Ltmp32:
0x423: {  	(pc) =	sbr.rel @p1 .LBB2_61-.Ltmp32, $2  }
0x424: {  	_ =	sdelay $0x2  }
0x425: {  	s1 =	sshra.s32 s1, $0x2  }
0x426: {  	_ =	sdelay $0x2  }
0x427: {  	[tilespmem:s1+$0x124E8] =	vst v13;
	s0 =	rddreg [dreg:$0x3]  }
.Ltmp33:
0x428: {  	s31 =	simm.s32 $0x808;
	s2 =	simm.s32 $0x404808;
	[tilespmem:v11+s20+$0x0] =	vst.idx.msk $0xffff, v12;
	(pc) =	sbr.rel .LBB2_63-.Ltmp33, $4  }
0x429: {  	[hbm4b:s0+s31] =	stream.strided.scatter [tilespmem:s20], [sflag:$0x3], $0x8080, s2, s31, $0x38;
	[tilespmem:$0x1AD70] =	vst v63  }
0x42a: {  	_ =	swait.ge [sflag:s5], $0x8080  }
0x42b: {  	[sflag:s5] =	ssyncset.done $0x0  }
0x42c: {  	[sflag:s5] =	ssyncadd.s32 $0xFFFF7F80  }
.LBB2_64:
0x42d: {  	_ =	sfence.sel $0x180000  }
0x42e: {  	[bflag:$0x0] =	sbarrier.arrive $0xFFFF  }
0x42f: {  	_ =	strace $0x90000047  }
0x430: {  	s0 =	stileid.u32;
	[bflag:$0x2] =	sbarrier.arrive $0xFFFF  }
0x431: {  	p0 =	sne.s32 s0, $0x0;
	s0 =	rddreg [dreg:$0x4]  }
0x432: {  	s0 =	sadd.s32 @!p0 $0x100000, s0  }
0x433: {  	[sflag:s0] =	ssyncadd.tile.s32 @!p0 $0x1;
	_ =	shalt  }
.Lfunc_end2:
_tile_overlayer_lowered:
.L_overlay_start_2:
0x434: {  	(tag) =	ssettag $0x2  }
0x435: {  	s0 =	rddreg [dreg:$0x0];
	s2 =	stileid.u32  }
0x436: {  	s1 =	rddreg [dreg:$0x1];
	p0 =	sne.s32 s2, $0x0  }
0x437: {  	s3 =	rddreg [dreg:$0x2];
	[bflag:$0x3] =	sbarrier.arrive $0xFFFF;
	s2 =	simm.s32 @!p0 $0x1C03  }
0x438: {  	[timem:s3], [sflag:s2] =	dma.local @!p0 [hbm:s0], s1  }
0x439: {  	s0 =	simm.s32 @!p0 $0x3  }
0x43a: {  	_ =	swait.ge @!p0 [sflag:s0], s1  }
0x43b: {  	s1 =	ssub.s32 @!p0 $0x0, s1;
	[sflag:s0] =	ssyncset.done @!p0 $0x0  }
0x43c: {  	[sflag:s0] =	ssyncadd.s32 @!p0 s1  }
0x43d: {  	[bflag:$0x3] =	sbarrier.arrive $0xFFFF  }
0x43e: {  	_ =	shalt  }

// kernel: sparse-core-data-format-call.cloned.1.call-start
scs
called_computation_lowered:
.L_overlay_start_0:
0x0: {  	s2 =	sld [smem:$0x3FD9]  }
0x1: {  	s3 =	sld [smem:$0x3FFE];
	_ =	sdelay $0x1  }
0x2: {  	s1 =	srdreg.scid  }
0x3: {  	s0 =	sand.u32 $0x1, s1  }
0x4: {  	s18 =	sshll.u32 s0, $0xA;
	s2 =	sadd.s32 s3, s2  }
0x5: {  	s2 =	sadd.s32 s2, s18  }
0x6: {  	[smem:$0x3FC4] =	sst s2  }
0x7: {  	_ = 	snop  }
0x8: {  	s2 =	sld [smem:$0x3FD0];
	(tm) =	ssettm $0x1  }
0x9: {  	s19 =	sld [smem:$0x3FFB];
	_ =	sdelay $0x3  }
0xa: {  	_ =	strace s19  }
0xb: {  	s3 =	sld [smem:$0x3FFC];
	_ =	sdelay $0x3  }
0xc: {  	_ =	strace s3  }
0xd: {  	s3 =	sld [smem:$0x3FFD];
	_ =	sdelay $0x3  }
0xe: {  	_ =	strace s3  }
0xf: {  	_ =	strace $0x8FFFFFFF  }
0x10: {  	s20 =	sld [smem:$0x3FDB];
	_ =	sdelay $0x1  }
0x11: {  	s4 =	simm.s32 $_scs_section_size  }
0x12: {  	s5 =	simm.s32 $_size__tile_overlayer_lowered;
	s6 =	simm.s32 $_tile_overlayer_lowered  }
0x13: {  	s23 =	simm.s32 $0x1BFF;
	s22 =	sshll.u32 s6, $0x1;
	s3 =	sadd.s32 s4, s20  }
0x14: {  	s7 =	simm.s32 $0x0;
	s21 =	sshll.u32 s5, $0x1;
	s5 =	sadd.s32 s22, s3  }
0x15: {  	[timem:s7], [sflag:s23] =	dma.local [hbm:s5], s21  }
0x16: {  	_ =	swait.ge [sflag:s23], s21  }
0x17: {  	s4 =	ssub.s32 $0x0, s21;
	[sflag:s23] =	ssyncset.done $0x0  }
0x18: {  	[sflag:s23] =	ssyncadd.s32 s4;
	_ =	sdelay $0x1  }
0x19: {  	s24 =	simm.s32 $0x1B8B  }
0x1a: {  	_ =	swait.ge [sflag:s24], $0x1  }
0x1b: {  	[sflag:s24] =	ssyncset.done $0x0  }
0x1c: {  	s26 =	simm.s32 $0x1B8E;
	s25 =	sld [smem:$0x3FFE];
	[sflag:s24] =	ssyncadd.s32 $0xFFFFFFFF  }
0x1d: {  	s27 =	simm.s32 $execute0_lowered;
	[smem:$0x3FD2] =	sst s26  }
0x1e: {  	s5 =	sshll.u32 s27, $0x1;
	_ =	strace $0x80000049;
	[dreg:$0x1] =	wrdreg $0xFFFFFFFF  }
0x1f: {  	s28 =	simm.s32 $_size_execute0_lowered;
	s3 =	sadd.s32 s3, s5;
	[dreg:$0x0] =	wrdreg $0x0  }
0x20: {  	s5 =	sshll.u32 s28, $0x1;
	[dreg:$0x2] =	wrdreg s3  }
0x21: {  	[dreg:$0x3] =	wrdreg s5  }
0x22: {  	[dreg:$0x4] =	wrdreg $0xC0  }
0x23: {  	_ =	task [dreg:s7], $0x5FFFF  }
0x24: {  	[dreg:$0x1] =	wrdreg $0xFFFFFFFF  }
0x25: {  	[dreg:$0x0] =	wrdreg $0x60  }
0x26: {  	[dreg:$0x2] =	wrdreg s25  }
0x27: {  	[dreg:$0x3] =	wrdreg s2  }
0x28: {  	[dreg:$0x4] =	wrdreg $0x9  }
0x29: {  	_ =	task.clear_ibuf [dreg:s7], $0x5FFFF;
	_ =	strace $0x90000049  }
0x2a: {  	s29 =	simm.s32 $0x9;
	_ =	strace $0x8000004B  }
0x2b: {  	_ =	swait.ge [sflag:s29], $0x1  }
0x2c: {  	[sflag:s29] =	ssyncadd.s32 $0xFFFFFFFF  }
0x2d: {  	_ =	strace $0x9000004B  }
0x2e: {  	_ =	sfence  }
0x2f: {  	s30 =	sld [smem:$0x0];
	_ =	sdelay $0x2  }
0x30: {  	s31 =	sshll.u32 s1, $0xD;
	s1 =	sshrl.u32 s1, $0x2  }
0x31: {  	s3 =	sand.u32 $0x4000, s31;
	s1 =	sadd.s32 s1, s30  }
0x32: {  	s0 =	sor.u32 s3, s0;
	s1 =	sshll.u32 s1, $0x11  }
0x33: {  	s0 =	sor.u32 s1, s0  }
0x34: {  	s0 =	sadd.s32 $0x8F2B, s0  }
0x35: {  	[sflag:s0] =	ssyncadd.remote.s32 $0x1  }
0x36: {  	_ =	sfence.sel $0xFFFF  }
0x37: {  	[dreg:$0x0] =	wrdreg $0xFFFFFFFF;
	(pc) =	sbr.abs _section_cstart, $3  }
0x38: {  	[dreg:$0x1] =	wrdreg $0xFFFFFFFF  }
0x39: {  	_ =	task.clear_ibuf [dreg:s7], $0x2FFFF;
	_ =	strace $0x9FFFFFFF  }
0x3a: {  	(tm) =	ssettm $0x7FFFFFFF  }
0x3b: {  	_ =	shalt  }
tec
execute0_lowered:
.L_overlay_start_1:
0x0: {  	(tag) =	ssettag $0x1  }
0x1: {  	s5 =	rddreg [dreg:$0x0]  }
0x2: {  	s0 =	srdreg.scid;
	s3 =	rddreg [dreg:$0x1]  }
0x3: {  	s31 =	simm.s32 $0x2;
	s17 =	simm.s32 $0x0;
	s8 =	simm.s32 $0x4400  }
0x4: {  	s9 =	simm.s32 $0x0;
	s19 =	simm.s32 $0x0;
	s1 =	sshll.u32 s0, $0x4  }
0x5: {  	s18 =	simm.s32 $0x0;
	s0 =	stileid.u32;
	s1 =	sand.u32 $0x10, s1  }
0x6: {  	s10 =	simm.s32 $0x0;
	s11 =	simm.s32 $0x0;
	s1 =	sor.u32 s0, s1  }
0x7: {  	s12 =	simm.s32 $0x0;
	s13 =	simm.s32 $0x0;
	s2 =	sshll.u32 s1, $0x3  }
.Ltmp0:
0x8: {  	s15 =	simm.s32 $0x0;
	s4 =	ssub.s32 $0x800, s2;
	(pc) =	sbr.rel .LBB1_1-.Ltmp0, $4  }
0x9: {  	s16 =	simm.s32 $0x0;
	s1 =	rddreg [dreg:$0x2];
	s6 =	sshrl.u32 s4, $0x8  }
0xa: {  	_ =	strace $0x8000004A;
	s4 =	simm.s32 $0x1;
	s7 =	smul.u32 $0x11, s6  }
0xb: {  	s5 =	sadd.s32 $0x9200, s5;
	s14 =	smov.u32 s2;
	[sflag:s4] =	ssyncpa.u1 $0x0  }
0xc: {  	[sflag:s31] =	ssyncpa.u1 $0x0;
	s6 =	sadd.s32 $0x11, s7;
	s7 =	sadd.s32 $0x12, s7  }
.LBB1_7:
0xd: {  	p0 =	slt.u32 s16, $0x2  }
0xe: {  	p1 =	sgt.s32 @!p0 s19, $0x7F9  }
0xf: {  	s20 =	smov.u32 s19;
	s21 =	sshra.s32 @!p0 s19, $0x1F;
	p1 =	por !p1, p0  }
0x10: {  	s19 =	sand.u32 @!p0 s21, s19;
	s20 =	simm.s32 @p1 $0x7F9  }
0x11: {  	p2 =	sgt.s32 @!p0 s17, $0x800;
	s19 =	ssub.s32 @!p0 s20, s19  }
0x12: {  	p2 =	por !p2, p0;
	s21 =	sshra.s32 @!p0 s17, $0x1F;
	s20 =	sadd.s32 @!p0 $0xFFFFF807, s19  }
0x13: {  	s19 =	ssub.s32 @!p0 $0x801, s19;
	p1 =	sgt.s32 @!p0 s20, $0x7;
	s20 =	ssub.s32 @!p0 $0x0, s18  }
0x14: {  	p1 =	por !p1, p0;
	s18 =	smin.u32 @!p0 s18, s20;
	s20 =	smov.u32 s17  }
0x15: {  	s17 =	sand.u32 @!p0 s21, s17;
	s21 =	smov.u32 s14;
	s20 =	simm.s32 @p2 $0x800  }
0x16: {  	p2 =	sgt.s32 @!p0 s18, $0xF;
	s18 =	ssub.s32 @!p0 $0x10, s18;
	s17 =	ssub.s32 @!p0 s20, s17  }
0x17: {  	s19 =	simm.s32 @!p1 $0x0;
	p2 =	por !p2, p0;
	s20 =	sadd.s32 @!p0 $0xFFFFF800, s17  }
0x18: {  	s18 =	simm.s32 @!p2 $0x0;
	s17 =	ssub.s32 @!p0 $0x880, s17;
	p1 =	sgt.s32 @!p0 s20, $0x7F  }
0x19: {  	s18 =	smul.u32 @!p0 s18, s19;
	s20 =	sadd.s32 $0x80, s13;
	p1 =	por !p1, p0  }
0x1a: {  	s19 =	sadd.s32 $0x100, s14;
	s17 =	simm.s32 @!p1 $0x0;
	p1 =	sgt.s32 s20, $0x800  }
0x1b: {  	s22 =	smov.u32 s15;
	s21 =	smov.u32 @p1 s19  }
0x1c: {  	s17 =	smul.u32 @!p0 s17, s18;
	s18 =	sadd.s32 $0x10, s15;
	p2 =	sgt.s32 s21, $0x800  }
0x1d: {  	s9 =	sadd.s32 $0x4000, s9;
	s23 =	simm.s32 @!p0 $0x2;
	s22 =	smov.u32 @p2 s18  }
0x1e: {  	s20 =	simm.s32 @p1 $0x0;
	s19 =	smov.u32 s11;
	p1 =	sgt.s32 s22, $0xF  }
0x1f: {  	s11 =	smov.u32 s14;
	s22 =	simm.s32 @p1 $0x0;
	p1 =	sne.s32 s16, s7  }
.Ltmp1:
0x20: {  	s17 =	sand.u32 @!p0 $0x3FFFFFFF, s17;
	s21 =	smov.u32 @p2 s2;
	(pc) =	sbr.rel @!p1 .LBB1_8-.Ltmp1, $4  }
0x21: {  	s18 =	smov.u32 s12;
	s12 =	smov.u32 s15;
	_ =	swait.ge @!p0 [sflag:s23], s17  }
0x22: {  	s24 =	ssub.s32 @!p0 $0x0, s17;
	s17 =	smov.u32 s10;
	s10 =	smov.u32 s13  }
0x23: {  	s13 =	smov.u32 s20;
	s14 =	smov.u32 s21;
	[sflag:s23] =	ssyncset.done @!p0 $0x0  }
0x24: {  	s16 =	sadd.s32 $0x1, s16;
	[sflag:s23] =	ssyncadd.s32 @!p0 s24;
	s15 =	smov.u32 s22  }
.LBB1_1:
0x25: {  	p0 =	sge.u32 s16, s6  }
0x26: {  	s20 =	sshrl.u32 @!p0 s14, $0x3  }
0x27: {  	s21 =	sshll.u32 @!p0 s13, $0x3;
	s20 =	smul.u32 @!p0 $0x4400, s20  }
0x28: {  	s22 =	sshll.u32 @!p0 s14, $0x7;
	s21 =	sand.u32 @!p0 $0xFFFFFC00, s21  }
0x29: {  	s20 =	sadd.s32 @!p0 s20, s21;
	s21 =	sand.u32 @!p0 $0x380, s22  }
0x2a: {  	s20 =	sor.u32 @!p0 s21, s20  }
0x2b: {  	s21 =	sand.u32 @!p0 $0x7F, s13;
	s22 =	smulhi.u32 @!p0 $0xF0F0F0F1, s20  }
0x2c: {  	s20 =	sor.u32 @!p0 s21, s20  }
0x2d: {  	s21 =	smulhi.u32 @!p0 $0xF0F0F0F1, s20;
	s22 =	sshrl.u32 @!p0 s22, $0xB  }
0x2e: {  	s23 =	smulhi.u32 @!p0 $0x1FE020, s22;
	_ =	sdelay $0x1  }
0x2f: {  	s21 =	sshrl.u32 @!p0 s21, $0xB;
	s23 =	smul.u32 @!p0 $0x808, s23  }
0x30: {  	s21 =	smul.u32 @!p0 $0x880, s21  }
0x31: {  	s24 =	sxor.u32 @!p0 $0xFFFFFFFF, s16;
	s22 =	ssub.s32 @!p0 s22, s23;
	s23 =	smul.u32 @!p0 $0x88880, s15  }
0x32: {  	s24 =	sshll.u32 @!p0 s24, $0xE;
	s20 =	ssub.s32 @!p0 s20, s21;
	s21 =	smul.u32 @!p0 $0x110, s22  }
0x33: {  	s22 =	sand.u32 @!p0 $0x4000, s24;
	s24 =	sand.u32 @!p0 $0x7, s20;
	s23 =	sadd.s32 @!p0 s5, s23  }
0x34: {  	s20 =	sshrl.u32 @!p0 s20, $0x3;
	s21 =	sadd.s32 @!p0 s21, s23;
	s23 =	sshll.u32 @!p0 s24, $0x12  }
0x35: {  	s20 =	sadd.s32 @!p0 s20, s21;
	s21 =	sor.u32 @!p0 $0x400, s23;
	s23 =	simm.s32 @!p0 $0x444400  }
0x36: {  	[tilespmem:s22], [sflag:$0x1] =	stream.strided.gather @!p0 [hbm4b:s20+s21], $0x4000, s23, s21, $0x38;
	[tilespmem:$0x10000] =	vst v63  }
0x37: {  	p0 =	seq.s32 s16, $0x0  }
0x38: {  	p1 =	sge.u32 @!p0 s16, s7  }
0x39: {  	p0 =	por p0, p1  }
.Ltmp2:
0x3a: {  	_ = 	snop;
	(pc) =	sbr.rel @p0 .LBB1_7-.Ltmp2, $1  }
0x3b: {  	_ =	sdelay $0x3  }
0x3c: {  	s20 =	sand.u32 $0x4000, s9  }
0x3d: {  	_ =	swait.ge [sflag:s4], $0x4000;
	s23 =	sshll.u32 s16, $0xE;
	s21 =	sor.u32 $0x8040, s20  }
0x3e: {  	s22 =	sor.u32 $0x40, s20;
	[sflag:s4] =	ssyncset.done $0x0;
	s31 =	sand.u32 $0x4000, s23  }
0x3f: {  	s23 =	simm.s32 $0x0;
	[sflag:s4] =	ssyncadd.s32 $0xFFFFC000;
	s20 =	sor.u32 $0x8000, s31  }
.LBB1_3:
0x40: {  	v0 =	vmov s22;
	_ =	sdelay $0x3  }
0x41: {  	s25 =	simm.s32 $0x0  }
0x42: {  	v6 =	vld.idx.msk [tilespmem:v0+s25+$0x30 ss:$0x1], $0xffff  }
0x43: {  	v7 =	vld.idx.msk [tilespmem:v0+s25+$0xFFFFFFC0 ss:$0x1], $0xffff  }
0x44: {  	v5 =	vld.idx.msk [tilespmem:v0+s25+$0xFFFFFFD0 ss:$0x1], $0xffff  }
0x45: {  	v4 =	vld.idx.msk [tilespmem:v0+s25+$0xFFFFFFE0 ss:$0x1], $0xffff  }
0x46: {  	v3 =	vld.idx.msk [tilespmem:v0+s25+$0xFFFFFFF0 ss:$0x1], $0xffff  }
0x47: {  	v1 =	vld.idx.msk [tilespmem:v0+s25+$0x0 ss:$0x1], $0xffff  }
0x48: {  	v2 =	vld.idx.msk [tilespmem:v0+s25+$0x10 ss:$0x1], $0xffff;
	[tilespmem:s21+$0x30] =	vst v6  }
0x49: {  	s24 =	simm.s32 $0x80;
	s26 =	simm.s32 $0x400;
	[tilespmem:s21+$0xFFFFFFC0] =	vst v7;
	v6 =	vld.idx.msk [tilespmem:v0+s25+$0x20 ss:$0x1], $0xffff;
	s25 =	smov.u32 s21  }
.LBB1_4:
0x4a: {  	p0 =	sne.s32 s26, $0xE00;
	v7 =	vld.idx.msk [tilespmem:v0+s24+$0x30 ss:$0x1], $0xffff;
	[tilespmem:s25+$0xFFFFFFD0] =	vst v5  }
0x4b: {  	v8 =	vld.idx.msk [tilespmem:v0+s24+$0xFFFFFFC0 ss:$0x1], $0xffff;
	[tilespmem:s25+$0xFFFFFFE0] =	vst v4  }
0x4c: {  	v5 =	vld.idx.msk [tilespmem:v0+s24+$0xFFFFFFD0 ss:$0x1], $0xffff;
	[tilespmem:s25+$0xFFFFFFF0] =	vst v3  }
.Ltmp3:
0x4d: {  	v4 =	vld.idx.msk [tilespmem:v0+s24+$0xFFFFFFE0 ss:$0x1], $0xffff;
	[tilespmem:s25+$0x0] =	vst v1;
	(pc) =	sbr.rel @p0 .LBB1_4-.Ltmp3, $4  }
0x4e: {  	v3 =	vld.idx.msk [tilespmem:v0+s24+$0xFFFFFFF0 ss:$0x1], $0xffff;
	[tilespmem:s25+$0x10] =	vst v2  }
0x4f: {  	v1 =	vld.idx.msk [tilespmem:v0+s24+$0x0 ss:$0x1], $0xffff;
	[tilespmem:s25+$0x20] =	vst v6;
	s25 =	sadd.s32 $0x800, s25  }
0x50: {  	v2 =	vld.idx.msk [tilespmem:v0+s24+$0x10 ss:$0x1], $0xffff;
	[tilespmem:s25+$0x30] =	vst v7  }
0x51: {  	[tilespmem:s25+$0xFFFFFFC0] =	vst v8;
	v6 =	vld.idx.msk [tilespmem:v0+s24+$0x20 ss:$0x1], $0xffff;
	s24 =	sshra.s32 s26, $0x2;
	s26 =	sadd.s32 $0x200, s26  }
0x52: {  	_ =	sdelay $0x2  }
0x53: {  	[tilespmem:s25+$0xFFFFFFD0] =	vst v5  }
0x54: {  	v56 =	vld.idx.msk [tilespmem:v0+s24+$0x30 ss:$0x1], $0xffff;
	[tilespmem:s25+$0xFFFFFFE0] =	vst v4  }
0x55: {  	v57 =	vld.idx.msk [tilespmem:v0+s24+$0xFFFFFFC0 ss:$0x1], $0xffff;
	[tilespmem:s25+$0xFFFFFFF0] =	vst v3  }
0x56: {  	v58 =	vld.idx.msk [tilespmem:v0+s24+$0xFFFFFFD0 ss:$0x1], $0xffff;
	[tilespmem:s25+$0x0] =	vst v1  }
0x57: {  	v59 =	vld.idx.msk [tilespmem:v0+s24+$0xFFFFFFE0 ss:$0x1], $0xffff;
	[tilespmem:s25+$0x10] =	vst v2  }
0x58: {  	v60 =	vld.idx.msk [tilespmem:v0+s24+$0xFFFFFFF0 ss:$0x1], $0xffff;
	s31 =	sadd.s32 $0x800, s25;
	[tilespmem:s25+$0x20] =	vst v6  }
0x59: {  	v61 =	vld.idx.msk [tilespmem:v0+s24+$0x0 ss:$0x1], $0xffff;
	[tilespmem:s31+$0x30] =	vst v56  }
0x5a: {  	v62 =	vld.idx.msk [tilespmem:v0+s24+$0x10 ss:$0x1], $0xffff;
	s23 =	sadd.s32 $0x1, s23;
	[tilespmem:s31+$0xFFFFFFC0] =	vst v57  }
0x5b: {  	v63 =	vld.idx.msk [tilespmem:v0+s24+$0x20 ss:$0x1], $0xffff;
	p0 =	sne.s32 s23, $0x10;
	[tilespmem:s31+$0xFFFFFFD0] =	vst v58  }
.Ltmp4:
0x5c: {  	[tilespmem:s31+$0xFFFFFFE0] =	vst v59;
	(pc) =	sbr.rel @p0 .LBB1_3-.Ltmp4, $4  }
0x5d: {  	[tilespmem:s31+$0xFFFFFFF0] =	vst v60  }
0x5e: {  	[tilespmem:s31+$0x0] =	vst v61  }
0x5f: {  	[tilespmem:s31+$0x10] =	vst v62  }
0x60: {  	s21 =	sadd.s32 $0x80, s21;
	s22 =	sadd.s32 $0x400, s22;
	[tilespmem:s31+$0x20] =	vst v63  }
0x61: {  	s21 =	sshrl.u32 s12, $0x3  }
0x62: {  	s22 =	sshll.u32 s10, $0x3;
	s23 =	sshll.u32 s12, $0x7;
	s24 =	sand.u32 $0x7F, s10  }
0x63: {  	p0 =	sgt.s32 s11, $0x7F9;
	s30 =	sshra.s32 s11, $0x1F;
	s26 =	smov.u32 s10  }
0x64: {  	s27 =	sshra.s32 s10, $0x1F;
	s21 =	smul.u32 $0x4400, s21;
	s22 =	sand.u32 $0xFFFFFC00, s22  }
0x65: {  	s29 =	sand.u32 $0x380, s23;
	s23 =	sand.u32 s30, s11;
	s31 =	sand.u32 s27, s10  }
0x66: {  	s27 =	ssub.s32 $0x0, s12;
	s21 =	sadd.s32 s21, s22;
	s22 =	smov.u32 s11  }
0x67: {  	s21 =	sor.u32 s29, s21;
	s22 =	simm.s32 @!p0 $0x7F9;
	p0 =	sgt.s32 s10, $0x800  }
0x68: {  	s29 =	smul.u32 $0x1100, s11;
	s24 =	sor.u32 s24, s21;
	s22 =	ssub.s32 s22, s23  }
0x69: {  	s26 =	simm.s32 @!p0 $0x800;
	s21 =	smulhi.u32 $0xF0F0F0F1, s21;
	s23 =	sadd.s32 $0xFFFFF807, s22  }
0x6a: {  	s25 =	smulhi.u32 $0xF0F0F0F1, s24;
	s22 =	ssub.s32 $0x801, s22;
	p1 =	sgt.s32 s23, $0x7  }
0x6b: {  	s23 =	ssub.s32 s26, s31;
	s26 =	smin.u32 s12, s27;
	s21 =	sshrl.u32 s21, $0xB  }
0x6c: {  	s25 =	sshrl.u32 s25, $0xB;
	s22 =	simm.s32 @p1 $0x0;
	p0 =	sgt.s32 s26, $0xF  }
0x6d: {  	s26 =	ssub.s32 $0x10, s26;
	s21 =	sand.u32 $0xF, s21;
	s25 =	smul.u32 $0x880, s25  }
0x6e: {  	s28 =	sadd.s32 $0xFFFFF800, s23;
	s26 =	simm.s32 @p0 $0x0;
	s21 =	smul.u32 $0x110, s21  }
0x6f: {  	s23 =	ssub.s32 $0x880, s23;
	p0 =	sgt.s32 s28, $0x7F;
	s22 =	smul.u32 s26, s22  }
.Ltmp5:
0x70: {  	s23 =	simm.s32 @p0 $0x0;
	s24 =	ssub.s32 s24, s25;
	(pc) =	sbr.rel .LBB1_7-.Ltmp5, $4  }
0x71: {  	s30 =	sadd.s32 s3, s29;
	s22 =	smul.u32 s23, s22;
	s25 =	sand.u32 $0x7, s24  }
0x72: {  	s21 =	sadd.s32 s21, s30;
	s24 =	sshrl.u32 s24, $0x3;
	s31 =	sshll.u32 s25, $0x12  }
0x73: {  	s21 =	sadd.s32 s24, s21;
	s22 =	sand.u32 $0x3FFFFFFF, s22;
	s23 =	sor.u32 $0x400, s31  }
0x74: {  	[hbm4b:s21+s23] =	stream.strided.scatter [tilespmem:s20], [sflag:$0x2], s22, s8, s23, $0x38;
	[tilespmem:$0x10000] =	vst v63  }
.LBB1_8:
0x75: {  	_ =	sfence.sel $0x180000  }
0x76: {  	s2 =	simm.s32 $0x1;
	[bflag:$0x0] =	sbarrier.arrive $0xFFFF  }
0x77: {  	s31 =	simm.s32 $0x2;
	[sflag:s2] =	ssyncpa.u1 $0x1  }
0x78: {  	[sflag:s31] =	ssyncpa.u1 $0x1  }
0x79: {  	p0 =	sne.s32 s0, $0x0;
	_ =	strace $0x9000004A  }
0x7a: {  	s0 =	sadd.s32 @!p0 $0x100000, s1;
	[bflag:$0x2] =	sbarrier.arrive $0xFFFF  }
0x7b: {  	[sflag:s0] =	ssyncadd.tile.s32 @!p0 $0x1;
	_ =	shalt  }
.Lfunc_end1:
_tile_overlayer_lowered:
.L_overlay_start_2:
0x7c: {  	(tag) =	ssettag $0x2  }
0x7d: {  	s0 =	rddreg [dreg:$0x0];
	s2 =	stileid.u32  }
0x7e: {  	s1 =	rddreg [dreg:$0x1];
	p0 =	sne.s32 s2, $0x0  }
0x7f: {  	s3 =	rddreg [dreg:$0x2];
	[bflag:$0x3] =	sbarrier.arrive $0xFFFF;
	s2 =	simm.s32 @!p0 $0x1C01  }
0x80: {  	[timem:s3], [sflag:s2] =	dma.local @!p0 [hbm:s0], s1  }
0x81: {  	s0 =	simm.s32 @!p0 $0x1  }
0x82: {  	_ =	swait.ge @!p0 [sflag:s0], s1  }
0x83: {  	s1 =	ssub.s32 @!p0 $0x0, s1;
	[sflag:s0] =	ssyncset.done @!p0 $0x0  }
0x84: {  	[sflag:s0] =	ssyncadd.s32 @!p0 s1  }
0x85: {  	[bflag:$0x3] =	sbarrier.arrive $0xFFFF  }
0x86: {  	_ =	shalt  }

</sc_bundles>
